<compile_context>
chip_gen: v7x
topology: tpu7x:2x2x1
jax: 0.10.2.dev20260603
libtpu: 0.0.44.dev20260713+nightly
codegen_flags: <defaults>
</compile_context>

<pallas_src>
import functools

import jax
import jax.numpy as jnp
from jax import lax
from jax.experimental import pallas as pl
from jax.experimental.pallas import tpu as pltpu
from jax.experimental.pallas import tpu_sc as plsc

N = 10000
NPAD = 10240
E = 320000
EPAD = 327680
WIN = 128
NSUB = 16
NCORE = 2
ROWS_PER_SUB = NPAD // NSUB

_mesh = plsc.VectorSubcoreMesh(core_axis_name="c", subcore_axis_name="s")


def _deg_body(dst_hbm, zeros_hbm, ones_hbm, out_hbm, deg_sp, idx_v, ones_v, sem):
    c = lax.axis_index("c")
    s = lax.axis_index("s")
    pltpu.sync_copy(zeros_hbm.at[pl.ds(s * ROWS_PER_SUB, ROWS_PER_SUB)],
                    deg_sp.at[pl.ds(s * ROWS_PER_SUB, ROWS_PER_SUB)])
    pltpu.sync_copy(ones_hbm, ones_v)
    plsc.subcore_barrier()
    per_worker = EPAD // (NCORE * NSUB)
    base = (c * NSUB + s) * per_worker

    def win(j, _):
        pltpu.sync_copy(dst_hbm.at[pl.ds(base + j * WIN, WIN)], idx_v)
        pltpu.sync_copy(ones_v, deg_sp.at[idx_v], add=True)
        return 0

    lax.fori_loop(0, per_worker // WIN, win, 0)
    plsc.subcore_barrier()
    pltpu.sync_copy(deg_sp.at[pl.ds(s * ROWS_PER_SUB, ROWS_PER_SUB)],
                    out_hbm.at[c].at[pl.ds(s * ROWS_PER_SUB, ROWS_PER_SUB)])


_deg_kernel = pl.kernel(
    _deg_body,
    out_type=jax.ShapeDtypeStruct((NCORE, NPAD), jnp.float32),
    mesh=_mesh,
    scratch_types=[
        pltpu.VMEM_SHARED((NPAD,), jnp.float32),
        pltpu.VMEM((WIN,), jnp.int32),
        pltpu.VMEM((WIN,), jnp.float32),
        pltpu.SemaphoreType.DMA,
    ],
)


NBUF = 2
NWROW = EPAD // WIN


def _agg_pipeline(gather_ref, acc_sp, src1d, dst1d, srcidx, dstidx, rows,
                  gsem, ssem, row_base, nwin):
    def load_fire(w0, b):
        off = (w0 + b) * WIN
        pltpu.sync_copy(src1d.at[pl.ds(off, WIN)], srcidx[b])
        pltpu.sync_copy(dst1d.at[pl.ds(off, WIN)], dstidx[b])
        return pltpu.async_copy(gather_ref.at[srcidx[b]], rows[b], gsem[b])

    gd = [load_fire(row_base, b) for b in range(NBUF)]
    for b in range(NBUF):
        gd[b].wait()
        pltpu.async_copy(rows[b], acc_sp.at[dstidx[b]], ssem[b], add=True)

    def macro(j, _):
        w0 = row_base + j * NBUF
        gd2 = []
        for b in range(NBUF):
            pltpu.make_async_copy(rows[b], acc_sp.at[dstidx[b]],
                                  ssem[b]).wait()
            gd2.append(load_fire(w0, b))
        for b in range(NBUF):
            gd2[b].wait()
            pltpu.async_copy(rows[b], acc_sp.at[dstidx[b]], ssem[b], add=True)
        return 0

    lax.fori_loop(1, nwin // NBUF, macro, 0)
    for b in range(NBUF):
        pltpu.make_async_copy(rows[b], acc_sp.at[dstidx[b]], ssem[b]).wait()


def _agg_body(hs_hbm, src1d_hbm, dst1d_hbm, out_hbm, acc_sp,
              si0, si1, di0, di1, r0, r1, g0, g1, s0, s1, *, esplit):
    c = lax.axis_index("c")
    s = lax.axis_index("s")
    pltpu.sync_copy(hs_hbm.at[c].at[pl.ds(s * ROWS_PER_SUB, ROWS_PER_SUB)],
                    acc_sp.at[pl.ds(s * ROWS_PER_SUB, ROWS_PER_SUB)])
    plsc.subcore_barrier()
    if esplit:
        w = c * NSUB + s
        row_base = w * (NWROW // (NCORE * NSUB))
        nwin = NWROW // (NCORE * NSUB)
        gref = hs_hbm.at[0]
    else:
        row_base = s * (NWROW // NSUB)
        nwin = NWROW // NSUB
        gref = hs_hbm.at[c]
    _agg_pipeline(gref, acc_sp, src1d_hbm, dst1d_hbm,
                  (si0, si1), (di0, di1),
                  (r0, r1), (g0, g1), (s0, s1),
                  row_base, nwin)
    plsc.subcore_barrier()
    pltpu.sync_copy(acc_sp.at[pl.ds(s * ROWS_PER_SUB, ROWS_PER_SUB)],
                    out_hbm.at[c].at[pl.ds(s * ROWS_PER_SUB, ROWS_PER_SUB)])


def _make_agg(esplit):
    return pl.kernel(
        functools.partial(_agg_body, esplit=esplit),
        out_type=jax.ShapeDtypeStruct((NCORE, NPAD, 128), jnp.float32),
        mesh=_mesh,
        scratch_types=[
            pltpu.VMEM_SHARED((NPAD, 128), jnp.float32),
            pltpu.VMEM((WIN,), jnp.int32),
            pltpu.VMEM((WIN,), jnp.int32),
            pltpu.VMEM((WIN,), jnp.int32),
            pltpu.VMEM((WIN,), jnp.int32),
            pltpu.VMEM((WIN, 128), jnp.float32),
            pltpu.VMEM((WIN, 128), jnp.float32),
            pltpu.SemaphoreType.DMA,
            pltpu.SemaphoreType.DMA,
            pltpu.SemaphoreType.DMA,
            pltpu.SemaphoreType.DMA,
        ],
    )


_agg128 = _make_agg(False)
_agg_esplit = _make_agg(True)


BM = 2048


def _l0_body(x_ref, w_ref, dis_ref, out_ref):
    h = jnp.dot(x_ref[...], w_ref[...], preferred_element_type=jnp.float32)
    h = h * dis_ref[...]
    out_ref[0] = h[:, :128]
    out_ref[1] = h[:, 128:]


def _mid_body(agg_ref, dis_ref, b_ref, w_ref, out_ref, *, fsplit):
    t = jnp.concatenate([agg_ref[0], agg_ref[1]], axis=1)
    y = jnp.maximum(t * dis_ref[...] + b_ref[...], 0.0)
    h = jnp.dot(y, w_ref[...], preferred_element_type=jnp.float32)
    h = h * dis_ref[...]
    if fsplit:
        out_ref[0] = h[:, :128]
        out_ref[1] = h[:, 128:]
    else:
        out_ref[0] = h
        out_ref[1] = jnp.zeros_like(h)


def _final_body(agg_ref, dis_ref, b_ref, out_ref):
    t = agg_ref[0] + agg_ref[1]
    y = t * dis_ref[...] + b_ref[...]
    col = lax.broadcasted_iota(jnp.int32, y.shape, 1)
    ym = jnp.where(col < 40, y, -jnp.inf)
    m = jnp.max(ym, axis=1, keepdims=True)
    lse = jnp.log(jnp.sum(jnp.exp(ym - m), axis=1, keepdims=True)) + m
    out_ref[...] = y - lse


def _tc_l0(x, w0, dis):
    grid = (NPAD // BM,)
    return pl.pallas_call(
        _l0_body,
        grid=grid,
        in_specs=[
            pl.BlockSpec((BM, 128), lambda i: (i, 0)),
            pl.BlockSpec((128, 256), lambda i: (0, 0)),
            pl.BlockSpec((BM, 1), lambda i: (i, 0)),
        ],
        out_specs=pl.BlockSpec((NCORE, BM, 128), lambda i: (0, i, 0)),
        out_shape=jax.ShapeDtypeStruct((NCORE, NPAD, 128), jnp.float32),
    )(x, w0, dis)


def _tc_mid(agg, dis, b, w, fsplit):
    grid = (NPAD // BM,)
    kout = w.shape[1]
    return pl.pallas_call(
        functools.partial(_mid_body, fsplit=fsplit),
        grid=grid,
        in_specs=[
            pl.BlockSpec((NCORE, BM, 128), lambda i: (0, i, 0)),
            pl.BlockSpec((BM, 1), lambda i: (i, 0)),
            pl.BlockSpec((1, 256), lambda i: (0, 0)),
            pl.BlockSpec((256, kout), lambda i: (0, 0)),
        ],
        out_specs=pl.BlockSpec((NCORE, BM, 128), lambda i: (0, i, 0)),
        out_shape=jax.ShapeDtypeStruct((NCORE, NPAD, 128), jnp.float32),
    )(agg, dis, b, w)


def _tc_final(agg, dis, b):
    grid = (NPAD // BM,)
    return pl.pallas_call(
        _final_body,
        grid=grid,
        in_specs=[
            pl.BlockSpec((NCORE, BM, 128), lambda i: (0, i, 0)),
            pl.BlockSpec((BM, 1), lambda i: (i, 0)),
            pl.BlockSpec((1, 128), lambda i: (0, 0)),
        ],
        out_specs=pl.BlockSpec((BM, 128), lambda i: (i, 0)),
        out_shape=jax.ShapeDtypeStruct((NPAD, 128), jnp.float32),
    )(agg, dis, b)


def kernel(x, edge_index, W0, b0, W1, b1, W2, b2, W3, b3):
    src = edge_index[0].astype(jnp.int32)
    dst = edge_index[1].astype(jnp.int32)
    pad = N + (jnp.arange(EPAD - E, dtype=jnp.int32) % (NPAD - N))
    src_p = jnp.concatenate([src, pad])
    dst_p = jnp.concatenate([dst, pad])
    dst_flat = dst_p

    xp = jnp.pad(x, ((0, NPAD - N), (0, 0)))
    w3p = jnp.pad(W3, ((0, 0), (0, 88)))
    b3p = jnp.pad(b3, (0, 88)).reshape(1, 128)

    zeros_n = jnp.zeros((NPAD,), jnp.float32)
    ones_w = jnp.ones((WIN,), jnp.float32)

    part = _deg_kernel(dst_flat, zeros_n, ones_w)
    deg = part[0] + part[1] + 1.0
    dis = (deg ** -0.5).reshape(NPAD, 1)

    h0 = _tc_l0(xp, W0, dis)
    a0 = _agg128(h0, src_p, dst_p)
    h1 = _tc_mid(a0, dis, b0.reshape(1, 256), W1, True)
    a1 = _agg128(h1, src_p, dst_p)
    h2 = _tc_mid(a1, dis, b1.reshape(1, 256), W2, True)
    a2 = _agg128(h2, src_p, dst_p)
    h3 = _tc_mid(a2, dis, b2.reshape(1, 256), w3p, False)
    a3 = _agg_esplit(h3, src_p, dst_p)
    out = _tc_final(a3, dis, b3p)
    return out[:N, :40]

# --- scband reference (transcript-rebuilt; emitter-appended) ---
"""Pipeline reference for scband-gcn-41807211660007 (READ-ONLY COPY).

The authoritative reference and input builder live on the scoring server;
editing this copy changes nothing except your own understanding.
"""

import jax, jax.numpy as jnp
import numpy as np

N_NODES = 10000

def gcn_conv(x, src, dst, W, b):
    n = x.shape[0]
    deg = jnp.zeros((n,), dtype=x.dtype).at[dst].add(1.0)
    deg_inv_sqrt = jnp.where(deg > 0, deg ** -0.5, 0.0)
    norm = deg_inv_sqrt[src] * deg_inv_sqrt[dst]
    h = x @ W
    msg = h[src] * norm[:, None]
    out = jnp.zeros((n, W.shape[1]), dtype=x.dtype).at[dst].add(msg)
    return out + b

def setup_inputs(seed: int = 0) -> dict:
    key = jax.random.key(seed)
    ks = jax.random.split(key, 12)
    x = jax.random.normal(ks[0], (N_NODES, 128), dtype=jnp.float32)
    edge_index = jax.random.randint(ks[1], (2, 320000), 0, N_NODES, dtype=jnp.int64)
    def glorot(k, fan_in, fan_out):
        s = (6.0 / (fan_in + fan_out)) ** 0.5
        return jax.random.uniform(k, (fan_in, fan_out), dtype=jnp.float32, minval=-s, maxval=s)
    W0 = glorot(ks[2], 128, 256); b0 = jnp.zeros((256,), jnp.float32)
    W1 = glorot(ks[3], 256, 256); b1 = jnp.zeros((256,), jnp.float32)
    W2 = glorot(ks[4], 256, 256); b2 = jnp.zeros((256,), jnp.float32)
    W3 = glorot(ks[5], 256, 40);  b3 = jnp.zeros((40,), jnp.float32)
    return {"x": x, "edge_index": edge_index,
            "W0": W0, "b0": b0, "W1": W1, "b1": b1,
            "W2": W2, "b2": b2, "W3": W3, "b3": b3}

def reference(x, edge_index, W0, b0, W1, b1, W2, b2, W3, b3):
    n = x.shape[0]
    loop = jnp.arange(n, dtype=edge_index.dtype)
    src = jnp.concatenate([edge_index[0], loop])
    dst = jnp.concatenate([edge_index[1], loop])
    h = gcn_conv(x, src, dst, W0, b0)
    h = jax.nn.relu(h)
    h = gcn_conv(h, src, dst, W1, b1)
    h = jax.nn.relu(h)
    h = gcn_conv(h, src, dst, W2, b2)
    h = jax.nn.relu(h)
    h = gcn_conv(h, src, dst, W3, b3)
    return jax.nn.log_softmax(h, axis=1)

if __name__ == "__main__":
    import jax
    _d = setup_inputs()
    print(jax.jit(kernel)(*tuple(_d.values())))

</pallas_src>

<mosaic_0001>
#map = affine_map<(d0, d1) -> (0, 0, 0)>
#map1 = affine_map<(d0, d1) -> (0)>
module attributes {stable_mosaic.version = 14 : i64} {
  func.func @_agg_body(%arg0: i32, %arg1: i32, %arg2: memref<2x10240x128xf32, #tpu.memory_space<hbm>>, %arg3: memref<327680xi32, #tpu.memory_space<hbm>>, %arg4: memref<327680xi32, #tpu.memory_space<hbm>>, %arg5: memref<2x10240x128xf32, #tpu.memory_space<hbm>>, %arg6: memref<10240x128xf32, #tpu.memory_space<vmem_shared>>, %arg7: memref<128xi32, #tpu.memory_space<vmem>>, %arg8: memref<128xi32, #tpu.memory_space<vmem>>, %arg9: memref<128xi32, #tpu.memory_space<vmem>>, %arg10: memref<128xi32, #tpu.memory_space<vmem>>, %arg11: memref<128x128xf32, #tpu.memory_space<vmem>>, %arg12: memref<128x128xf32, #tpu.memory_space<vmem>>, %arg13: memref<!tpu.dma_semaphore, #tpu.memory_space<semaphore_mem>>, %arg14: memref<!tpu.dma_semaphore, #tpu.memory_space<semaphore_mem>>, %arg15: memref<!tpu.dma_semaphore, #tpu.memory_space<semaphore_mem>>, %arg16: memref<!tpu.dma_semaphore, #tpu.memory_space<semaphore_mem>>) attributes {dimension_semantics = [#tpu.dimension_semantics<core_parallel>, #tpu.dimension_semantics<subcore_parallel>], iteration_bounds = array<i64: 2, 16>, scalar_prefetch = 0 : i64, scratch_operands = 11 : i64, tpu.core_type = #tpu.core_type<sc_vector_subcore>, window_params = [{transform_indices = #map}, {transform_indices = #map1}, {transform_indices = #map1}, {transform_indices = #map}]} {
    %mul3A = arith.constant 640 : i32
    %mul3A_0 = arith.muli %arg1, %mul3A : i32
    %mul3A_1 = arith.constant 640 : i32
    %mul3A_2 = arith.muli %arg1, %mul3A_1 : i32
    "tpu.region"() ({
      %run_scoped3A = tpu.sem_alloc : memref<!tpu.dma_semaphore, #tpu.memory_space<semaphore_mem>>
      %dma_start3A_61 = arith.constant 0 : i32
      %dma_start3A_62 = tpu.memref_slice %arg6[%mul3A_2, %dma_start3A_61] : memref<10240x128xf32, #tpu.memory_space<vmem_shared>> -> memref<640x128xf32, #tpu.memory_space<vmem_shared>>
      %dma_start3A_63 = arith.constant 0 : i32
      %dma_start3A_64 = arith.constant 0 : i32
      %dma_start3A_65 = tpu.memref_slice %arg2[%arg0, %dma_start3A_63, %dma_start3A_64] : memref<2x10240x128xf32, #tpu.memory_space<hbm>> -> memref<1x10240x128xf32, #tpu.memory_space<hbm>>
      %dma_start3A_66 = tpu.memref_squeeze %dma_start3A_65 : memref<1x10240x128xf32, #tpu.memory_space<hbm>> -> memref<10240x128xf32, #tpu.memory_space<hbm>>
      %dma_start3A_67 = arith.constant 0 : i32
      %dma_start3A_68 = tpu.memref_slice %dma_start3A_66[%mul3A_0, %dma_start3A_67] : memref<10240x128xf32, #tpu.memory_space<hbm>> -> memref<640x128xf32, #tpu.memory_space<hbm>>
      tpu.enqueue_dma source(%dma_start3A_68 : memref<640x128xf32, #tpu.memory_space<hbm>>) target(%dma_start3A_62 : memref<640x128xf32, #tpu.memory_space<vmem_shared>>) target_semaphore(%run_scoped3A : memref<!tpu.dma_semaphore, #tpu.memory_space<semaphore_mem>>)
      %dma_wait3A_69 = arith.constant 0 : i32
      %dma_wait3A_70 = tpu.memref_slice %arg6[%mul3A_2, %dma_wait3A_69] : memref<10240x128xf32, #tpu.memory_space<vmem_shared>> -> memref<640x128xf32, #tpu.memory_space<vmem_shared>>
      %dma_wait3A_71 = arith.constant 0 : i32
      %dma_wait3A_72 = arith.constant 0 : i32
      %dma_wait3A_73 = tpu.memref_slice %arg2[%arg0, %dma_wait3A_71, %dma_wait3A_72] : memref<2x10240x128xf32, #tpu.memory_space<hbm>> -> memref<1x10240x128xf32, #tpu.memory_space<hbm>>
      %dma_wait3A_74 = tpu.memref_squeeze %dma_wait3A_73 : memref<1x10240x128xf32, #tpu.memory_space<hbm>> -> memref<10240x128xf32, #tpu.memory_space<hbm>>
      %dma_wait3A_75 = arith.constant 0 : i32
      %dma_wait3A_76 = tpu.memref_slice %dma_wait3A_74[%mul3A_0, %dma_wait3A_75] : memref<10240x128xf32, #tpu.memory_space<hbm>> -> memref<640x128xf32, #tpu.memory_space<hbm>>
      tpu.wait_dma2 semaphore(%run_scoped3A : memref<!tpu.dma_semaphore, #tpu.memory_space<semaphore_mem>>) src(%dma_wait3A_76 : memref<640x128xf32, #tpu.memory_space<hbm>>) dst(%dma_wait3A_70 : memref<640x128xf32, #tpu.memory_space<vmem_shared>>)
      tpu.yield
    }) : () -> ()
    %barrier3A = arith.constant 0 : index
    tpu.barrier barrier_id(%barrier3A)
    %mul3A_3 = arith.constant 160 : i32
    %mul3A_4 = arith.muli %arg1, %mul3A_3 : i32
    %add3A = arith.constant 0 : i32
    %add3A_5 = arith.addi %mul3A_4, %add3A : i32
    %mul3A_6 = arith.constant 128 : i32
    %mul3A_7 = arith.muli %add3A_5, %mul3A_6 : i32
    "tpu.region"() ({
      %run_scoped3A = tpu.sem_alloc : memref<!tpu.dma_semaphore, #tpu.memory_space<semaphore_mem>>
      %dma_start3A_61 = tpu.memref_slice %arg3[%mul3A_7] : memref<327680xi32, #tpu.memory_space<hbm>> -> memref<128xi32, #tpu.memory_space<hbm>>
      %dma_start3A_62 = tpu.memref_slice %arg3[%mul3A_7] : memref<327680xi32, #tpu.memory_space<hbm>> -> memref<128xi32, #tpu.memory_space<hbm>>
      tpu.enqueue_dma source(%dma_start3A_62 : memref<128xi32, #tpu.memory_space<hbm>>) target(%arg7 : memref<128xi32, #tpu.memory_space<vmem>>) target_semaphore(%run_scoped3A : memref<!tpu.dma_semaphore, #tpu.memory_space<semaphore_mem>>)
      %dma_wait3A_63 = tpu.memref_slice %arg3[%mul3A_7] : memref<327680xi32, #tpu.memory_space<hbm>> -> memref<128xi32, #tpu.memory_space<hbm>>
      %dma_wait3A_64 = tpu.memref_slice %arg3[%mul3A_7] : memref<327680xi32, #tpu.memory_space<hbm>> -> memref<128xi32, #tpu.memory_space<hbm>>
      tpu.wait_dma2 semaphore(%run_scoped3A : memref<!tpu.dma_semaphore, #tpu.memory_space<semaphore_mem>>) src(%dma_wait3A_64 : memref<128xi32, #tpu.memory_space<hbm>>) dst(%arg7 : memref<128xi32, #tpu.memory_space<vmem>>)
      tpu.yield
    }) : () -> ()
    "tpu.region"() ({
      %run_scoped3A = tpu.sem_alloc : memref<!tpu.dma_semaphore, #tpu.memory_space<semaphore_mem>>
      %dma_start3A_61 = tpu.memref_slice %arg4[%mul3A_7] : memref<327680xi32, #tpu.memory_space<hbm>> -> memref<128xi32, #tpu.memory_space<hbm>>
      %dma_start3A_62 = tpu.memref_slice %arg4[%mul3A_7] : memref<327680xi32, #tpu.memory_space<hbm>> -> memref<128xi32, #tpu.memory_space<hbm>>
      tpu.enqueue_dma source(%dma_start3A_62 : memref<128xi32, #tpu.memory_space<hbm>>) target(%arg9 : memref<128xi32, #tpu.memory_space<vmem>>) target_semaphore(%run_scoped3A : memref<!tpu.dma_semaphore, #tpu.memory_space<semaphore_mem>>)
      %dma_wait3A_63 = tpu.memref_slice %arg4[%mul3A_7] : memref<327680xi32, #tpu.memory_space<hbm>> -> memref<128xi32, #tpu.memory_space<hbm>>
      %dma_wait3A_64 = tpu.memref_slice %arg4[%mul3A_7] : memref<327680xi32, #tpu.memory_space<hbm>> -> memref<128xi32, #tpu.memory_space<hbm>>
      tpu.wait_dma2 semaphore(%run_scoped3A : memref<!tpu.dma_semaphore, #tpu.memory_space<semaphore_mem>>) src(%dma_wait3A_64 : memref<128xi32, #tpu.memory_space<hbm>>) dst(%arg9 : memref<128xi32, #tpu.memory_space<vmem>>)
      tpu.yield
    }) : () -> ()
    %dma_start3A = arith.constant 0 : i32
    %dma_start3A_8 = arith.constant 0 : i32
    %dma_start3A_9 = tpu.memref_slice %arg2[%arg0, %dma_start3A, %dma_start3A_8] : memref<2x10240x128xf32, #tpu.memory_space<hbm>> -> memref<1x10240x128xf32, #tpu.memory_space<hbm>>
    %dma_start3A_10 = tpu.memref_squeeze %dma_start3A_9 : memref<1x10240x128xf32, #tpu.memory_space<hbm>> -> memref<10240x128xf32, #tpu.memory_space<hbm>>
    %dma_start3A_11 = arith.constant 0 : i32
    %dma_start3A_12 = arith.constant 0 : i32
    %dma_start3A_13 = tpu.memref_slice %dma_start3A_10[%dma_start3A_11, %dma_start3A_12] : memref<10240x128xf32, #tpu.memory_space<hbm>> -> memref<10240x128xf32, #tpu.memory_space<hbm>>
    tpu.enqueue_indirect_dma source(%dma_start3A_13 : memref<10240x128xf32, #tpu.memory_space<hbm>>) target(%arg11 : memref<128x128xf32, #tpu.memory_space<vmem>>) offsets(%arg7 : memref<128xi32, #tpu.memory_space<vmem>>) semaphore(%arg13 : memref<!tpu.dma_semaphore, #tpu.memory_space<semaphore_mem>>)
    %add3A_14 = arith.constant 1 : i32
    %add3A_15 = arith.addi %mul3A_4, %add3A_14 : i32
    %mul3A_16 = arith.constant 128 : i32
    %mul3A_17 = arith.muli %add3A_15, %mul3A_16 : i32
    "tpu.region"() ({
      %run_scoped3A = tpu.sem_alloc : memref<!tpu.dma_semaphore, #tpu.memory_space<semaphore_mem>>
      %dma_start3A_61 = tpu.memref_slice %arg3[%mul3A_17] : memref<327680xi32, #tpu.memory_space<hbm>> -> memref<128xi32, #tpu.memory_space<hbm>>
      %dma_start3A_62 = tpu.memref_slice %arg3[%mul3A_17] : memref<327680xi32, #tpu.memory_space<hbm>> -> memref<128xi32, #tpu.memory_space<hbm>>
      tpu.enqueue_dma source(%dma_start3A_62 : memref<128xi32, #tpu.memory_space<hbm>>) target(%arg8 : memref<128xi32, #tpu.memory_space<vmem>>) target_semaphore(%run_scoped3A : memref<!tpu.dma_semaphore, #tpu.memory_space<semaphore_mem>>)
      %dma_wait3A_63 = tpu.memref_slice %arg3[%mul3A_17] : memref<327680xi32, #tpu.memory_space<hbm>> -> memref<128xi32, #tpu.memory_space<hbm>>
      %dma_wait3A_64 = tpu.memref_slice %arg3[%mul3A_17] : memref<327680xi32, #tpu.memory_space<hbm>> -> memref<128xi32, #tpu.memory_space<hbm>>
      tpu.wait_dma2 semaphore(%run_scoped3A : memref<!tpu.dma_semaphore, #tpu.memory_space<semaphore_mem>>) src(%dma_wait3A_64 : memref<128xi32, #tpu.memory_space<hbm>>) dst(%arg8 : memref<128xi32, #tpu.memory_space<vmem>>)
      tpu.yield
    }) : () -> ()
    "tpu.region"() ({
      %run_scoped3A = tpu.sem_alloc : memref<!tpu.dma_semaphore, #tpu.memory_space<semaphore_mem>>
      %dma_start3A_61 = tpu.memref_slice %arg4[%mul3A_17] : memref<327680xi32, #tpu.memory_space<hbm>> -> memref<128xi32, #tpu.memory_space<hbm>>
      %dma_start3A_62 = tpu.memref_slice %arg4[%mul3A_17] : memref<327680xi32, #tpu.memory_space<hbm>> -> memref<128xi32, #tpu.memory_space<hbm>>
      tpu.enqueue_dma source(%dma_start3A_62 : memref<128xi32, #tpu.memory_space<hbm>>) target(%arg10 : memref<128xi32, #tpu.memory_space<vmem>>) target_semaphore(%run_scoped3A : memref<!tpu.dma_semaphore, #tpu.memory_space<semaphore_mem>>)
      %dma_wait3A_63 = tpu.memref_slice %arg4[%mul3A_17] : memref<327680xi32, #tpu.memory_space<hbm>> -> memref<128xi32, #tpu.memory_space<hbm>>
      %dma_wait3A_64 = tpu.memref_slice %arg4[%mul3A_17] : memref<327680xi32, #tpu.memory_space<hbm>> -> memref<128xi32, #tpu.memory_space<hbm>>
      tpu.wait_dma2 semaphore(%run_scoped3A : memref<!tpu.dma_semaphore, #tpu.memory_space<semaphore_mem>>) src(%dma_wait3A_64 : memref<128xi32, #tpu.memory_space<hbm>>) dst(%arg10 : memref<128xi32, #tpu.memory_space<vmem>>)
      tpu.yield
    }) : () -> ()
    %dma_start3A_18 = arith.constant 0 : i32
    %dma_start3A_19 = arith.constant 0 : i32
    %dma_start3A_20 = tpu.memref_slice %arg2[%arg0, %dma_start3A_18, %dma_start3A_19] : memref<2x10240x128xf32, #tpu.memory_space<hbm>> -> memref<1x10240x128xf32, #tpu.memory_space<hbm>>
    %dma_start3A_21 = tpu.memref_squeeze %dma_start3A_20 : memref<1x10240x128xf32, #tpu.memory_space<hbm>> -> memref<10240x128xf32, #tpu.memory_space<hbm>>
    %dma_start3A_22 = arith.constant 0 : i32
    %dma_start3A_23 = arith.constant 0 : i32
    %dma_start3A_24 = tpu.memref_slice %dma_start3A_21[%dma_start3A_22, %dma_start3A_23] : memref<10240x128xf32, #tpu.memory_space<hbm>> -> memref<10240x128xf32, #tpu.memory_space<hbm>>
    tpu.enqueue_indirect_dma source(%dma_start3A_24 : memref<10240x128xf32, #tpu.memory_space<hbm>>) target(%arg12 : memref<128x128xf32, #tpu.memory_space<vmem>>) offsets(%arg8 : memref<128xi32, #tpu.memory_space<vmem>>) semaphore(%arg14 : memref<!tpu.dma_semaphore, #tpu.memory_space<semaphore_mem>>)
    %dma_wait3A = arith.constant 0 : i32
    %dma_wait3A_25 = arith.constant 0 : i32
    %dma_wait3A_26 = tpu.memref_slice %arg2[%arg0, %dma_wait3A, %dma_wait3A_25] : memref<2x10240x128xf32, #tpu.memory_space<hbm>> -> memref<1x10240x128xf32, #tpu.memory_space<hbm>>
    %dma_wait3A_27 = tpu.memref_squeeze %dma_wait3A_26 : memref<1x10240x128xf32, #tpu.memory_space<hbm>> -> memref<10240x128xf32, #tpu.memory_space<hbm>>
    %dma_wait3A_28 = arith.constant 0 : i32
    %dma_wait3A_29 = arith.constant 0 : i32
    %dma_wait3A_30 = tpu.memref_slice %dma_wait3A_27[%dma_wait3A_28, %dma_wait3A_29] : memref<10240x128xf32, #tpu.memory_space<hbm>> -> memref<10240x128xf32, #tpu.memory_space<hbm>>
    tpu.wait_indirect_dma semaphore(%arg13 : memref<!tpu.dma_semaphore, #tpu.memory_space<semaphore_mem>>) src(%dma_wait3A_30 : memref<10240x128xf32, #tpu.memory_space<hbm>>) dst(%arg11 : memref<128x128xf32, #tpu.memory_space<vmem>>)
    %dma_start3A_31 = arith.constant 0 : i32
    %dma_start3A_32 = arith.constant 0 : i32
    %dma_start3A_33 = tpu.memref_slice %arg6[%dma_start3A_31, %dma_start3A_32] : memref<10240x128xf32, #tpu.memory_space<vmem_shared>> -> memref<10240x128xf32, #tpu.memory_space<vmem_shared>>
    tpu.enqueue_indirect_dma source(%arg11 : memref<128x128xf32, #tpu.memory_space<vmem>>) target(%dma_start3A_33 : memref<10240x128xf32, #tpu.memory_space<vmem_shared>>) offsets(%arg9 : memref<128xi32, #tpu.memory_space<vmem>>) semaphore(%arg15 : memref<!tpu.dma_semaphore, #tpu.memory_space<semaphore_mem>>) {add = true}
    %dma_wait3A_34 = arith.constant 0 : i32
    %dma_wait3A_35 = arith.constant 0 : i32
    %dma_wait3A_36 = tpu.memref_slice %arg2[%arg0, %dma_wait3A_34, %dma_wait3A_35] : memref<2x10240x128xf32, #tpu.memory_space<hbm>> -> memref<1x10240x128xf32, #tpu.memory_space<hbm>>
    %dma_wait3A_37 = tpu.memref_squeeze %dma_wait3A_36 : memref<1x10240x128xf32, #tpu.memory_space<hbm>> -> memref<10240x128xf32, #tpu.memory_space<hbm>>
    %dma_wait3A_38 = arith.constant 0 : i32
    %dma_wait3A_39 = arith.constant 0 : i32
    %dma_wait3A_40 = tpu.memref_slice %dma_wait3A_37[%dma_wait3A_38, %dma_wait3A_39] : memref<10240x128xf32, #tpu.memory_space<hbm>> -> memref<10240x128xf32, #tpu.memory_space<hbm>>
    tpu.wait_indirect_dma semaphore(%arg14 : memref<!tpu.dma_semaphore, #tpu.memory_space<semaphore_mem>>) src(%dma_wait3A_40 : memref<10240x128xf32, #tpu.memory_space<hbm>>) dst(%arg12 : memref<128x128xf32, #tpu.memory_space<vmem>>)
    %dma_start3A_41 = arith.constant 0 : i32
    %dma_start3A_42 = arith.constant 0 : i32
    %dma_start3A_43 = tpu.memref_slice %arg6[%dma_start3A_41, %dma_start3A_42] : memref<10240x128xf32, #tpu.memory_space<vmem_shared>> -> memref<10240x128xf32, #tpu.memory_space<vmem_shared>>
    tpu.enqueue_indirect_dma source(%arg12 : memref<128x128xf32, #tpu.memory_space<vmem>>) target(%dma_start3A_43 : memref<10240x128xf32, #tpu.memory_space<vmem_shared>>) offsets(%arg10 : memref<128xi32, #tpu.memory_space<vmem>>) semaphore(%arg16 : memref<!tpu.dma_semaphore, #tpu.memory_space<semaphore_mem>>) {add = true}
    %scan3A = arith.constant 0 : i32
    %scan3A_44 = arith.constant 1 : i32
    %scan3A_45 = arith.constant 79 : i32
    %scan3A_46 = arith.addi %scan3A_44, %scan3A_45 : i32
    %scan3A_47 = arith.constant 1 : i32
    %scan3A_48 = scf.for %scan3A_61 = %scan3A_44 to %scan3A_46 step %scan3A_47 iter_args(%scan3A_62 = %scan3A) -> (i32)  : i32 {
      %mul3A_63 = arith.constant 2 : i32
      %mul3A_64 = arith.muli %scan3A_61, %mul3A_63 : i32
      %add3A_65 = arith.addi %mul3A_4, %mul3A_64 : i32
      %dma_wait3A_66 = arith.constant 0 : i32
      %dma_wait3A_67 = arith.constant 0 : i32
      %dma_wait3A_68 = tpu.memref_slice %arg6[%dma_wait3A_66, %dma_wait3A_67] : memref<10240x128xf32, #tpu.memory_space<vmem_shared>> -> memref<10240x128xf32, #tpu.memory_space<vmem_shared>>
      tpu.wait_indirect_dma semaphore(%arg15 : memref<!tpu.dma_semaphore, #tpu.memory_space<semaphore_mem>>) src(%arg11 : memref<128x128xf32, #tpu.memory_space<vmem>>) dst(%dma_wait3A_68 : memref<10240x128xf32, #tpu.memory_space<vmem_shared>>)
      %add3A_69 = arith.constant 0 : i32
      %add3A_70 = arith.addi %add3A_65, %add3A_69 : i32
      %mul3A_71 = arith.constant 128 : i32
      %mul3A_72 = arith.muli %add3A_70, %mul3A_71 : i32
      "tpu.region"() ({
        %run_scoped3A = tpu.sem_alloc : memref<!tpu.dma_semaphore, #tpu.memory_space<semaphore_mem>>
        %dma_start3A_115 = tpu.memref_slice %arg3[%mul3A_72] : memref<327680xi32, #tpu.memory_space<hbm>> -> memref<128xi32, #tpu.memory_space<hbm>>
        %dma_start3A_116 = tpu.memref_slice %arg3[%mul3A_72] : memref<327680xi32, #tpu.memory_space<hbm>> -> memref<128xi32, #tpu.memory_space<hbm>>
        tpu.enqueue_dma source(%dma_start3A_116 : memref<128xi32, #tpu.memory_space<hbm>>) target(%arg7 : memref<128xi32, #tpu.memory_space<vmem>>) target_semaphore(%run_scoped3A : memref<!tpu.dma_semaphore, #tpu.memory_space<semaphore_mem>>)
        %dma_wait3A_117 = tpu.memref_slice %arg3[%mul3A_72] : memref<327680xi32, #tpu.memory_space<hbm>> -> memref<128xi32, #tpu.memory_space<hbm>>
        %dma_wait3A_118 = tpu.memref_slice %arg3[%mul3A_72] : memref<327680xi32, #tpu.memory_space<hbm>> -> memref<128xi32, #tpu.memory_space<hbm>>
        tpu.wait_dma2 semaphore(%run_scoped3A : memref<!tpu.dma_semaphore, #tpu.memory_space<semaphore_mem>>) src(%dma_wait3A_118 : memref<128xi32, #tpu.memory_space<hbm>>) dst(%arg7 : memref<128xi32, #tpu.memory_space<vmem>>)
        tpu.yield
      }) : () -> ()
      "tpu.region"() ({
        %run_scoped3A = tpu.sem_alloc : memref<!tpu.dma_semaphore, #tpu.memory_space<semaphore_mem>>
        %dma_start3A_115 = tpu.memref_slice %arg4[%mul3A_72] : memref<327680xi32, #tpu.memory_space<hbm>> -> memref<128xi32, #tpu.memory_space<hbm>>
        %dma_start3A_116 = tpu.memref_slice %arg4[%mul3A_72] : memref<327680xi32, #tpu.memory_space<hbm>> -> memref<128xi32, #tpu.memory_space<hbm>>
        tpu.enqueue_dma source(%dma_start3A_116 : memref<128xi32, #tpu.memory_space<hbm>>) target(%arg9 : memref<128xi32, #tpu.memory_space<vmem>>) target_semaphore(%run_scoped3A : memref<!tpu.dma_semaphore, #tpu.memory_space<semaphore_mem>>)
        %dma_wait3A_117 = tpu.memref_slice %arg4[%mul3A_72] : memref<327680xi32, #tpu.memory_space<hbm>> -> memref<128xi32, #tpu.memory_space<hbm>>
        %dma_wait3A_118 = tpu.memref_slice %arg4[%mul3A_72] : memref<327680xi32, #tpu.memory_space<hbm>> -> memref<128xi32, #tpu.memory_space<hbm>>
        tpu.wait_dma2 semaphore(%run_scoped3A : memref<!tpu.dma_semaphore, #tpu.memory_space<semaphore_mem>>) src(%dma_wait3A_118 : memref<128xi32, #tpu.memory_space<hbm>>) dst(%arg9 : memref<128xi32, #tpu.memory_space<vmem>>)
        tpu.yield
      }) : () -> ()
      %dma_start3A_73 = arith.constant 0 : i32
      %dma_start3A_74 = arith.constant 0 : i32
      %dma_start3A_75 = tpu.memref_slice %arg2[%arg0, %dma_start3A_73, %dma_start3A_74] : memref<2x10240x128xf32, #tpu.memory_space<hbm>> -> memref<1x10240x128xf32, #tpu.memory_space<hbm>>
      %dma_start3A_76 = tpu.memref_squeeze %dma_start3A_75 : memref<1x10240x128xf32, #tpu.memory_space<hbm>> -> memref<10240x128xf32, #tpu.memory_space<hbm>>
      %dma_start3A_77 = arith.constant 0 : i32
      %dma_start3A_78 = arith.constant 0 : i32
      %dma_start3A_79 = tpu.memref_slice %dma_start3A_76[%dma_start3A_77, %dma_start3A_78] : memref<10240x128xf32, #tpu.memory_space<hbm>> -> memref<10240x128xf32, #tpu.memory_space<hbm>>
      tpu.enqueue_indirect_dma source(%dma_start3A_79 : memref<10240x128xf32, #tpu.memory_space<hbm>>) target(%arg11 : memref<128x128xf32, #tpu.memory_space<vmem>>) offsets(%arg7 : memref<128xi32, #tpu.memory_space<vmem>>) semaphore(%arg13 : memref<!tpu.dma_semaphore, #tpu.memory_space<semaphore_mem>>)
      %dma_wait3A_80 = arith.constant 0 : i32
      %dma_wait3A_81 = arith.constant 0 : i32
      %dma_wait3A_82 = tpu.memref_slice %arg6[%dma_wait3A_80, %dma_wait3A_81] : memref<10240x128xf32, #tpu.memory_space<vmem_shared>> -> memref<10240x128xf32, #tpu.memory_space<vmem_shared>>
      tpu.wait_indirect_dma semaphore(%arg16 : memref<!tpu.dma_semaphore, #tpu.memory_space<semaphore_mem>>) src(%arg12 : memref<128x128xf32, #tpu.memory_space<vmem>>) dst(%dma_wait3A_82 : memref<10240x128xf32, #tpu.memory_space<vmem_shared>>)
      %add3A_83 = arith.constant 1 : i32
      %add3A_84 = arith.addi %add3A_65, %add3A_83 : i32
      %mul3A_85 = arith.constant 128 : i32
      %mul3A_86 = arith.muli %add3A_84, %mul3A_85 : i32
      "tpu.region"() ({
        %run_scoped3A = tpu.sem_alloc : memref<!tpu.dma_semaphore, #tpu.memory_space<semaphore_mem>>
        %dma_start3A_115 = tpu.memref_slice %arg3[%mul3A_86] : memref<327680xi32, #tpu.memory_space<hbm>> -> memref<128xi32, #tpu.memory_space<hbm>>
        %dma_start3A_116 = tpu.memref_slice %arg3[%mul3A_86] : memref<327680xi32, #tpu.memory_space<hbm>> -> memref<128xi32, #tpu.memory_space<hbm>>
        tpu.enqueue_dma source(%dma_start3A_116 : memref<128xi32, #tpu.memory_space<hbm>>) target(%arg8 : memref<128xi32, #tpu.memory_space<vmem>>) target_semaphore(%run_scoped3A : memref<!tpu.dma_semaphore, #tpu.memory_space<semaphore_mem>>)
        %dma_wait3A_117 = tpu.memref_slice %arg3[%mul3A_86] : memref<327680xi32, #tpu.memory_space<hbm>> -> memref<128xi32, #tpu.memory_space<hbm>>
        %dma_wait3A_118 = tpu.memref_slice %arg3[%mul3A_86] : memref<327680xi32, #tpu.memory_space<hbm>> -> memref<128xi32, #tpu.memory_space<hbm>>
        tpu.wait_dma2 semaphore(%run_scoped3A : memref<!tpu.dma_semaphore, #tpu.memory_space<semaphore_mem>>) src(%dma_wait3A_118 : memref<128xi32, #tpu.memory_space<hbm>>) dst(%arg8 : memref<128xi32, #tpu.memory_space<vmem>>)
        tpu.yield
      }) : () -> ()
      "tpu.region"() ({
        %run_scoped3A = tpu.sem_alloc : memref<!tpu.dma_semaphore, #tpu.memory_space<semaphore_mem>>
        %dma_start3A_115 = tpu.memref_slice %arg4[%mul3A_86] : memref<327680xi32, #tpu.memory_space<hbm>> -> memref<128xi32, #tpu.memory_space<hbm>>
        %dma_start3A_116 = tpu.memref_slice %arg4[%mul3A_86] : memref<327680xi32, #tpu.memory_space<hbm>> -> memref<128xi32, #tpu.memory_space<hbm>>
        tpu.enqueue_dma source(%dma_start3A_116 : memref<128xi32, #tpu.memory_space<hbm>>) target(%arg10 : memref<128xi32, #tpu.memory_space<vmem>>) target_semaphore(%run_scoped3A : memref<!tpu.dma_semaphore, #tpu.memory_space<semaphore_mem>>)
        %dma_wait3A_117 = tpu.memref_slice %arg4[%mul3A_86] : memref<327680xi32, #tpu.memory_space<hbm>> -> memref<128xi32, #tpu.memory_space<hbm>>
        %dma_wait3A_118 = tpu.memref_slice %arg4[%mul3A_86] : memref<327680xi32, #tpu.memory_space<hbm>> -> memref<128xi32, #tpu.memory_space<hbm>>
        tpu.wait_dma2 semaphore(%run_scoped3A : memref<!tpu.dma_semaphore, #tpu.memory_space<semaphore_mem>>) src(%dma_wait3A_118 : memref<128xi32, #tpu.memory_space<hbm>>) dst(%arg10 : memref<128xi32, #tpu.memory_space<vmem>>)
        tpu.yield
      }) : () -> ()
      %dma_start3A_87 = arith.constant 0 : i32
      %dma_start3A_88 = arith.constant 0 : i32
      %dma_start3A_89 = tpu.memref_slice %arg2[%arg0, %dma_start3A_87, %dma_start3A_88] : memref<2x10240x128xf32, #tpu.memory_space<hbm>> -> memref<1x10240x128xf32, #tpu.memory_space<hbm>>
      %dma_start3A_90 = tpu.memref_squeeze %dma_start3A_89 : memref<1x10240x128xf32, #tpu.memory_space<hbm>> -> memref<10240x128xf32, #tpu.memory_space<hbm>>
      %dma_start3A_91 = arith.constant 0 : i32
      %dma_start3A_92 = arith.constant 0 : i32
      %dma_start3A_93 = tpu.memref_slice %dma_start3A_90[%dma_start3A_91, %dma_start3A_92] : memref<10240x128xf32, #tpu.memory_space<hbm>> -> memref<10240x128xf32, #tpu.memory_space<hbm>>
      tpu.enqueue_indirect_dma source(%dma_start3A_93 : memref<10240x128xf32, #tpu.memory_space<hbm>>) target(%arg12 : memref<128x128xf32, #tpu.memory_space<vmem>>) offsets(%arg8 : memref<128xi32, #tpu.memory_space<vmem>>) semaphore(%arg14 : memref<!tpu.dma_semaphore, #tpu.memory_space<semaphore_mem>>)
      %dma_wait3A_94 = arith.constant 0 : i32
      %dma_wait3A_95 = arith.constant 0 : i32
      %dma_wait3A_96 = tpu.memref_slice %arg2[%arg0, %dma_wait3A_94, %dma_wait3A_95] : memref<2x10240x128xf32, #tpu.memory_space<hbm>> -> memref<1x10240x128xf32, #tpu.memory_space<hbm>>
      %dma_wait3A_97 = tpu.memref_squeeze %dma_wait3A_96 : memref<1x10240x128xf32, #tpu.memory_space<hbm>> -> memref<10240x128xf32, #tpu.memory_space<hbm>>
      %dma_wait3A_98 = arith.constant 0 : i32
      %dma_wait3A_99 = arith.constant 0 : i32
      %dma_wait3A_100 = tpu.memref_slice %dma_wait3A_97[%dma_wait3A_98, %dma_wait3A_99] : memref<10240x128xf32, #tpu.memory_space<hbm>> -> memref<10240x128xf32, #tpu.memory_space<hbm>>
      tpu.wait_indirect_dma semaphore(%arg13 : memref<!tpu.dma_semaphore, #tpu.memory_space<semaphore_mem>>) src(%dma_wait3A_100 : memref<10240x128xf32, #tpu.memory_space<hbm>>) dst(%arg11 : memref<128x128xf32, #tpu.memory_space<vmem>>)
      %dma_start3A_101 = arith.constant 0 : i32
      %dma_start3A_102 = arith.constant 0 : i32
      %dma_start3A_103 = tpu.memref_slice %arg6[%dma_start3A_101, %dma_start3A_102] : memref<10240x128xf32, #tpu.memory_space<vmem_shared>> -> memref<10240x128xf32, #tpu.memory_space<vmem_shared>>
      tpu.enqueue_indirect_dma source(%arg11 : memref<128x128xf32, #tpu.memory_space<vmem>>) target(%dma_start3A_103 : memref<10240x128xf32, #tpu.memory_space<vmem_shared>>) offsets(%arg9 : memref<128xi32, #tpu.memory_space<vmem>>) semaphore(%arg15 : memref<!tpu.dma_semaphore, #tpu.memory_space<semaphore_mem>>) {add = true}
      %dma_wait3A_104 = arith.constant 0 : i32
      %dma_wait3A_105 = arith.constant 0 : i32
      %dma_wait3A_106 = tpu.memref_slice %arg2[%arg0, %dma_wait3A_104, %dma_wait3A_105] : memref<2x10240x128xf32, #tpu.memory_space<hbm>> -> memref<1x10240x128xf32, #tpu.memory_space<hbm>>
      %dma_wait3A_107 = tpu.memref_squeeze %dma_wait3A_106 : memref<1x10240x128xf32, #tpu.memory_space<hbm>> -> memref<10240x128xf32, #tpu.memory_space<hbm>>
      %dma_wait3A_108 = arith.constant 0 : i32
      %dma_wait3A_109 = arith.constant 0 : i32
      %dma_wait3A_110 = tpu.memref_slice %dma_wait3A_107[%dma_wait3A_108, %dma_wait3A_109] : memref<10240x128xf32, #tpu.memory_space<hbm>> -> memref<10240x128xf32, #tpu.memory_space<hbm>>
      tpu.wait_indirect_dma semaphore(%arg14 : memref<!tpu.dma_semaphore, #tpu.memory_space<semaphore_mem>>) src(%dma_wait3A_110 : memref<10240x128xf32, #tpu.memory_space<hbm>>) dst(%arg12 : memref<128x128xf32, #tpu.memory_space<vmem>>)
      %dma_start3A_111 = arith.constant 0 : i32
      %dma_start3A_112 = arith.constant 0 : i32
      %dma_start3A_113 = tpu.memref_slice %arg6[%dma_start3A_111, %dma_start3A_112] : memref<10240x128xf32, #tpu.memory_space<vmem_shared>> -> memref<10240x128xf32, #tpu.memory_space<vmem_shared>>
      tpu.enqueue_indirect_dma source(%arg12 : memref<128x128xf32, #tpu.memory_space<vmem>>) target(%dma_start3A_113 : memref<10240x128xf32, #tpu.memory_space<vmem_shared>>) offsets(%arg10 : memref<128xi32, #tpu.memory_space<vmem>>) semaphore(%arg16 : memref<!tpu.dma_semaphore, #tpu.memory_space<semaphore_mem>>) {add = true}
      %scan3A_114 = arith.constant 0 : i32
      scf.yield %scan3A_114 : i32
    }
    %scan3A_49 = arith.constant 79 : i32
    %dma_wait3A_50 = arith.constant 0 : i32
    %dma_wait3A_51 = arith.constant 0 : i32
    %dma_wait3A_52 = tpu.memref_slice %arg6[%dma_wait3A_50, %dma_wait3A_51] : memref<10240x128xf32, #tpu.memory_space<vmem_shared>> -> memref<10240x128xf32, #tpu.memory_space<vmem_shared>>
    tpu.wait_indirect_dma semaphore(%arg15 : memref<!tpu.dma_semaphore, #tpu.memory_space<semaphore_mem>>) src(%arg11 : memref<128x128xf32, #tpu.memory_space<vmem>>) dst(%dma_wait3A_52 : memref<10240x128xf32, #tpu.memory_space<vmem_shared>>)
    %dma_wait3A_53 = arith.constant 0 : i32
    %dma_wait3A_54 = arith.constant 0 : i32
    %dma_wait3A_55 = tpu.memref_slice %arg6[%dma_wait3A_53, %dma_wait3A_54] : memref<10240x128xf32, #tpu.memory_space<vmem_shared>> -> memref<10240x128xf32, #tpu.memory_space<vmem_shared>>
    tpu.wait_indirect_dma semaphore(%arg16 : memref<!tpu.dma_semaphore, #tpu.memory_space<semaphore_mem>>) src(%arg12 : memref<128x128xf32, #tpu.memory_space<vmem>>) dst(%dma_wait3A_55 : memref<10240x128xf32, #tpu.memory_space<vmem_shared>>)
    %barrier3A_56 = arith.constant 0 : index
    tpu.barrier barrier_id(%barrier3A_56)
    %mul3A_57 = arith.constant 640 : i32
    %mul3A_58 = arith.muli %arg1, %mul3A_57 : i32
    %mul3A_59 = arith.constant 640 : i32
    %mul3A_60 = arith.muli %arg1, %mul3A_59 : i32
    "tpu.region"() ({
      %run_scoped3A = tpu.sem_alloc : memref<!tpu.dma_semaphore, #tpu.memory_space<semaphore_mem>>
      %dma_start3A_61 = arith.constant 0 : i32
      %dma_start3A_62 = arith.constant 0 : i32
      %dma_start3A_63 = tpu.memref_slice %arg5[%arg0, %dma_start3A_61, %dma_start3A_62] : memref<2x10240x128xf32, #tpu.memory_space<hbm>> -> memref<1x10240x128xf32, #tpu.memory_space<hbm>>
      %dma_start3A_64 = tpu.memref_squeeze %dma_start3A_63 : memref<1x10240x128xf32, #tpu.memory_space<hbm>> -> memref<10240x128xf32, #tpu.memory_space<hbm>>
      %dma_start3A_65 = arith.constant 0 : i32
      %dma_start3A_66 = tpu.memref_slice %dma_start3A_64[%mul3A_60, %dma_start3A_65] : memref<10240x128xf32, #tpu.memory_space<hbm>> -> memref<640x128xf32, #tpu.memory_space<hbm>>
      %dma_start3A_67 = arith.constant 0 : i32
      %dma_start3A_68 = tpu.memref_slice %arg6[%mul3A_58, %dma_start3A_67] : memref<10240x128xf32, #tpu.memory_space<vmem_shared>> -> memref<640x128xf32, #tpu.memory_space<vmem_shared>>
      tpu.enqueue_dma source(%dma_start3A_68 : memref<640x128xf32, #tpu.memory_space<vmem_shared>>) target(%dma_start3A_66 : memref<640x128xf32, #tpu.memory_space<hbm>>) target_semaphore(%run_scoped3A : memref<!tpu.dma_semaphore, #tpu.memory_space<semaphore_mem>>)
      %dma_wait3A_69 = arith.constant 0 : i32
      %dma_wait3A_70 = arith.constant 0 : i32
      %dma_wait3A_71 = tpu.memref_slice %arg5[%arg0, %dma_wait3A_69, %dma_wait3A_70] : memref<2x10240x128xf32, #tpu.memory_space<hbm>> -> memref<1x10240x128xf32, #tpu.memory_space<hbm>>
      %dma_wait3A_72 = tpu.memref_squeeze %dma_wait3A_71 : memref<1x10240x128xf32, #tpu.memory_space<hbm>> -> memref<10240x128xf32, #tpu.memory_space<hbm>>
      %dma_wait3A_73 = arith.constant 0 : i32
      %dma_wait3A_74 = tpu.memref_slice %dma_wait3A_72[%mul3A_60, %dma_wait3A_73] : memref<10240x128xf32, #tpu.memory_space<hbm>> -> memref<640x128xf32, #tpu.memory_space<hbm>>
      %dma_wait3A_75 = arith.constant 0 : i32
      %dma_wait3A_76 = tpu.memref_slice %arg6[%mul3A_58, %dma_wait3A_75] : memref<10240x128xf32, #tpu.memory_space<vmem_shared>> -> memref<640x128xf32, #tpu.memory_space<vmem_shared>>
      tpu.wait_dma2 semaphore(%run_scoped3A : memref<!tpu.dma_semaphore, #tpu.memory_space<semaphore_mem>>) src(%dma_wait3A_76 : memref<640x128xf32, #tpu.memory_space<vmem_shared>>) dst(%dma_wait3A_74 : memref<640x128xf32, #tpu.memory_space<hbm>>)
      tpu.yield
    }) : () -> ()
    return
  }
}

#map = affine_map<(d0, d1) -> (0)>
#map1 = affine_map<(d0, d1) -> (0, 0)>
module attributes {stable_mosaic.version = 14 : i64} {
  func.func @_deg_body(%arg0: i32, %arg1: i32, %arg2: memref<327680xi32, #tpu.memory_space<hbm>>, %arg3: memref<10240xf32, #tpu.memory_space<hbm>>, %arg4: memref<128xf32, #tpu.memory_space<hbm>>, %arg5: memref<2x10240xf32, #tpu.memory_space<hbm>>, %arg6: memref<10240xf32, #tpu.memory_space<vmem_shared>>, %arg7: memref<128xi32, #tpu.memory_space<vmem>>, %arg8: memref<128xf32, #tpu.memory_space<vmem>>, %arg9: memref<!tpu.dma_semaphore, #tpu.memory_space<semaphore_mem>>) attributes {dimension_semantics = [#tpu.dimension_semantics<core_parallel>, #tpu.dimension_semantics<subcore_parallel>], iteration_bounds = array<i64: 2, 16>, scalar_prefetch = 0 : i64, scratch_operands = 4 : i64, tpu.core_type = #tpu.core_type<sc_vector_subcore>, window_params = [{transform_indices = #map}, {transform_indices = #map}, {transform_indices = #map}, {transform_indices = #map1}]} {
    %mul3A = arith.constant 640 : i32
    %mul3A_0 = arith.muli %arg1, %mul3A : i32
    %mul3A_1 = arith.constant 640 : i32
    %mul3A_2 = arith.muli %arg1, %mul3A_1 : i32
    "tpu.region"() ({
      %run_scoped3A = tpu.sem_alloc : memref<!tpu.dma_semaphore, #tpu.memory_space<semaphore_mem>>
      %dma_start3A = tpu.memref_slice %arg6[%mul3A_2] : memref<10240xf32, #tpu.memory_space<vmem_shared>> -> memref<640xf32, #tpu.memory_space<vmem_shared>>
      %dma_start3A_18 = tpu.memref_slice %arg3[%mul3A_0] : memref<10240xf32, #tpu.memory_space<hbm>> -> memref<640xf32, #tpu.memory_space<hbm>>
      tpu.enqueue_dma source(%dma_start3A_18 : memref<640xf32, #tpu.memory_space<hbm>>) target(%dma_start3A : memref<640xf32, #tpu.memory_space<vmem_shared>>) target_semaphore(%run_scoped3A : memref<!tpu.dma_semaphore, #tpu.memory_space<semaphore_mem>>)
      %dma_wait3A = tpu.memref_slice %arg6[%mul3A_2] : memref<10240xf32, #tpu.memory_space<vmem_shared>> -> memref<640xf32, #tpu.memory_space<vmem_shared>>
      %dma_wait3A_19 = tpu.memref_slice %arg3[%mul3A_0] : memref<10240xf32, #tpu.memory_space<hbm>> -> memref<640xf32, #tpu.memory_space<hbm>>
      tpu.wait_dma2 semaphore(%run_scoped3A : memref<!tpu.dma_semaphore, #tpu.memory_space<semaphore_mem>>) src(%dma_wait3A_19 : memref<640xf32, #tpu.memory_space<hbm>>) dst(%dma_wait3A : memref<640xf32, #tpu.memory_space<vmem_shared>>)
      tpu.yield
    }) : () -> ()
    "tpu.region"() ({
      %run_scoped3A = tpu.sem_alloc : memref<!tpu.dma_semaphore, #tpu.memory_space<semaphore_mem>>
      tpu.enqueue_dma source(%arg4 : memref<128xf32, #tpu.memory_space<hbm>>) target(%arg8 : memref<128xf32, #tpu.memory_space<vmem>>) target_semaphore(%run_scoped3A : memref<!tpu.dma_semaphore, #tpu.memory_space<semaphore_mem>>)
      tpu.wait_dma2 semaphore(%run_scoped3A : memref<!tpu.dma_semaphore, #tpu.memory_space<semaphore_mem>>) src(%arg4 : memref<128xf32, #tpu.memory_space<hbm>>) dst(%arg8 : memref<128xf32, #tpu.memory_space<vmem>>)
      tpu.yield
    }) : () -> ()
    %barrier3A = arith.constant 0 : index
    tpu.barrier barrier_id(%barrier3A)
    %mul3A_3 = arith.constant 16 : i32
    %mul3A_4 = arith.muli %arg0, %mul3A_3 : i32
    %add3A = arith.addi %mul3A_4, %arg1 : i32
    %mul3A_5 = arith.constant 10240 : i32
    %mul3A_6 = arith.muli %add3A, %mul3A_5 : i32
    %scan3A = arith.constant 0 : i32
    %scan3A_7 = arith.constant 0 : i32
    %scan3A_8 = arith.constant 80 : i32
    %scan3A_9 = arith.addi %scan3A_7, %scan3A_8 : i32
    %scan3A_10 = arith.constant 1 : i32
    %scan3A_11 = scf.for %scan3A_18 = %scan3A_7 to %scan3A_9 step %scan3A_10 iter_args(%scan3A_19 = %scan3A) -> (i32)  : i32 {
      %mul3A_20 = arith.constant 128 : i32
      %mul3A_21 = arith.muli %scan3A_18, %mul3A_20 : i32
      %add3A_22 = arith.addi %mul3A_6, %mul3A_21 : i32
      "tpu.region"() ({
        %run_scoped3A = tpu.sem_alloc : memref<!tpu.dma_semaphore, #tpu.memory_space<semaphore_mem>>
        %dma_start3A = tpu.memref_slice %arg2[%add3A_22] : memref<327680xi32, #tpu.memory_space<hbm>> -> memref<128xi32, #tpu.memory_space<hbm>>
        %dma_start3A_24 = tpu.memref_slice %arg2[%add3A_22] : memref<327680xi32, #tpu.memory_space<hbm>> -> memref<128xi32, #tpu.memory_space<hbm>>
        tpu.enqueue_dma source(%dma_start3A_24 : memref<128xi32, #tpu.memory_space<hbm>>) target(%arg7 : memref<128xi32, #tpu.memory_space<vmem>>) target_semaphore(%run_scoped3A : memref<!tpu.dma_semaphore, #tpu.memory_space<semaphore_mem>>)
        %dma_wait3A = tpu.memref_slice %arg2[%add3A_22] : memref<327680xi32, #tpu.memory_space<hbm>> -> memref<128xi32, #tpu.memory_space<hbm>>
        %dma_wait3A_25 = tpu.memref_slice %arg2[%add3A_22] : memref<327680xi32, #tpu.memory_space<hbm>> -> memref<128xi32, #tpu.memory_space<hbm>>
        tpu.wait_dma2 semaphore(%run_scoped3A : memref<!tpu.dma_semaphore, #tpu.memory_space<semaphore_mem>>) src(%dma_wait3A_25 : memref<128xi32, #tpu.memory_space<hbm>>) dst(%arg7 : memref<128xi32, #tpu.memory_space<vmem>>)
        tpu.yield
      }) : () -> ()
      "tpu.region"() ({
        %run_scoped3A = tpu.sem_alloc : memref<!tpu.dma_semaphore, #tpu.memory_space<semaphore_mem>>
        %dma_start3A = arith.constant 0 : i32
        %dma_start3A_24 = tpu.memref_slice %arg6[%dma_start3A] : memref<10240xf32, #tpu.memory_space<vmem_shared>> -> memref<10240xf32, #tpu.memory_space<vmem_shared>>
        tpu.enqueue_indirect_dma source(%arg8 : memref<128xf32, #tpu.memory_space<vmem>>) target(%dma_start3A_24 : memref<10240xf32, #tpu.memory_space<vmem_shared>>) offsets(%arg7 : memref<128xi32, #tpu.memory_space<vmem>>) semaphore(%run_scoped3A : memref<!tpu.dma_semaphore, #tpu.memory_space<semaphore_mem>>) {add = true}
        %dma_wait3A = arith.constant 0 : i32
        %dma_wait3A_25 = tpu.memref_slice %arg6[%dma_wait3A] : memref<10240xf32, #tpu.memory_space<vmem_shared>> -> memref<10240xf32, #tpu.memory_space<vmem_shared>>
        tpu.wait_indirect_dma semaphore(%run_scoped3A : memref<!tpu.dma_semaphore, #tpu.memory_space<semaphore_mem>>) src(%arg8 : memref<128xf32, #tpu.memory_space<vmem>>) dst(%dma_wait3A_25 : memref<10240xf32, #tpu.memory_space<vmem_shared>>)
        tpu.yield
      }) : () -> ()
      %scan3A_23 = arith.constant 0 : i32
      scf.yield %scan3A_23 : i32
    }
    %scan3A_12 = arith.constant 80 : i32
    %barrier3A_13 = arith.constant 0 : index
    tpu.barrier barrier_id(%barrier3A_13)
    %mul3A_14 = arith.constant 640 : i32
    %mul3A_15 = arith.muli %arg1, %mul3A_14 : i32
    %mul3A_16 = arith.constant 640 : i32
    %mul3A_17 = arith.muli %arg1, %mul3A_16 : i32
    "tpu.region"() ({
      %run_scoped3A = tpu.sem_alloc : memref<!tpu.dma_semaphore, #tpu.memory_space<semaphore_mem>>
      %dma_start3A = arith.constant 0 : i32
      %dma_start3A_18 = tpu.memref_slice %arg5[%arg0, %dma_start3A] : memref<2x10240xf32, #tpu.memory_space<hbm>> -> memref<1x10240xf32, #tpu.memory_space<hbm>>
      %dma_start3A_19 = tpu.memref_squeeze %dma_start3A_18 : memref<1x10240xf32, #tpu.memory_space<hbm>> -> memref<10240xf32, #tpu.memory_space<hbm>>
      %dma_start3A_20 = tpu.memref_slice %dma_start3A_19[%mul3A_17] : memref<10240xf32, #tpu.memory_space<hbm>> -> memref<640xf32, #tpu.memory_space<hbm>>
      %dma_start3A_21 = tpu.memref_slice %arg6[%mul3A_15] : memref<10240xf32, #tpu.memory_space<vmem_shared>> -> memref<640xf32, #tpu.memory_space<vmem_shared>>
      tpu.enqueue_dma source(%dma_start3A_21 : memref<640xf32, #tpu.memory_space<vmem_shared>>) target(%dma_start3A_20 : memref<640xf32, #tpu.memory_space<hbm>>) target_semaphore(%run_scoped3A : memref<!tpu.dma_semaphore, #tpu.memory_space<semaphore_mem>>)
      %dma_wait3A = arith.constant 0 : i32
      %dma_wait3A_22 = tpu.memref_slice %arg5[%arg0, %dma_wait3A] : memref<2x10240xf32, #tpu.memory_space<hbm>> -> memref<1x10240xf32, #tpu.memory_space<hbm>>
      %dma_wait3A_23 = tpu.memref_squeeze %dma_wait3A_22 : memref<1x10240xf32, #tpu.memory_space<hbm>> -> memref<10240xf32, #tpu.memory_space<hbm>>
      %dma_wait3A_24 = tpu.memref_slice %dma_wait3A_23[%mul3A_17] : memref<10240xf32, #tpu.memory_space<hbm>> -> memref<640xf32, #tpu.memory_space<hbm>>
      %dma_wait3A_25 = tpu.memref_slice %arg6[%mul3A_15] : memref<10240xf32, #tpu.memory_space<vmem_shared>> -> memref<640xf32, #tpu.memory_space<vmem_shared>>
      tpu.wait_dma2 semaphore(%run_scoped3A : memref<!tpu.dma_semaphore, #tpu.memory_space<semaphore_mem>>) src(%dma_wait3A_25 : memref<640xf32, #tpu.memory_space<vmem_shared>>) dst(%dma_wait3A_24 : memref<640xf32, #tpu.memory_space<hbm>>)
      tpu.yield
    }) : () -> ()
    return
  }
}

#map = affine_map<(d0, d1) -> (0, 0, 0)>
#map1 = affine_map<(d0, d1) -> (0)>
module attributes {stable_mosaic.version = 14 : i64} {
  func.func @_agg_body(%arg0: i32, %arg1: i32, %arg2: memref<2x10240x128xf32, #tpu.memory_space<hbm>>, %arg3: memref<327680xi32, #tpu.memory_space<hbm>>, %arg4: memref<327680xi32, #tpu.memory_space<hbm>>, %arg5: memref<2x10240x128xf32, #tpu.memory_space<hbm>>, %arg6: memref<10240x128xf32, #tpu.memory_space<vmem_shared>>, %arg7: memref<128xi32, #tpu.memory_space<vmem>>, %arg8: memref<128xi32, #tpu.memory_space<vmem>>, %arg9: memref<128xi32, #tpu.memory_space<vmem>>, %arg10: memref<128xi32, #tpu.memory_space<vmem>>, %arg11: memref<128x128xf32, #tpu.memory_space<vmem>>, %arg12: memref<128x128xf32, #tpu.memory_space<vmem>>, %arg13: memref<!tpu.dma_semaphore, #tpu.memory_space<semaphore_mem>>, %arg14: memref<!tpu.dma_semaphore, #tpu.memory_space<semaphore_mem>>, %arg15: memref<!tpu.dma_semaphore, #tpu.memory_space<semaphore_mem>>, %arg16: memref<!tpu.dma_semaphore, #tpu.memory_space<semaphore_mem>>) attributes {dimension_semantics = [#tpu.dimension_semantics<core_parallel>, #tpu.dimension_semantics<subcore_parallel>], iteration_bounds = array<i64: 2, 16>, scalar_prefetch = 0 : i64, scratch_operands = 11 : i64, tpu.core_type = #tpu.core_type<sc_vector_subcore>, window_params = [{transform_indices = #map}, {transform_indices = #map1}, {transform_indices = #map1}, {transform_indices = #map}]} {
    %mul3A = arith.constant 640 : i32
    %mul3A_0 = arith.muli %arg1, %mul3A : i32
    %mul3A_1 = arith.constant 640 : i32
    %mul3A_2 = arith.muli %arg1, %mul3A_1 : i32
    "tpu.region"() ({
      %run_scoped3A = tpu.sem_alloc : memref<!tpu.dma_semaphore, #tpu.memory_space<semaphore_mem>>
      %dma_start3A_61 = arith.constant 0 : i32
      %dma_start3A_62 = tpu.memref_slice %arg6[%mul3A_2, %dma_start3A_61] : memref<10240x128xf32, #tpu.memory_space<vmem_shared>> -> memref<640x128xf32, #tpu.memory_space<vmem_shared>>
      %dma_start3A_63 = arith.constant 0 : i32
      %dma_start3A_64 = arith.constant 0 : i32
      %dma_start3A_65 = tpu.memref_slice %arg2[%arg0, %dma_start3A_63, %dma_start3A_64] : memref<2x10240x128xf32, #tpu.memory_space<hbm>> -> memref<1x10240x128xf32, #tpu.memory_space<hbm>>
      %dma_start3A_66 = tpu.memref_squeeze %dma_start3A_65 : memref<1x10240x128xf32, #tpu.memory_space<hbm>> -> memref<10240x128xf32, #tpu.memory_space<hbm>>
      %dma_start3A_67 = arith.constant 0 : i32
      %dma_start3A_68 = tpu.memref_slice %dma_start3A_66[%mul3A_0, %dma_start3A_67] : memref<10240x128xf32, #tpu.memory_space<hbm>> -> memref<640x128xf32, #tpu.memory_space<hbm>>
      tpu.enqueue_dma source(%dma_start3A_68 : memref<640x128xf32, #tpu.memory_space<hbm>>) target(%dma_start3A_62 : memref<640x128xf32, #tpu.memory_space<vmem_shared>>) target_semaphore(%run_scoped3A : memref<!tpu.dma_semaphore, #tpu.memory_space<semaphore_mem>>)
      %dma_wait3A_69 = arith.constant 0 : i32
      %dma_wait3A_70 = tpu.memref_slice %arg6[%mul3A_2, %dma_wait3A_69] : memref<10240x128xf32, #tpu.memory_space<vmem_shared>> -> memref<640x128xf32, #tpu.memory_space<vmem_shared>>
      %dma_wait3A_71 = arith.constant 0 : i32
      %dma_wait3A_72 = arith.constant 0 : i32
      %dma_wait3A_73 = tpu.memref_slice %arg2[%arg0, %dma_wait3A_71, %dma_wait3A_72] : memref<2x10240x128xf32, #tpu.memory_space<hbm>> -> memref<1x10240x128xf32, #tpu.memory_space<hbm>>
      %dma_wait3A_74 = tpu.memref_squeeze %dma_wait3A_73 : memref<1x10240x128xf32, #tpu.memory_space<hbm>> -> memref<10240x128xf32, #tpu.memory_space<hbm>>
      %dma_wait3A_75 = arith.constant 0 : i32
      %dma_wait3A_76 = tpu.memref_slice %dma_wait3A_74[%mul3A_0, %dma_wait3A_75] : memref<10240x128xf32, #tpu.memory_space<hbm>> -> memref<640x128xf32, #tpu.memory_space<hbm>>
      tpu.wait_dma2 semaphore(%run_scoped3A : memref<!tpu.dma_semaphore, #tpu.memory_space<semaphore_mem>>) src(%dma_wait3A_76 : memref<640x128xf32, #tpu.memory_space<hbm>>) dst(%dma_wait3A_70 : memref<640x128xf32, #tpu.memory_space<vmem_shared>>)
      tpu.yield
    }) : () -> ()
    %barrier3A = arith.constant 0 : index
    tpu.barrier barrier_id(%barrier3A)
    %mul3A_3 = arith.constant 160 : i32
    %mul3A_4 = arith.muli %arg1, %mul3A_3 : i32
    %add3A = arith.constant 0 : i32
    %add3A_5 = arith.addi %mul3A_4, %add3A : i32
    %mul3A_6 = arith.constant 128 : i32
    %mul3A_7 = arith.muli %add3A_5, %mul3A_6 : i32
    "tpu.region"() ({
      %run_scoped3A = tpu.sem_alloc : memref<!tpu.dma_semaphore, #tpu.memory_space<semaphore_mem>>
      %dma_start3A_61 = tpu.memref_slice %arg3[%mul3A_7] : memref<327680xi32, #tpu.memory_space<hbm>> -> memref<128xi32, #tpu.memory_space<hbm>>
      %dma_start3A_62 = tpu.memref_slice %arg3[%mul3A_7] : memref<327680xi32, #tpu.memory_space<hbm>> -> memref<128xi32, #tpu.memory_space<hbm>>
      tpu.enqueue_dma source(%dma_start3A_62 : memref<128xi32, #tpu.memory_space<hbm>>) target(%arg7 : memref<128xi32, #tpu.memory_space<vmem>>) target_semaphore(%run_scoped3A : memref<!tpu.dma_semaphore, #tpu.memory_space<semaphore_mem>>)
      %dma_wait3A_63 = tpu.memref_slice %arg3[%mul3A_7] : memref<327680xi32, #tpu.memory_space<hbm>> -> memref<128xi32, #tpu.memory_space<hbm>>
      %dma_wait3A_64 = tpu.memref_slice %arg3[%mul3A_7] : memref<327680xi32, #tpu.memory_space<hbm>> -> memref<128xi32, #tpu.memory_space<hbm>>
      tpu.wait_dma2 semaphore(%run_scoped3A : memref<!tpu.dma_semaphore, #tpu.memory_space<semaphore_mem>>) src(%dma_wait3A_64 : memref<128xi32, #tpu.memory_space<hbm>>) dst(%arg7 : memref<128xi32, #tpu.memory_space<vmem>>)
      tpu.yield
    }) : () -> ()
    "tpu.region"() ({
      %run_scoped3A = tpu.sem_alloc : memref<!tpu.dma_semaphore, #tpu.memory_space<semaphore_mem>>
      %dma_start3A_61 = tpu.memref_slice %arg4[%mul3A_7] : memref<327680xi32, #tpu.memory_space<hbm>> -> memref<128xi32, #tpu.memory_space<hbm>>
      %dma_start3A_62 = tpu.memref_slice %arg4[%mul3A_7] : memref<327680xi32, #tpu.memory_space<hbm>> -> memref<128xi32, #tpu.memory_space<hbm>>
      tpu.enqueue_dma source(%dma_start3A_62 : memref<128xi32, #tpu.memory_space<hbm>>) target(%arg9 : memref<128xi32, #tpu.memory_space<vmem>>) target_semaphore(%run_scoped3A : memref<!tpu.dma_semaphore, #tpu.memory_space<semaphore_mem>>)
      %dma_wait3A_63 = tpu.memref_slice %arg4[%mul3A_7] : memref<327680xi32, #tpu.memory_space<hbm>> -> memref<128xi32, #tpu.memory_space<hbm>>
      %dma_wait3A_64 = tpu.memref_slice %arg4[%mul3A_7] : memref<327680xi32, #tpu.memory_space<hbm>> -> memref<128xi32, #tpu.memory_space<hbm>>
      tpu.wait_dma2 semaphore(%run_scoped3A : memref<!tpu.dma_semaphore, #tpu.memory_space<semaphore_mem>>) src(%dma_wait3A_64 : memref<128xi32, #tpu.memory_space<hbm>>) dst(%arg9 : memref<128xi32, #tpu.memory_space<vmem>>)
      tpu.yield
    }) : () -> ()
    %dma_start3A = arith.constant 0 : i32
    %dma_start3A_8 = arith.constant 0 : i32
    %dma_start3A_9 = tpu.memref_slice %arg2[%arg0, %dma_start3A, %dma_start3A_8] : memref<2x10240x128xf32, #tpu.memory_space<hbm>> -> memref<1x10240x128xf32, #tpu.memory_space<hbm>>
    %dma_start3A_10 = tpu.memref_squeeze %dma_start3A_9 : memref<1x10240x128xf32, #tpu.memory_space<hbm>> -> memref<10240x128xf32, #tpu.memory_space<hbm>>
    %dma_start3A_11 = arith.constant 0 : i32
    %dma_start3A_12 = arith.constant 0 : i32
    %dma_start3A_13 = tpu.memref_slice %dma_start3A_10[%dma_start3A_11, %dma_start3A_12] : memref<10240x128xf32, #tpu.memory_space<hbm>> -> memref<10240x128xf32, #tpu.memory_space<hbm>>
    tpu.enqueue_indirect_dma source(%dma_start3A_13 : memref<10240x128xf32, #tpu.memory_space<hbm>>) target(%arg11 : memref<128x128xf32, #tpu.memory_space<vmem>>) offsets(%arg7 : memref<128xi32, #tpu.memory_space<vmem>>) semaphore(%arg13 : memref<!tpu.dma_semaphore, #tpu.memory_space<semaphore_mem>>)
    %add3A_14 = arith.constant 1 : i32
    %add3A_15 = arith.addi %mul3A_4, %add3A_14 : i32
    %mul3A_16 = arith.constant 128 : i32
    %mul3A_17 = arith.muli %add3A_15, %mul3A_16 : i32
    "tpu.region"() ({
      %run_scoped3A = tpu.sem_alloc : memref<!tpu.dma_semaphore, #tpu.memory_space<semaphore_mem>>
      %dma_start3A_61 = tpu.memref_slice %arg3[%mul3A_17] : memref<327680xi32, #tpu.memory_space<hbm>> -> memref<128xi32, #tpu.memory_space<hbm>>
      %dma_start3A_62 = tpu.memref_slice %arg3[%mul3A_17] : memref<327680xi32, #tpu.memory_space<hbm>> -> memref<128xi32, #tpu.memory_space<hbm>>
      tpu.enqueue_dma source(%dma_start3A_62 : memref<128xi32, #tpu.memory_space<hbm>>) target(%arg8 : memref<128xi32, #tpu.memory_space<vmem>>) target_semaphore(%run_scoped3A : memref<!tpu.dma_semaphore, #tpu.memory_space<semaphore_mem>>)
      %dma_wait3A_63 = tpu.memref_slice %arg3[%mul3A_17] : memref<327680xi32, #tpu.memory_space<hbm>> -> memref<128xi32, #tpu.memory_space<hbm>>
      %dma_wait3A_64 = tpu.memref_slice %arg3[%mul3A_17] : memref<327680xi32, #tpu.memory_space<hbm>> -> memref<128xi32, #tpu.memory_space<hbm>>
      tpu.wait_dma2 semaphore(%run_scoped3A : memref<!tpu.dma_semaphore, #tpu.memory_space<semaphore_mem>>) src(%dma_wait3A_64 : memref<128xi32, #tpu.memory_space<hbm>>) dst(%arg8 : memref<128xi32, #tpu.memory_space<vmem>>)
      tpu.yield
    }) : () -> ()
    "tpu.region"() ({
      %run_scoped3A = tpu.sem_alloc : memref<!tpu.dma_semaphore, #tpu.memory_space<semaphore_mem>>
      %dma_start3A_61 = tpu.memref_slice %arg4[%mul3A_17] : memref<327680xi32, #tpu.memory_space<hbm>> -> memref<128xi32, #tpu.memory_space<hbm>>
      %dma_start3A_62 = tpu.memref_slice %arg4[%mul3A_17] : memref<327680xi32, #tpu.memory_space<hbm>> -> memref<128xi32, #tpu.memory_space<hbm>>
      tpu.enqueue_dma source(%dma_start3A_62 : memref<128xi32, #tpu.memory_space<hbm>>) target(%arg10 : memref<128xi32, #tpu.memory_space<vmem>>) target_semaphore(%run_scoped3A : memref<!tpu.dma_semaphore, #tpu.memory_space<semaphore_mem>>)
      %dma_wait3A_63 = tpu.memref_slice %arg4[%mul3A_17] : memref<327680xi32, #tpu.memory_space<hbm>> -> memref<128xi32, #tpu.memory_space<hbm>>
      %dma_wait3A_64 = tpu.memref_slice %arg4[%mul3A_17] : memref<327680xi32, #tpu.memory_space<hbm>> -> memref<128xi32, #tpu.memory_space<hbm>>
      tpu.wait_dma2 semaphore(%run_scoped3A : memref<!tpu.dma_semaphore, #tpu.memory_space<semaphore_mem>>) src(%dma_wait3A_64 : memref<128xi32, #tpu.memory_space<hbm>>) dst(%arg10 : memref<128xi32, #tpu.memory_space<vmem>>)
      tpu.yield
    }) : () -> ()
    %dma_start3A_18 = arith.constant 0 : i32
    %dma_start3A_19 = arith.constant 0 : i32
    %dma_start3A_20 = tpu.memref_slice %arg2[%arg0, %dma_start3A_18, %dma_start3A_19] : memref<2x10240x128xf32, #tpu.memory_space<hbm>> -> memref<1x10240x128xf32, #tpu.memory_space<hbm>>
    %dma_start3A_21 = tpu.memref_squeeze %dma_start3A_20 : memref<1x10240x128xf32, #tpu.memory_space<hbm>> -> memref<10240x128xf32, #tpu.memory_space<hbm>>
    %dma_start3A_22 = arith.constant 0 : i32
    %dma_start3A_23 = arith.constant 0 : i32
    %dma_start3A_24 = tpu.memref_slice %dma_start3A_21[%dma_start3A_22, %dma_start3A_23] : memref<10240x128xf32, #tpu.memory_space<hbm>> -> memref<10240x128xf32, #tpu.memory_space<hbm>>
    tpu.enqueue_indirect_dma source(%dma_start3A_24 : memref<10240x128xf32, #tpu.memory_space<hbm>>) target(%arg12 : memref<128x128xf32, #tpu.memory_space<vmem>>) offsets(%arg8 : memref<128xi32, #tpu.memory_space<vmem>>) semaphore(%arg14 : memref<!tpu.dma_semaphore, #tpu.memory_space<semaphore_mem>>)
    %dma_wait3A = arith.constant 0 : i32
    %dma_wait3A_25 = arith.constant 0 : i32
    %dma_wait3A_26 = tpu.memref_slice %arg2[%arg0, %dma_wait3A, %dma_wait3A_25] : memref<2x10240x128xf32, #tpu.memory_space<hbm>> -> memref<1x10240x128xf32, #tpu.memory_space<hbm>>
    %dma_wait3A_27 = tpu.memref_squeeze %dma_wait3A_26 : memref<1x10240x128xf32, #tpu.memory_space<hbm>> -> memref<10240x128xf32, #tpu.memory_space<hbm>>
    %dma_wait3A_28 = arith.constant 0 : i32
    %dma_wait3A_29 = arith.constant 0 : i32
    %dma_wait3A_30 = tpu.memref_slice %dma_wait3A_27[%dma_wait3A_28, %dma_wait3A_29] : memref<10240x128xf32, #tpu.memory_space<hbm>> -> memref<10240x128xf32, #tpu.memory_space<hbm>>
    tpu.wait_indirect_dma semaphore(%arg13 : memref<!tpu.dma_semaphore, #tpu.memory_space<semaphore_mem>>) src(%dma_wait3A_30 : memref<10240x128xf32, #tpu.memory_space<hbm>>) dst(%arg11 : memref<128x128xf32, #tpu.memory_space<vmem>>)
    %dma_start3A_31 = arith.constant 0 : i32
    %dma_start3A_32 = arith.constant 0 : i32
    %dma_start3A_33 = tpu.memref_slice %arg6[%dma_start3A_31, %dma_start3A_32] : memref<10240x128xf32, #tpu.memory_space<vmem_shared>> -> memref<10240x128xf32, #tpu.memory_space<vmem_shared>>
    tpu.enqueue_indirect_dma source(%arg11 : memref<128x128xf32, #tpu.memory_space<vmem>>) target(%dma_start3A_33 : memref<10240x128xf32, #tpu.memory_space<vmem_shared>>) offsets(%arg9 : memref<128xi32, #tpu.memory_space<vmem>>) semaphore(%arg15 : memref<!tpu.dma_semaphore, #tpu.memory_space<semaphore_mem>>) {add = true}
    %dma_wait3A_34 = arith.constant 0 : i32
    %dma_wait3A_35 = arith.constant 0 : i32
    %dma_wait3A_36 = tpu.memref_slice %arg2[%arg0, %dma_wait3A_34, %dma_wait3A_35] : memref<2x10240x128xf32, #tpu.memory_space<hbm>> -> memref<1x10240x128xf32, #tpu.memory_space<hbm>>
    %dma_wait3A_37 = tpu.memref_squeeze %dma_wait3A_36 : memref<1x10240x128xf32, #tpu.memory_space<hbm>> -> memref<10240x128xf32, #tpu.memory_space<hbm>>
    %dma_wait3A_38 = arith.constant 0 : i32
    %dma_wait3A_39 = arith.constant 0 : i32
    %dma_wait3A_40 = tpu.memref_slice %dma_wait3A_37[%dma_wait3A_38, %dma_wait3A_39] : memref<10240x128xf32, #tpu.memory_space<hbm>> -> memref<10240x128xf32, #tpu.memory_space<hbm>>
    tpu.wait_indirect_dma semaphore(%arg14 : memref<!tpu.dma_semaphore, #tpu.memory_space<semaphore_mem>>) src(%dma_wait3A_40 : memref<10240x128xf32, #tpu.memory_space<hbm>>) dst(%arg12 : memref<128x128xf32, #tpu.memory_space<vmem>>)
    %dma_start3A_41 = arith.constant 0 : i32
    %dma_start3A_42 = arith.constant 0 : i32
    %dma_start3A_43 = tpu.memref_slice %arg6[%dma_start3A_41, %dma_start3A_42] : memref<10240x128xf32, #tpu.memory_space<vmem_shared>> -> memref<10240x128xf32, #tpu.memory_space<vmem_shared>>
    tpu.enqueue_indirect_dma source(%arg12 : memref<128x128xf32, #tpu.memory_space<vmem>>) target(%dma_start3A_43 : memref<10240x128xf32, #tpu.memory_space<vmem_shared>>) offsets(%arg10 : memref<128xi32, #tpu.memory_space<vmem>>) semaphore(%arg16 : memref<!tpu.dma_semaphore, #tpu.memory_space<semaphore_mem>>) {add = true}
    %scan3A = arith.constant 0 : i32
    %scan3A_44 = arith.constant 1 : i32
    %scan3A_45 = arith.constant 79 : i32
    %scan3A_46 = arith.addi %scan3A_44, %scan3A_45 : i32
    %scan3A_47 = arith.constant 1 : i32
    %scan3A_48 = scf.for %scan3A_61 = %scan3A_44 to %scan3A_46 step %scan3A_47 iter_args(%scan3A_62 = %scan3A) -> (i32)  : i32 {
      %mul3A_63 = arith.constant 2 : i32
      %mul3A_64 = arith.muli %scan3A_61, %mul3A_63 : i32
      %add3A_65 = arith.addi %mul3A_4, %mul3A_64 : i32
      %dma_wait3A_66 = arith.constant 0 : i32
      %dma_wait3A_67 = arith.constant 0 : i32
      %dma_wait3A_68 = tpu.memref_slice %arg6[%dma_wait3A_66, %dma_wait3A_67] : memref<10240x128xf32, #tpu.memory_space<vmem_shared>> -> memref<10240x128xf32, #tpu.memory_space<vmem_shared>>
      tpu.wait_indirect_dma semaphore(%arg15 : memref<!tpu.dma_semaphore, #tpu.memory_space<semaphore_mem>>) src(%arg11 : memref<128x128xf32, #tpu.memory_space<vmem>>) dst(%dma_wait3A_68 : memref<10240x128xf32, #tpu.memory_space<vmem_shared>>)
      %add3A_69 = arith.constant 0 : i32
      %add3A_70 = arith.addi %add3A_65, %add3A_69 : i32
      %mul3A_71 = arith.constant 128 : i32
      %mul3A_72 = arith.muli %add3A_70, %mul3A_71 : i32
      "tpu.region"() ({
        %run_scoped3A = tpu.sem_alloc : memref<!tpu.dma_semaphore, #tpu.memory_space<semaphore_mem>>
        %dma_start3A_115 = tpu.memref_slice %arg3[%mul3A_72] : memref<327680xi32, #tpu.memory_space<hbm>> -> memref<128xi32, #tpu.memory_space<hbm>>
        %dma_start3A_116 = tpu.memref_slice %arg3[%mul3A_72] : memref<327680xi32, #tpu.memory_space<hbm>> -> memref<128xi32, #tpu.memory_space<hbm>>
        tpu.enqueue_dma source(%dma_start3A_116 : memref<128xi32, #tpu.memory_space<hbm>>) target(%arg7 : memref<128xi32, #tpu.memory_space<vmem>>) target_semaphore(%run_scoped3A : memref<!tpu.dma_semaphore, #tpu.memory_space<semaphore_mem>>)
        %dma_wait3A_117 = tpu.memref_slice %arg3[%mul3A_72] : memref<327680xi32, #tpu.memory_space<hbm>> -> memref<128xi32, #tpu.memory_space<hbm>>
        %dma_wait3A_118 = tpu.memref_slice %arg3[%mul3A_72] : memref<327680xi32, #tpu.memory_space<hbm>> -> memref<128xi32, #tpu.memory_space<hbm>>
        tpu.wait_dma2 semaphore(%run_scoped3A : memref<!tpu.dma_semaphore, #tpu.memory_space<semaphore_mem>>) src(%dma_wait3A_118 : memref<128xi32, #tpu.memory_space<hbm>>) dst(%arg7 : memref<128xi32, #tpu.memory_space<vmem>>)
        tpu.yield
      }) : () -> ()
      "tpu.region"() ({
        %run_scoped3A = tpu.sem_alloc : memref<!tpu.dma_semaphore, #tpu.memory_space<semaphore_mem>>
        %dma_start3A_115 = tpu.memref_slice %arg4[%mul3A_72] : memref<327680xi32, #tpu.memory_space<hbm>> -> memref<128xi32, #tpu.memory_space<hbm>>
        %dma_start3A_116 = tpu.memref_slice %arg4[%mul3A_72] : memref<327680xi32, #tpu.memory_space<hbm>> -> memref<128xi32, #tpu.memory_space<hbm>>
        tpu.enqueue_dma source(%dma_start3A_116 : memref<128xi32, #tpu.memory_space<hbm>>) target(%arg9 : memref<128xi32, #tpu.memory_space<vmem>>) target_semaphore(%run_scoped3A : memref<!tpu.dma_semaphore, #tpu.memory_space<semaphore_mem>>)
        %dma_wait3A_117 = tpu.memref_slice %arg4[%mul3A_72] : memref<327680xi32, #tpu.memory_space<hbm>> -> memref<128xi32, #tpu.memory_space<hbm>>
        %dma_wait3A_118 = tpu.memref_slice %arg4[%mul3A_72] : memref<327680xi32, #tpu.memory_space<hbm>> -> memref<128xi32, #tpu.memory_space<hbm>>
        tpu.wait_dma2 semaphore(%run_scoped3A : memref<!tpu.dma_semaphore, #tpu.memory_space<semaphore_mem>>) src(%dma_wait3A_118 : memref<128xi32, #tpu.memory_space<hbm>>) dst(%arg9 : memref<128xi32, #tpu.memory_space<vmem>>)
        tpu.yield
      }) : () -> ()
      %dma_start3A_73 = arith.constant 0 : i32
      %dma_start3A_74 = arith.constant 0 : i32
      %dma_start3A_75 = tpu.memref_slice %arg2[%arg0, %dma_start3A_73, %dma_start3A_74] : memref<2x10240x128xf32, #tpu.memory_space<hbm>> -> memref<1x10240x128xf32, #tpu.memory_space<hbm>>
      %dma_start3A_76 = tpu.memref_squeeze %dma_start3A_75 : memref<1x10240x128xf32, #tpu.memory_space<hbm>> -> memref<10240x128xf32, #tpu.memory_space<hbm>>
      %dma_start3A_77 = arith.constant 0 : i32
      %dma_start3A_78 = arith.constant 0 : i32
      %dma_start3A_79 = tpu.memref_slice %dma_start3A_76[%dma_start3A_77, %dma_start3A_78] : memref<10240x128xf32, #tpu.memory_space<hbm>> -> memref<10240x128xf32, #tpu.memory_space<hbm>>
      tpu.enqueue_indirect_dma source(%dma_start3A_79 : memref<10240x128xf32, #tpu.memory_space<hbm>>) target(%arg11 : memref<128x128xf32, #tpu.memory_space<vmem>>) offsets(%arg7 : memref<128xi32, #tpu.memory_space<vmem>>) semaphore(%arg13 : memref<!tpu.dma_semaphore, #tpu.memory_space<semaphore_mem>>)
      %dma_wait3A_80 = arith.constant 0 : i32
      %dma_wait3A_81 = arith.constant 0 : i32
      %dma_wait3A_82 = tpu.memref_slice %arg6[%dma_wait3A_80, %dma_wait3A_81] : memref<10240x128xf32, #tpu.memory_space<vmem_shared>> -> memref<10240x128xf32, #tpu.memory_space<vmem_shared>>
      tpu.wait_indirect_dma semaphore(%arg16 : memref<!tpu.dma_semaphore, #tpu.memory_space<semaphore_mem>>) src(%arg12 : memref<128x128xf32, #tpu.memory_space<vmem>>) dst(%dma_wait3A_82 : memref<10240x128xf32, #tpu.memory_space<vmem_shared>>)
      %add3A_83 = arith.constant 1 : i32
      %add3A_84 = arith.addi %add3A_65, %add3A_83 : i32
      %mul3A_85 = arith.constant 128 : i32
      %mul3A_86 = arith.muli %add3A_84, %mul3A_85 : i32
      "tpu.region"() ({
        %run_scoped3A = tpu.sem_alloc : memref<!tpu.dma_semaphore, #tpu.memory_space<semaphore_mem>>
        %dma_start3A_115 = tpu.memref_slice %arg3[%mul3A_86] : memref<327680xi32, #tpu.memory_space<hbm>> -> memref<128xi32, #tpu.memory_space<hbm>>
        %dma_start3A_116 = tpu.memref_slice %arg3[%mul3A_86] : memref<327680xi32, #tpu.memory_space<hbm>> -> memref<128xi32, #tpu.memory_space<hbm>>
        tpu.enqueue_dma source(%dma_start3A_116 : memref<128xi32, #tpu.memory_space<hbm>>) target(%arg8 : memref<128xi32, #tpu.memory_space<vmem>>) target_semaphore(%run_scoped3A : memref<!tpu.dma_semaphore, #tpu.memory_space<semaphore_mem>>)
        %dma_wait3A_117 = tpu.memref_slice %arg3[%mul3A_86] : memref<327680xi32, #tpu.memory_space<hbm>> -> memref<128xi32, #tpu.memory_space<hbm>>
        %dma_wait3A_118 = tpu.memref_slice %arg3[%mul3A_86] : memref<327680xi32, #tpu.memory_space<hbm>> -> memref<128xi32, #tpu.memory_space<hbm>>
        tpu.wait_dma2 semaphore(%run_scoped3A : memref<!tpu.dma_semaphore, #tpu.memory_space<semaphore_mem>>) src(%dma_wait3A_118 : memref<128xi32, #tpu.memory_space<hbm>>) dst(%arg8 : memref<128xi32, #tpu.memory_space<vmem>>)
        tpu.yield
      }) : () -> ()
      "tpu.region"() ({
        %run_scoped3A = tpu.sem_alloc : memref<!tpu.dma_semaphore, #tpu.memory_space<semaphore_mem>>
        %dma_start3A_115 = tpu.memref_slice %arg4[%mul3A_86] : memref<327680xi32, #tpu.memory_space<hbm>> -> memref<128xi32, #tpu.memory_space<hbm>>
        %dma_start3A_116 = tpu.memref_slice %arg4[%mul3A_86] : memref<327680xi32, #tpu.memory_space<hbm>> -> memref<128xi32, #tpu.memory_space<hbm>>
        tpu.enqueue_dma source(%dma_start3A_116 : memref<128xi32, #tpu.memory_space<hbm>>) target(%arg10 : memref<128xi32, #tpu.memory_space<vmem>>) target_semaphore(%run_scoped3A : memref<!tpu.dma_semaphore, #tpu.memory_space<semaphore_mem>>)
        %dma_wait3A_117 = tpu.memref_slice %arg4[%mul3A_86] : memref<327680xi32, #tpu.memory_space<hbm>> -> memref<128xi32, #tpu.memory_space<hbm>>
        %dma_wait3A_118 = tpu.memref_slice %arg4[%mul3A_86] : memref<327680xi32, #tpu.memory_space<hbm>> -> memref<128xi32, #tpu.memory_space<hbm>>
        tpu.wait_dma2 semaphore(%run_scoped3A : memref<!tpu.dma_semaphore, #tpu.memory_space<semaphore_mem>>) src(%dma_wait3A_118 : memref<128xi32, #tpu.memory_space<hbm>>) dst(%arg10 : memref<128xi32, #tpu.memory_space<vmem>>)
        tpu.yield
      }) : () -> ()
      %dma_start3A_87 = arith.constant 0 : i32
      %dma_start3A_88 = arith.constant 0 : i32
      %dma_start3A_89 = tpu.memref_slice %arg2[%arg0, %dma_start3A_87, %dma_start3A_88] : memref<2x10240x128xf32, #tpu.memory_space<hbm>> -> memref<1x10240x128xf32, #tpu.memory_space<hbm>>
      %dma_start3A_90 = tpu.memref_squeeze %dma_start3A_89 : memref<1x10240x128xf32, #tpu.memory_space<hbm>> -> memref<10240x128xf32, #tpu.memory_space<hbm>>
      %dma_start3A_91 = arith.constant 0 : i32
      %dma_start3A_92 = arith.constant 0 : i32
      %dma_start3A_93 = tpu.memref_slice %dma_start3A_90[%dma_start3A_91, %dma_start3A_92] : memref<10240x128xf32, #tpu.memory_space<hbm>> -> memref<10240x128xf32, #tpu.memory_space<hbm>>
      tpu.enqueue_indirect_dma source(%dma_start3A_93 : memref<10240x128xf32, #tpu.memory_space<hbm>>) target(%arg12 : memref<128x128xf32, #tpu.memory_space<vmem>>) offsets(%arg8 : memref<128xi32, #tpu.memory_space<vmem>>) semaphore(%arg14 : memref<!tpu.dma_semaphore, #tpu.memory_space<semaphore_mem>>)
      %dma_wait3A_94 = arith.constant 0 : i32
      %dma_wait3A_95 = arith.constant 0 : i32
      %dma_wait3A_96 = tpu.memref_slice %arg2[%arg0, %dma_wait3A_94, %dma_wait3A_95] : memref<2x10240x128xf32, #tpu.memory_space<hbm>> -> memref<1x10240x128xf32, #tpu.memory_space<hbm>>
      %dma_wait3A_97 = tpu.memref_squeeze %dma_wait3A_96 : memref<1x10240x128xf32, #tpu.memory_space<hbm>> -> memref<10240x128xf32, #tpu.memory_space<hbm>>
      %dma_wait3A_98 = arith.constant 0 : i32
      %dma_wait3A_99 = arith.constant 0 : i32
      %dma_wait3A_100 = tpu.memref_slice %dma_wait3A_97[%dma_wait3A_98, %dma_wait3A_99] : memref<10240x128xf32, #tpu.memory_space<hbm>> -> memref<10240x128xf32, #tpu.memory_space<hbm>>
      tpu.wait_indirect_dma semaphore(%arg13 : memref<!tpu.dma_semaphore, #tpu.memory_space<semaphore_mem>>) src(%dma_wait3A_100 : memref<10240x128xf32, #tpu.memory_space<hbm>>) dst(%arg11 : memref<128x128xf32, #tpu.memory_space<vmem>>)
      %dma_start3A_101 = arith.constant 0 : i32
      %dma_start3A_102 = arith.constant 0 : i32
      %dma_start3A_103 = tpu.memref_slice %arg6[%dma_start3A_101, %dma_start3A_102] : memref<10240x128xf32, #tpu.memory_space<vmem_shared>> -> memref<10240x128xf32, #tpu.memory_space<vmem_shared>>
      tpu.enqueue_indirect_dma source(%arg11 : memref<128x128xf32, #tpu.memory_space<vmem>>) target(%dma_start3A_103 : memref<10240x128xf32, #tpu.memory_space<vmem_shared>>) offsets(%arg9 : memref<128xi32, #tpu.memory_space<vmem>>) semaphore(%arg15 : memref<!tpu.dma_semaphore, #tpu.memory_space<semaphore_mem>>) {add = true}
      %dma_wait3A_104 = arith.constant 0 : i32
      %dma_wait3A_105 = arith.constant 0 : i32
      %dma_wait3A_106 = tpu.memref_slice %arg2[%arg0, %dma_wait3A_104, %dma_wait3A_105] : memref<2x10240x128xf32, #tpu.memory_space<hbm>> -> memref<1x10240x128xf32, #tpu.memory_space<hbm>>
      %dma_wait3A_107 = tpu.memref_squeeze %dma_wait3A_106 : memref<1x10240x128xf32, #tpu.memory_space<hbm>> -> memref<10240x128xf32, #tpu.memory_space<hbm>>
      %dma_wait3A_108 = arith.constant 0 : i32
      %dma_wait3A_109 = arith.constant 0 : i32
      %dma_wait3A_110 = tpu.memref_slice %dma_wait3A_107[%dma_wait3A_108, %dma_wait3A_109] : memref<10240x128xf32, #tpu.memory_space<hbm>> -> memref<10240x128xf32, #tpu.memory_space<hbm>>
      tpu.wait_indirect_dma semaphore(%arg14 : memref<!tpu.dma_semaphore, #tpu.memory_space<semaphore_mem>>) src(%dma_wait3A_110 : memref<10240x128xf32, #tpu.memory_space<hbm>>) dst(%arg12 : memref<128x128xf32, #tpu.memory_space<vmem>>)
      %dma_start3A_111 = arith.constant 0 : i32
      %dma_start3A_112 = arith.constant 0 : i32
      %dma_start3A_113 = tpu.memref_slice %arg6[%dma_start3A_111, %dma_start3A_112] : memref<10240x128xf32, #tpu.memory_space<vmem_shared>> -> memref<10240x128xf32, #tpu.memory_space<vmem_shared>>
      tpu.enqueue_indirect_dma source(%arg12 : memref<128x128xf32, #tpu.memory_space<vmem>>) target(%dma_start3A_113 : memref<10240x128xf32, #tpu.memory_space<vmem_shared>>) offsets(%arg10 : memref<128xi32, #tpu.memory_space<vmem>>) semaphore(%arg16 : memref<!tpu.dma_semaphore, #tpu.memory_space<semaphore_mem>>) {add = true}
      %scan3A_114 = arith.constant 0 : i32
      scf.yield %scan3A_114 : i32
    }
    %scan3A_49 = arith.constant 79 : i32
    %dma_wait3A_50 = arith.constant 0 : i32
    %dma_wait3A_51 = arith.constant 0 : i32
    %dma_wait3A_52 = tpu.memref_slice %arg6[%dma_wait3A_50, %dma_wait3A_51] : memref<10240x128xf32, #tpu.memory_space<vmem_shared>> -> memref<10240x128xf32, #tpu.memory_space<vmem_shared>>
    tpu.wait_indirect_dma semaphore(%arg15 : memref<!tpu.dma_semaphore, #tpu.memory_space<semaphore_mem>>) src(%arg11 : memref<128x128xf32, #tpu.memory_space<vmem>>) dst(%dma_wait3A_52 : memref<10240x128xf32, #tpu.memory_space<vmem_shared>>)
    %dma_wait3A_53 = arith.constant 0 : i32
    %dma_wait3A_54 = arith.constant 0 : i32
    %dma_wait3A_55 = tpu.memref_slice %arg6[%dma_wait3A_53, %dma_wait3A_54] : memref<10240x128xf32, #tpu.memory_space<vmem_shared>> -> memref<10240x128xf32, #tpu.memory_space<vmem_shared>>
    tpu.wait_indirect_dma semaphore(%arg16 : memref<!tpu.dma_semaphore, #tpu.memory_space<semaphore_mem>>) src(%arg12 : memref<128x128xf32, #tpu.memory_space<vmem>>) dst(%dma_wait3A_55 : memref<10240x128xf32, #tpu.memory_space<vmem_shared>>)
    %barrier3A_56 = arith.constant 0 : index
    tpu.barrier barrier_id(%barrier3A_56)
    %mul3A_57 = arith.constant 640 : i32
    %mul3A_58 = arith.muli %arg1, %mul3A_57 : i32
    %mul3A_59 = arith.constant 640 : i32
    %mul3A_60 = arith.muli %arg1, %mul3A_59 : i32
    "tpu.region"() ({
      %run_scoped3A = tpu.sem_alloc : memref<!tpu.dma_semaphore, #tpu.memory_space<semaphore_mem>>
      %dma_start3A_61 = arith.constant 0 : i32
      %dma_start3A_62 = arith.constant 0 : i32
      %dma_start3A_63 = tpu.memref_slice %arg5[%arg0, %dma_start3A_61, %dma_start3A_62] : memref<2x10240x128xf32, #tpu.memory_space<hbm>> -> memref<1x10240x128xf32, #tpu.memory_space<hbm>>
      %dma_start3A_64 = tpu.memref_squeeze %dma_start3A_63 : memref<1x10240x128xf32, #tpu.memory_space<hbm>> -> memref<10240x128xf32, #tpu.memory_space<hbm>>
      %dma_start3A_65 = arith.constant 0 : i32
      %dma_start3A_66 = tpu.memref_slice %dma_start3A_64[%mul3A_60, %dma_start3A_65] : memref<10240x128xf32, #tpu.memory_space<hbm>> -> memref<640x128xf32, #tpu.memory_space<hbm>>
      %dma_start3A_67 = arith.constant 0 : i32
      %dma_start3A_68 = tpu.memref_slice %arg6[%mul3A_58, %dma_start3A_67] : memref<10240x128xf32, #tpu.memory_space<vmem_shared>> -> memref<640x128xf32, #tpu.memory_space<vmem_shared>>
      tpu.enqueue_dma source(%dma_start3A_68 : memref<640x128xf32, #tpu.memory_space<vmem_shared>>) target(%dma_start3A_66 : memref<640x128xf32, #tpu.memory_space<hbm>>) target_semaphore(%run_scoped3A : memref<!tpu.dma_semaphore, #tpu.memory_space<semaphore_mem>>)
      %dma_wait3A_69 = arith.constant 0 : i32
      %dma_wait3A_70 = arith.constant 0 : i32
      %dma_wait3A_71 = tpu.memref_slice %arg5[%arg0, %dma_wait3A_69, %dma_wait3A_70] : memref<2x10240x128xf32, #tpu.memory_space<hbm>> -> memref<1x10240x128xf32, #tpu.memory_space<hbm>>
      %dma_wait3A_72 = tpu.memref_squeeze %dma_wait3A_71 : memref<1x10240x128xf32, #tpu.memory_space<hbm>> -> memref<10240x128xf32, #tpu.memory_space<hbm>>
      %dma_wait3A_73 = arith.constant 0 : i32
      %dma_wait3A_74 = tpu.memref_slice %dma_wait3A_72[%mul3A_60, %dma_wait3A_73] : memref<10240x128xf32, #tpu.memory_space<hbm>> -> memref<640x128xf32, #tpu.memory_space<hbm>>
      %dma_wait3A_75 = arith.constant 0 : i32
      %dma_wait3A_76 = tpu.memref_slice %arg6[%mul3A_58, %dma_wait3A_75] : memref<10240x128xf32, #tpu.memory_space<vmem_shared>> -> memref<640x128xf32, #tpu.memory_space<vmem_shared>>
      tpu.wait_dma2 semaphore(%run_scoped3A : memref<!tpu.dma_semaphore, #tpu.memory_space<semaphore_mem>>) src(%dma_wait3A_76 : memref<640x128xf32, #tpu.memory_space<vmem_shared>>) dst(%dma_wait3A_74 : memref<640x128xf32, #tpu.memory_space<hbm>>)
      tpu.yield
    }) : () -> ()
    return
  }
}

#map = affine_map<(d0, d1) -> (0, 0, 0)>
#map1 = affine_map<(d0, d1) -> (0)>
module attributes {stable_mosaic.version = 14 : i64} {
  func.func @_agg_body(%arg0: i32, %arg1: i32, %arg2: memref<2x10240x128xf32, #tpu.memory_space<hbm>>, %arg3: memref<327680xi32, #tpu.memory_space<hbm>>, %arg4: memref<327680xi32, #tpu.memory_space<hbm>>, %arg5: memref<2x10240x128xf32, #tpu.memory_space<hbm>>, %arg6: memref<10240x128xf32, #tpu.memory_space<vmem_shared>>, %arg7: memref<128xi32, #tpu.memory_space<vmem>>, %arg8: memref<128xi32, #tpu.memory_space<vmem>>, %arg9: memref<128xi32, #tpu.memory_space<vmem>>, %arg10: memref<128xi32, #tpu.memory_space<vmem>>, %arg11: memref<128x128xf32, #tpu.memory_space<vmem>>, %arg12: memref<128x128xf32, #tpu.memory_space<vmem>>, %arg13: memref<!tpu.dma_semaphore, #tpu.memory_space<semaphore_mem>>, %arg14: memref<!tpu.dma_semaphore, #tpu.memory_space<semaphore_mem>>, %arg15: memref<!tpu.dma_semaphore, #tpu.memory_space<semaphore_mem>>, %arg16: memref<!tpu.dma_semaphore, #tpu.memory_space<semaphore_mem>>) attributes {dimension_semantics = [#tpu.dimension_semantics<core_parallel>, #tpu.dimension_semantics<subcore_parallel>], iteration_bounds = array<i64: 2, 16>, scalar_prefetch = 0 : i64, scratch_operands = 11 : i64, tpu.core_type = #tpu.core_type<sc_vector_subcore>, window_params = [{transform_indices = #map}, {transform_indices = #map1}, {transform_indices = #map1}, {transform_indices = #map}]} {
    %mul3A = arith.constant 640 : i32
    %mul3A_0 = arith.muli %arg1, %mul3A : i32
    %mul3A_1 = arith.constant 640 : i32
    %mul3A_2 = arith.muli %arg1, %mul3A_1 : i32
    "tpu.region"() ({
      %run_scoped3A = tpu.sem_alloc : memref<!tpu.dma_semaphore, #tpu.memory_space<semaphore_mem>>
      %dma_start3A_61 = arith.constant 0 : i32
      %dma_start3A_62 = tpu.memref_slice %arg6[%mul3A_2, %dma_start3A_61] : memref<10240x128xf32, #tpu.memory_space<vmem_shared>> -> memref<640x128xf32, #tpu.memory_space<vmem_shared>>
      %dma_start3A_63 = arith.constant 0 : i32
      %dma_start3A_64 = arith.constant 0 : i32
      %dma_start3A_65 = tpu.memref_slice %arg2[%arg0, %dma_start3A_63, %dma_start3A_64] : memref<2x10240x128xf32, #tpu.memory_space<hbm>> -> memref<1x10240x128xf32, #tpu.memory_space<hbm>>
      %dma_start3A_66 = tpu.memref_squeeze %dma_start3A_65 : memref<1x10240x128xf32, #tpu.memory_space<hbm>> -> memref<10240x128xf32, #tpu.memory_space<hbm>>
      %dma_start3A_67 = arith.constant 0 : i32
      %dma_start3A_68 = tpu.memref_slice %dma_start3A_66[%mul3A_0, %dma_start3A_67] : memref<10240x128xf32, #tpu.memory_space<hbm>> -> memref<640x128xf32, #tpu.memory_space<hbm>>
      tpu.enqueue_dma source(%dma_start3A_68 : memref<640x128xf32, #tpu.memory_space<hbm>>) target(%dma_start3A_62 : memref<640x128xf32, #tpu.memory_space<vmem_shared>>) target_semaphore(%run_scoped3A : memref<!tpu.dma_semaphore, #tpu.memory_space<semaphore_mem>>)
      %dma_wait3A_69 = arith.constant 0 : i32
      %dma_wait3A_70 = tpu.memref_slice %arg6[%mul3A_2, %dma_wait3A_69] : memref<10240x128xf32, #tpu.memory_space<vmem_shared>> -> memref<640x128xf32, #tpu.memory_space<vmem_shared>>
      %dma_wait3A_71 = arith.constant 0 : i32
      %dma_wait3A_72 = arith.constant 0 : i32
      %dma_wait3A_73 = tpu.memref_slice %arg2[%arg0, %dma_wait3A_71, %dma_wait3A_72] : memref<2x10240x128xf32, #tpu.memory_space<hbm>> -> memref<1x10240x128xf32, #tpu.memory_space<hbm>>
      %dma_wait3A_74 = tpu.memref_squeeze %dma_wait3A_73 : memref<1x10240x128xf32, #tpu.memory_space<hbm>> -> memref<10240x128xf32, #tpu.memory_space<hbm>>
      %dma_wait3A_75 = arith.constant 0 : i32
      %dma_wait3A_76 = tpu.memref_slice %dma_wait3A_74[%mul3A_0, %dma_wait3A_75] : memref<10240x128xf32, #tpu.memory_space<hbm>> -> memref<640x128xf32, #tpu.memory_space<hbm>>
      tpu.wait_dma2 semaphore(%run_scoped3A : memref<!tpu.dma_semaphore, #tpu.memory_space<semaphore_mem>>) src(%dma_wait3A_76 : memref<640x128xf32, #tpu.memory_space<hbm>>) dst(%dma_wait3A_70 : memref<640x128xf32, #tpu.memory_space<vmem_shared>>)
      tpu.yield
    }) : () -> ()
    %barrier3A = arith.constant 0 : index
    tpu.barrier barrier_id(%barrier3A)
    %mul3A_3 = arith.constant 160 : i32
    %mul3A_4 = arith.muli %arg1, %mul3A_3 : i32
    %add3A = arith.constant 0 : i32
    %add3A_5 = arith.addi %mul3A_4, %add3A : i32
    %mul3A_6 = arith.constant 128 : i32
    %mul3A_7 = arith.muli %add3A_5, %mul3A_6 : i32
    "tpu.region"() ({
      %run_scoped3A = tpu.sem_alloc : memref<!tpu.dma_semaphore, #tpu.memory_space<semaphore_mem>>
      %dma_start3A_61 = tpu.memref_slice %arg3[%mul3A_7] : memref<327680xi32, #tpu.memory_space<hbm>> -> memref<128xi32, #tpu.memory_space<hbm>>
      %dma_start3A_62 = tpu.memref_slice %arg3[%mul3A_7] : memref<327680xi32, #tpu.memory_space<hbm>> -> memref<128xi32, #tpu.memory_space<hbm>>
      tpu.enqueue_dma source(%dma_start3A_62 : memref<128xi32, #tpu.memory_space<hbm>>) target(%arg7 : memref<128xi32, #tpu.memory_space<vmem>>) target_semaphore(%run_scoped3A : memref<!tpu.dma_semaphore, #tpu.memory_space<semaphore_mem>>)
      %dma_wait3A_63 = tpu.memref_slice %arg3[%mul3A_7] : memref<327680xi32, #tpu.memory_space<hbm>> -> memref<128xi32, #tpu.memory_space<hbm>>
      %dma_wait3A_64 = tpu.memref_slice %arg3[%mul3A_7] : memref<327680xi32, #tpu.memory_space<hbm>> -> memref<128xi32, #tpu.memory_space<hbm>>
      tpu.wait_dma2 semaphore(%run_scoped3A : memref<!tpu.dma_semaphore, #tpu.memory_space<semaphore_mem>>) src(%dma_wait3A_64 : memref<128xi32, #tpu.memory_space<hbm>>) dst(%arg7 : memref<128xi32, #tpu.memory_space<vmem>>)
      tpu.yield
    }) : () -> ()
    "tpu.region"() ({
      %run_scoped3A = tpu.sem_alloc : memref<!tpu.dma_semaphore, #tpu.memory_space<semaphore_mem>>
      %dma_start3A_61 = tpu.memref_slice %arg4[%mul3A_7] : memref<327680xi32, #tpu.memory_space<hbm>> -> memref<128xi32, #tpu.memory_space<hbm>>
      %dma_start3A_62 = tpu.memref_slice %arg4[%mul3A_7] : memref<327680xi32, #tpu.memory_space<hbm>> -> memref<128xi32, #tpu.memory_space<hbm>>
      tpu.enqueue_dma source(%dma_start3A_62 : memref<128xi32, #tpu.memory_space<hbm>>) target(%arg9 : memref<128xi32, #tpu.memory_space<vmem>>) target_semaphore(%run_scoped3A : memref<!tpu.dma_semaphore, #tpu.memory_space<semaphore_mem>>)
      %dma_wait3A_63 = tpu.memref_slice %arg4[%mul3A_7] : memref<327680xi32, #tpu.memory_space<hbm>> -> memref<128xi32, #tpu.memory_space<hbm>>
      %dma_wait3A_64 = tpu.memref_slice %arg4[%mul3A_7] : memref<327680xi32, #tpu.memory_space<hbm>> -> memref<128xi32, #tpu.memory_space<hbm>>
      tpu.wait_dma2 semaphore(%run_scoped3A : memref<!tpu.dma_semaphore, #tpu.memory_space<semaphore_mem>>) src(%dma_wait3A_64 : memref<128xi32, #tpu.memory_space<hbm>>) dst(%arg9 : memref<128xi32, #tpu.memory_space<vmem>>)
      tpu.yield
    }) : () -> ()
    %dma_start3A = arith.constant 0 : i32
    %dma_start3A_8 = arith.constant 0 : i32
    %dma_start3A_9 = tpu.memref_slice %arg2[%arg0, %dma_start3A, %dma_start3A_8] : memref<2x10240x128xf32, #tpu.memory_space<hbm>> -> memref<1x10240x128xf32, #tpu.memory_space<hbm>>
    %dma_start3A_10 = tpu.memref_squeeze %dma_start3A_9 : memref<1x10240x128xf32, #tpu.memory_space<hbm>> -> memref<10240x128xf32, #tpu.memory_space<hbm>>
    %dma_start3A_11 = arith.constant 0 : i32
    %dma_start3A_12 = arith.constant 0 : i32
    %dma_start3A_13 = tpu.memref_slice %dma_start3A_10[%dma_start3A_11, %dma_start3A_12] : memref<10240x128xf32, #tpu.memory_space<hbm>> -> memref<10240x128xf32, #tpu.memory_space<hbm>>
    tpu.enqueue_indirect_dma source(%dma_start3A_13 : memref<10240x128xf32, #tpu.memory_space<hbm>>) target(%arg11 : memref<128x128xf32, #tpu.memory_space<vmem>>) offsets(%arg7 : memref<128xi32, #tpu.memory_space<vmem>>) semaphore(%arg13 : memref<!tpu.dma_semaphore, #tpu.memory_space<semaphore_mem>>)
    %add3A_14 = arith.constant 1 : i32
    %add3A_15 = arith.addi %mul3A_4, %add3A_14 : i32
    %mul3A_16 = arith.constant 128 : i32
    %mul3A_17 = arith.muli %add3A_15, %mul3A_16 : i32
    "tpu.region"() ({
      %run_scoped3A = tpu.sem_alloc : memref<!tpu.dma_semaphore, #tpu.memory_space<semaphore_mem>>
      %dma_start3A_61 = tpu.memref_slice %arg3[%mul3A_17] : memref<327680xi32, #tpu.memory_space<hbm>> -> memref<128xi32, #tpu.memory_space<hbm>>
      %dma_start3A_62 = tpu.memref_slice %arg3[%mul3A_17] : memref<327680xi32, #tpu.memory_space<hbm>> -> memref<128xi32, #tpu.memory_space<hbm>>
      tpu.enqueue_dma source(%dma_start3A_62 : memref<128xi32, #tpu.memory_space<hbm>>) target(%arg8 : memref<128xi32, #tpu.memory_space<vmem>>) target_semaphore(%run_scoped3A : memref<!tpu.dma_semaphore, #tpu.memory_space<semaphore_mem>>)
      %dma_wait3A_63 = tpu.memref_slice %arg3[%mul3A_17] : memref<327680xi32, #tpu.memory_space<hbm>> -> memref<128xi32, #tpu.memory_space<hbm>>
      %dma_wait3A_64 = tpu.memref_slice %arg3[%mul3A_17] : memref<327680xi32, #tpu.memory_space<hbm>> -> memref<128xi32, #tpu.memory_space<hbm>>
      tpu.wait_dma2 semaphore(%run_scoped3A : memref<!tpu.dma_semaphore, #tpu.memory_space<semaphore_mem>>) src(%dma_wait3A_64 : memref<128xi32, #tpu.memory_space<hbm>>) dst(%arg8 : memref<128xi32, #tpu.memory_space<vmem>>)
      tpu.yield
    }) : () -> ()
    "tpu.region"() ({
      %run_scoped3A = tpu.sem_alloc : memref<!tpu.dma_semaphore, #tpu.memory_space<semaphore_mem>>
      %dma_start3A_61 = tpu.memref_slice %arg4[%mul3A_17] : memref<327680xi32, #tpu.memory_space<hbm>> -> memref<128xi32, #tpu.memory_space<hbm>>
      %dma_start3A_62 = tpu.memref_slice %arg4[%mul3A_17] : memref<327680xi32, #tpu.memory_space<hbm>> -> memref<128xi32, #tpu.memory_space<hbm>>
      tpu.enqueue_dma source(%dma_start3A_62 : memref<128xi32, #tpu.memory_space<hbm>>) target(%arg10 : memref<128xi32, #tpu.memory_space<vmem>>) target_semaphore(%run_scoped3A : memref<!tpu.dma_semaphore, #tpu.memory_space<semaphore_mem>>)
      %dma_wait3A_63 = tpu.memref_slice %arg4[%mul3A_17] : memref<327680xi32, #tpu.memory_space<hbm>> -> memref<128xi32, #tpu.memory_space<hbm>>
      %dma_wait3A_64 = tpu.memref_slice %arg4[%mul3A_17] : memref<327680xi32, #tpu.memory_space<hbm>> -> memref<128xi32, #tpu.memory_space<hbm>>
      tpu.wait_dma2 semaphore(%run_scoped3A : memref<!tpu.dma_semaphore, #tpu.memory_space<semaphore_mem>>) src(%dma_wait3A_64 : memref<128xi32, #tpu.memory_space<hbm>>) dst(%arg10 : memref<128xi32, #tpu.memory_space<vmem>>)
      tpu.yield
    }) : () -> ()
    %dma_start3A_18 = arith.constant 0 : i32
    %dma_start3A_19 = arith.constant 0 : i32
    %dma_start3A_20 = tpu.memref_slice %arg2[%arg0, %dma_start3A_18, %dma_start3A_19] : memref<2x10240x128xf32, #tpu.memory_space<hbm>> -> memref<1x10240x128xf32, #tpu.memory_space<hbm>>
    %dma_start3A_21 = tpu.memref_squeeze %dma_start3A_20 : memref<1x10240x128xf32, #tpu.memory_space<hbm>> -> memref<10240x128xf32, #tpu.memory_space<hbm>>
    %dma_start3A_22 = arith.constant 0 : i32
    %dma_start3A_23 = arith.constant 0 : i32
    %dma_start3A_24 = tpu.memref_slice %dma_start3A_21[%dma_start3A_22, %dma_start3A_23] : memref<10240x128xf32, #tpu.memory_space<hbm>> -> memref<10240x128xf32, #tpu.memory_space<hbm>>
    tpu.enqueue_indirect_dma source(%dma_start3A_24 : memref<10240x128xf32, #tpu.memory_space<hbm>>) target(%arg12 : memref<128x128xf32, #tpu.memory_space<vmem>>) offsets(%arg8 : memref<128xi32, #tpu.memory_space<vmem>>) semaphore(%arg14 : memref<!tpu.dma_semaphore, #tpu.memory_space<semaphore_mem>>)
    %dma_wait3A = arith.constant 0 : i32
    %dma_wait3A_25 = arith.constant 0 : i32
    %dma_wait3A_26 = tpu.memref_slice %arg2[%arg0, %dma_wait3A, %dma_wait3A_25] : memref<2x10240x128xf32, #tpu.memory_space<hbm>> -> memref<1x10240x128xf32, #tpu.memory_space<hbm>>
    %dma_wait3A_27 = tpu.memref_squeeze %dma_wait3A_26 : memref<1x10240x128xf32, #tpu.memory_space<hbm>> -> memref<10240x128xf32, #tpu.memory_space<hbm>>
    %dma_wait3A_28 = arith.constant 0 : i32
    %dma_wait3A_29 = arith.constant 0 : i32
    %dma_wait3A_30 = tpu.memref_slice %dma_wait3A_27[%dma_wait3A_28, %dma_wait3A_29] : memref<10240x128xf32, #tpu.memory_space<hbm>> -> memref<10240x128xf32, #tpu.memory_space<hbm>>
    tpu.wait_indirect_dma semaphore(%arg13 : memref<!tpu.dma_semaphore, #tpu.memory_space<semaphore_mem>>) src(%dma_wait3A_30 : memref<10240x128xf32, #tpu.memory_space<hbm>>) dst(%arg11 : memref<128x128xf32, #tpu.memory_space<vmem>>)
    %dma_start3A_31 = arith.constant 0 : i32
    %dma_start3A_32 = arith.constant 0 : i32
    %dma_start3A_33 = tpu.memref_slice %arg6[%dma_start3A_31, %dma_start3A_32] : memref<10240x128xf32, #tpu.memory_space<vmem_shared>> -> memref<10240x128xf32, #tpu.memory_space<vmem_shared>>
    tpu.enqueue_indirect_dma source(%arg11 : memref<128x128xf32, #tpu.memory_space<vmem>>) target(%dma_start3A_33 : memref<10240x128xf32, #tpu.memory_space<vmem_shared>>) offsets(%arg9 : memref<128xi32, #tpu.memory_space<vmem>>) semaphore(%arg15 : memref<!tpu.dma_semaphore, #tpu.memory_space<semaphore_mem>>) {add = true}
    %dma_wait3A_34 = arith.constant 0 : i32
    %dma_wait3A_35 = arith.constant 0 : i32
    %dma_wait3A_36 = tpu.memref_slice %arg2[%arg0, %dma_wait3A_34, %dma_wait3A_35] : memref<2x10240x128xf32, #tpu.memory_space<hbm>> -> memref<1x10240x128xf32, #tpu.memory_space<hbm>>
    %dma_wait3A_37 = tpu.memref_squeeze %dma_wait3A_36 : memref<1x10240x128xf32, #tpu.memory_space<hbm>> -> memref<10240x128xf32, #tpu.memory_space<hbm>>
    %dma_wait3A_38 = arith.constant 0 : i32
    %dma_wait3A_39 = arith.constant 0 : i32
    %dma_wait3A_40 = tpu.memref_slice %dma_wait3A_37[%dma_wait3A_38, %dma_wait3A_39] : memref<10240x128xf32, #tpu.memory_space<hbm>> -> memref<10240x128xf32, #tpu.memory_space<hbm>>
    tpu.wait_indirect_dma semaphore(%arg14 : memref<!tpu.dma_semaphore, #tpu.memory_space<semaphore_mem>>) src(%dma_wait3A_40 : memref<10240x128xf32, #tpu.memory_space<hbm>>) dst(%arg12 : memref<128x128xf32, #tpu.memory_space<vmem>>)
    %dma_start3A_41 = arith.constant 0 : i32
    %dma_start3A_42 = arith.constant 0 : i32
    %dma_start3A_43 = tpu.memref_slice %arg6[%dma_start3A_41, %dma_start3A_42] : memref<10240x128xf32, #tpu.memory_space<vmem_shared>> -> memref<10240x128xf32, #tpu.memory_space<vmem_shared>>
    tpu.enqueue_indirect_dma source(%arg12 : memref<128x128xf32, #tpu.memory_space<vmem>>) target(%dma_start3A_43 : memref<10240x128xf32, #tpu.memory_space<vmem_shared>>) offsets(%arg10 : memref<128xi32, #tpu.memory_space<vmem>>) semaphore(%arg16 : memref<!tpu.dma_semaphore, #tpu.memory_space<semaphore_mem>>) {add = true}
    %scan3A = arith.constant 0 : i32
    %scan3A_44 = arith.constant 1 : i32
    %scan3A_45 = arith.constant 79 : i32
    %scan3A_46 = arith.addi %scan3A_44, %scan3A_45 : i32
    %scan3A_47 = arith.constant 1 : i32
    %scan3A_48 = scf.for %scan3A_61 = %scan3A_44 to %scan3A_46 step %scan3A_47 iter_args(%scan3A_62 = %scan3A) -> (i32)  : i32 {
      %mul3A_63 = arith.constant 2 : i32
      %mul3A_64 = arith.muli %scan3A_61, %mul3A_63 : i32
      %add3A_65 = arith.addi %mul3A_4, %mul3A_64 : i32
      %dma_wait3A_66 = arith.constant 0 : i32
      %dma_wait3A_67 = arith.constant 0 : i32
      %dma_wait3A_68 = tpu.memref_slice %arg6[%dma_wait3A_66, %dma_wait3A_67] : memref<10240x128xf32, #tpu.memory_space<vmem_shared>> -> memref<10240x128xf32, #tpu.memory_space<vmem_shared>>
      tpu.wait_indirect_dma semaphore(%arg15 : memref<!tpu.dma_semaphore, #tpu.memory_space<semaphore_mem>>) src(%arg11 : memref<128x128xf32, #tpu.memory_space<vmem>>) dst(%dma_wait3A_68 : memref<10240x128xf32, #tpu.memory_space<vmem_shared>>)
      %add3A_69 = arith.constant 0 : i32
      %add3A_70 = arith.addi %add3A_65, %add3A_69 : i32
      %mul3A_71 = arith.constant 128 : i32
      %mul3A_72 = arith.muli %add3A_70, %mul3A_71 : i32
      "tpu.region"() ({
        %run_scoped3A = tpu.sem_alloc : memref<!tpu.dma_semaphore, #tpu.memory_space<semaphore_mem>>
        %dma_start3A_115 = tpu.memref_slice %arg3[%mul3A_72] : memref<327680xi32, #tpu.memory_space<hbm>> -> memref<128xi32, #tpu.memory_space<hbm>>
        %dma_start3A_116 = tpu.memref_slice %arg3[%mul3A_72] : memref<327680xi32, #tpu.memory_space<hbm>> -> memref<128xi32, #tpu.memory_space<hbm>>
        tpu.enqueue_dma source(%dma_start3A_116 : memref<128xi32, #tpu.memory_space<hbm>>) target(%arg7 : memref<128xi32, #tpu.memory_space<vmem>>) target_semaphore(%run_scoped3A : memref<!tpu.dma_semaphore, #tpu.memory_space<semaphore_mem>>)
        %dma_wait3A_117 = tpu.memref_slice %arg3[%mul3A_72] : memref<327680xi32, #tpu.memory_space<hbm>> -> memref<128xi32, #tpu.memory_space<hbm>>
        %dma_wait3A_118 = tpu.memref_slice %arg3[%mul3A_72] : memref<327680xi32, #tpu.memory_space<hbm>> -> memref<128xi32, #tpu.memory_space<hbm>>
        tpu.wait_dma2 semaphore(%run_scoped3A : memref<!tpu.dma_semaphore, #tpu.memory_space<semaphore_mem>>) src(%dma_wait3A_118 : memref<128xi32, #tpu.memory_space<hbm>>) dst(%arg7 : memref<128xi32, #tpu.memory_space<vmem>>)
        tpu.yield
      }) : () -> ()
      "tpu.region"() ({
        %run_scoped3A = tpu.sem_alloc : memref<!tpu.dma_semaphore, #tpu.memory_space<semaphore_mem>>
        %dma_start3A_115 = tpu.memref_slice %arg4[%mul3A_72] : memref<327680xi32, #tpu.memory_space<hbm>> -> memref<128xi32, #tpu.memory_space<hbm>>
        %dma_start3A_116 = tpu.memref_slice %arg4[%mul3A_72] : memref<327680xi32, #tpu.memory_space<hbm>> -> memref<128xi32, #tpu.memory_space<hbm>>
        tpu.enqueue_dma source(%dma_start3A_116 : memref<128xi32, #tpu.memory_space<hbm>>) target(%arg9 : memref<128xi32, #tpu.memory_space<vmem>>) target_semaphore(%run_scoped3A : memref<!tpu.dma_semaphore, #tpu.memory_space<semaphore_mem>>)
        %dma_wait3A_117 = tpu.memref_slice %arg4[%mul3A_72] : memref<327680xi32, #tpu.memory_space<hbm>> -> memref<128xi32, #tpu.memory_space<hbm>>
        %dma_wait3A_118 = tpu.memref_slice %arg4[%mul3A_72] : memref<327680xi32, #tpu.memory_space<hbm>> -> memref<128xi32, #tpu.memory_space<hbm>>
        tpu.wait_dma2 semaphore(%run_scoped3A : memref<!tpu.dma_semaphore, #tpu.memory_space<semaphore_mem>>) src(%dma_wait3A_118 : memref<128xi32, #tpu.memory_space<hbm>>) dst(%arg9 : memref<128xi32, #tpu.memory_space<vmem>>)
        tpu.yield
      }) : () -> ()
      %dma_start3A_73 = arith.constant 0 : i32
      %dma_start3A_74 = arith.constant 0 : i32
      %dma_start3A_75 = tpu.memref_slice %arg2[%arg0, %dma_start3A_73, %dma_start3A_74] : memref<2x10240x128xf32, #tpu.memory_space<hbm>> -> memref<1x10240x128xf32, #tpu.memory_space<hbm>>
      %dma_start3A_76 = tpu.memref_squeeze %dma_start3A_75 : memref<1x10240x128xf32, #tpu.memory_space<hbm>> -> memref<10240x128xf32, #tpu.memory_space<hbm>>
      %dma_start3A_77 = arith.constant 0 : i32
      %dma_start3A_78 = arith.constant 0 : i32
      %dma_start3A_79 = tpu.memref_slice %dma_start3A_76[%dma_start3A_77, %dma_start3A_78] : memref<10240x128xf32, #tpu.memory_space<hbm>> -> memref<10240x128xf32, #tpu.memory_space<hbm>>
      tpu.enqueue_indirect_dma source(%dma_start3A_79 : memref<10240x128xf32, #tpu.memory_space<hbm>>) target(%arg11 : memref<128x128xf32, #tpu.memory_space<vmem>>) offsets(%arg7 : memref<128xi32, #tpu.memory_space<vmem>>) semaphore(%arg13 : memref<!tpu.dma_semaphore, #tpu.memory_space<semaphore_mem>>)
      %dma_wait3A_80 = arith.constant 0 : i32
      %dma_wait3A_81 = arith.constant 0 : i32
      %dma_wait3A_82 = tpu.memref_slice %arg6[%dma_wait3A_80, %dma_wait3A_81] : memref<10240x128xf32, #tpu.memory_space<vmem_shared>> -> memref<10240x128xf32, #tpu.memory_space<vmem_shared>>
      tpu.wait_indirect_dma semaphore(%arg16 : memref<!tpu.dma_semaphore, #tpu.memory_space<semaphore_mem>>) src(%arg12 : memref<128x128xf32, #tpu.memory_space<vmem>>) dst(%dma_wait3A_82 : memref<10240x128xf32, #tpu.memory_space<vmem_shared>>)
      %add3A_83 = arith.constant 1 : i32
      %add3A_84 = arith.addi %add3A_65, %add3A_83 : i32
      %mul3A_85 = arith.constant 128 : i32
      %mul3A_86 = arith.muli %add3A_84, %mul3A_85 : i32
      "tpu.region"() ({
        %run_scoped3A = tpu.sem_alloc : memref<!tpu.dma_semaphore, #tpu.memory_space<semaphore_mem>>
        %dma_start3A_115 = tpu.memref_slice %arg3[%mul3A_86] : memref<327680xi32, #tpu.memory_space<hbm>> -> memref<128xi32, #tpu.memory_space<hbm>>
        %dma_start3A_116 = tpu.memref_slice %arg3[%mul3A_86] : memref<327680xi32, #tpu.memory_space<hbm>> -> memref<128xi32, #tpu.memory_space<hbm>>
        tpu.enqueue_dma source(%dma_start3A_116 : memref<128xi32, #tpu.memory_space<hbm>>) target(%arg8 : memref<128xi32, #tpu.memory_space<vmem>>) target_semaphore(%run_scoped3A : memref<!tpu.dma_semaphore, #tpu.memory_space<semaphore_mem>>)
        %dma_wait3A_117 = tpu.memref_slice %arg3[%mul3A_86] : memref<327680xi32, #tpu.memory_space<hbm>> -> memref<128xi32, #tpu.memory_space<hbm>>
        %dma_wait3A_118 = tpu.memref_slice %arg3[%mul3A_86] : memref<327680xi32, #tpu.memory_space<hbm>> -> memref<128xi32, #tpu.memory_space<hbm>>
        tpu.wait_dma2 semaphore(%run_scoped3A : memref<!tpu.dma_semaphore, #tpu.memory_space<semaphore_mem>>) src(%dma_wait3A_118 : memref<128xi32, #tpu.memory_space<hbm>>) dst(%arg8 : memref<128xi32, #tpu.memory_space<vmem>>)
        tpu.yield
      }) : () -> ()
      "tpu.region"() ({
        %run_scoped3A = tpu.sem_alloc : memref<!tpu.dma_semaphore, #tpu.memory_space<semaphore_mem>>
        %dma_start3A_115 = tpu.memref_slice %arg4[%mul3A_86] : memref<327680xi32, #tpu.memory_space<hbm>> -> memref<128xi32, #tpu.memory_space<hbm>>
        %dma_start3A_116 = tpu.memref_slice %arg4[%mul3A_86] : memref<327680xi32, #tpu.memory_space<hbm>> -> memref<128xi32, #tpu.memory_space<hbm>>
        tpu.enqueue_dma source(%dma_start3A_116 : memref<128xi32, #tpu.memory_space<hbm>>) target(%arg10 : memref<128xi32, #tpu.memory_space<vmem>>) target_semaphore(%run_scoped3A : memref<!tpu.dma_semaphore, #tpu.memory_space<semaphore_mem>>)
        %dma_wait3A_117 = tpu.memref_slice %arg4[%mul3A_86] : memref<327680xi32, #tpu.memory_space<hbm>> -> memref<128xi32, #tpu.memory_space<hbm>>
        %dma_wait3A_118 = tpu.memref_slice %arg4[%mul3A_86] : memref<327680xi32, #tpu.memory_space<hbm>> -> memref<128xi32, #tpu.memory_space<hbm>>
        tpu.wait_dma2 semaphore(%run_scoped3A : memref<!tpu.dma_semaphore, #tpu.memory_space<semaphore_mem>>) src(%dma_wait3A_118 : memref<128xi32, #tpu.memory_space<hbm>>) dst(%arg10 : memref<128xi32, #tpu.memory_space<vmem>>)
        tpu.yield
      }) : () -> ()
      %dma_start3A_87 = arith.constant 0 : i32
      %dma_start3A_88 = arith.constant 0 : i32
      %dma_start3A_89 = tpu.memref_slice %arg2[%arg0, %dma_start3A_87, %dma_start3A_88] : memref<2x10240x128xf32, #tpu.memory_space<hbm>> -> memref<1x10240x128xf32, #tpu.memory_space<hbm>>
      %dma_start3A_90 = tpu.memref_squeeze %dma_start3A_89 : memref<1x10240x128xf32, #tpu.memory_space<hbm>> -> memref<10240x128xf32, #tpu.memory_space<hbm>>
      %dma_start3A_91 = arith.constant 0 : i32
      %dma_start3A_92 = arith.constant 0 : i32
      %dma_start3A_93 = tpu.memref_slice %dma_start3A_90[%dma_start3A_91, %dma_start3A_92] : memref<10240x128xf32, #tpu.memory_space<hbm>> -> memref<10240x128xf32, #tpu.memory_space<hbm>>
      tpu.enqueue_indirect_dma source(%dma_start3A_93 : memref<10240x128xf32, #tpu.memory_space<hbm>>) target(%arg12 : memref<128x128xf32, #tpu.memory_space<vmem>>) offsets(%arg8 : memref<128xi32, #tpu.memory_space<vmem>>) semaphore(%arg14 : memref<!tpu.dma_semaphore, #tpu.memory_space<semaphore_mem>>)
      %dma_wait3A_94 = arith.constant 0 : i32
      %dma_wait3A_95 = arith.constant 0 : i32
      %dma_wait3A_96 = tpu.memref_slice %arg2[%arg0, %dma_wait3A_94, %dma_wait3A_95] : memref<2x10240x128xf32, #tpu.memory_space<hbm>> -> memref<1x10240x128xf32, #tpu.memory_space<hbm>>
      %dma_wait3A_97 = tpu.memref_squeeze %dma_wait3A_96 : memref<1x10240x128xf32, #tpu.memory_space<hbm>> -> memref<10240x128xf32, #tpu.memory_space<hbm>>
      %dma_wait3A_98 = arith.constant 0 : i32
      %dma_wait3A_99 = arith.constant 0 : i32
      %dma_wait3A_100 = tpu.memref_slice %dma_wait3A_97[%dma_wait3A_98, %dma_wait3A_99] : memref<10240x128xf32, #tpu.memory_space<hbm>> -> memref<10240x128xf32, #tpu.memory_space<hbm>>
      tpu.wait_indirect_dma semaphore(%arg13 : memref<!tpu.dma_semaphore, #tpu.memory_space<semaphore_mem>>) src(%dma_wait3A_100 : memref<10240x128xf32, #tpu.memory_space<hbm>>) dst(%arg11 : memref<128x128xf32, #tpu.memory_space<vmem>>)
      %dma_start3A_101 = arith.constant 0 : i32
      %dma_start3A_102 = arith.constant 0 : i32
      %dma_start3A_103 = tpu.memref_slice %arg6[%dma_start3A_101, %dma_start3A_102] : memref<10240x128xf32, #tpu.memory_space<vmem_shared>> -> memref<10240x128xf32, #tpu.memory_space<vmem_shared>>
      tpu.enqueue_indirect_dma source(%arg11 : memref<128x128xf32, #tpu.memory_space<vmem>>) target(%dma_start3A_103 : memref<10240x128xf32, #tpu.memory_space<vmem_shared>>) offsets(%arg9 : memref<128xi32, #tpu.memory_space<vmem>>) semaphore(%arg15 : memref<!tpu.dma_semaphore, #tpu.memory_space<semaphore_mem>>) {add = true}
      %dma_wait3A_104 = arith.constant 0 : i32
      %dma_wait3A_105 = arith.constant 0 : i32
      %dma_wait3A_106 = tpu.memref_slice %arg2[%arg0, %dma_wait3A_104, %dma_wait3A_105] : memref<2x10240x128xf32, #tpu.memory_space<hbm>> -> memref<1x10240x128xf32, #tpu.memory_space<hbm>>
      %dma_wait3A_107 = tpu.memref_squeeze %dma_wait3A_106 : memref<1x10240x128xf32, #tpu.memory_space<hbm>> -> memref<10240x128xf32, #tpu.memory_space<hbm>>
      %dma_wait3A_108 = arith.constant 0 : i32
      %dma_wait3A_109 = arith.constant 0 : i32
      %dma_wait3A_110 = tpu.memref_slice %dma_wait3A_107[%dma_wait3A_108, %dma_wait3A_109] : memref<10240x128xf32, #tpu.memory_space<hbm>> -> memref<10240x128xf32, #tpu.memory_space<hbm>>
      tpu.wait_indirect_dma semaphore(%arg14 : memref<!tpu.dma_semaphore, #tpu.memory_space<semaphore_mem>>) src(%dma_wait3A_110 : memref<10240x128xf32, #tpu.memory_space<hbm>>) dst(%arg12 : memref<128x128xf32, #tpu.memory_space<vmem>>)
      %dma_start3A_111 = arith.constant 0 : i32
      %dma_start3A_112 = arith.constant 0 : i32
      %dma_start3A_113 = tpu.memref_slice %arg6[%dma_start3A_111, %dma_start3A_112] : memref<10240x128xf32, #tpu.memory_space<vmem_shared>> -> memref<10240x128xf32, #tpu.memory_space<vmem_shared>>
      tpu.enqueue_indirect_dma source(%arg12 : memref<128x128xf32, #tpu.memory_space<vmem>>) target(%dma_start3A_113 : memref<10240x128xf32, #tpu.memory_space<vmem_shared>>) offsets(%arg10 : memref<128xi32, #tpu.memory_space<vmem>>) semaphore(%arg16 : memref<!tpu.dma_semaphore, #tpu.memory_space<semaphore_mem>>) {add = true}
      %scan3A_114 = arith.constant 0 : i32
      scf.yield %scan3A_114 : i32
    }
    %scan3A_49 = arith.constant 79 : i32
    %dma_wait3A_50 = arith.constant 0 : i32
    %dma_wait3A_51 = arith.constant 0 : i32
    %dma_wait3A_52 = tpu.memref_slice %arg6[%dma_wait3A_50, %dma_wait3A_51] : memref<10240x128xf32, #tpu.memory_space<vmem_shared>> -> memref<10240x128xf32, #tpu.memory_space<vmem_shared>>
    tpu.wait_indirect_dma semaphore(%arg15 : memref<!tpu.dma_semaphore, #tpu.memory_space<semaphore_mem>>) src(%arg11 : memref<128x128xf32, #tpu.memory_space<vmem>>) dst(%dma_wait3A_52 : memref<10240x128xf32, #tpu.memory_space<vmem_shared>>)
    %dma_wait3A_53 = arith.constant 0 : i32
    %dma_wait3A_54 = arith.constant 0 : i32
    %dma_wait3A_55 = tpu.memref_slice %arg6[%dma_wait3A_53, %dma_wait3A_54] : memref<10240x128xf32, #tpu.memory_space<vmem_shared>> -> memref<10240x128xf32, #tpu.memory_space<vmem_shared>>
    tpu.wait_indirect_dma semaphore(%arg16 : memref<!tpu.dma_semaphore, #tpu.memory_space<semaphore_mem>>) src(%arg12 : memref<128x128xf32, #tpu.memory_space<vmem>>) dst(%dma_wait3A_55 : memref<10240x128xf32, #tpu.memory_space<vmem_shared>>)
    %barrier3A_56 = arith.constant 0 : index
    tpu.barrier barrier_id(%barrier3A_56)
    %mul3A_57 = arith.constant 640 : i32
    %mul3A_58 = arith.muli %arg1, %mul3A_57 : i32
    %mul3A_59 = arith.constant 640 : i32
    %mul3A_60 = arith.muli %arg1, %mul3A_59 : i32
    "tpu.region"() ({
      %run_scoped3A = tpu.sem_alloc : memref<!tpu.dma_semaphore, #tpu.memory_space<semaphore_mem>>
      %dma_start3A_61 = arith.constant 0 : i32
      %dma_start3A_62 = arith.constant 0 : i32
      %dma_start3A_63 = tpu.memref_slice %arg5[%arg0, %dma_start3A_61, %dma_start3A_62] : memref<2x10240x128xf32, #tpu.memory_space<hbm>> -> memref<1x10240x128xf32, #tpu.memory_space<hbm>>
      %dma_start3A_64 = tpu.memref_squeeze %dma_start3A_63 : memref<1x10240x128xf32, #tpu.memory_space<hbm>> -> memref<10240x128xf32, #tpu.memory_space<hbm>>
      %dma_start3A_65 = arith.constant 0 : i32
      %dma_start3A_66 = tpu.memref_slice %dma_start3A_64[%mul3A_60, %dma_start3A_65] : memref<10240x128xf32, #tpu.memory_space<hbm>> -> memref<640x128xf32, #tpu.memory_space<hbm>>
      %dma_start3A_67 = arith.constant 0 : i32
      %dma_start3A_68 = tpu.memref_slice %arg6[%mul3A_58, %dma_start3A_67] : memref<10240x128xf32, #tpu.memory_space<vmem_shared>> -> memref<640x128xf32, #tpu.memory_space<vmem_shared>>
      tpu.enqueue_dma source(%dma_start3A_68 : memref<640x128xf32, #tpu.memory_space<vmem_shared>>) target(%dma_start3A_66 : memref<640x128xf32, #tpu.memory_space<hbm>>) target_semaphore(%run_scoped3A : memref<!tpu.dma_semaphore, #tpu.memory_space<semaphore_mem>>)
      %dma_wait3A_69 = arith.constant 0 : i32
      %dma_wait3A_70 = arith.constant 0 : i32
      %dma_wait3A_71 = tpu.memref_slice %arg5[%arg0, %dma_wait3A_69, %dma_wait3A_70] : memref<2x10240x128xf32, #tpu.memory_space<hbm>> -> memref<1x10240x128xf32, #tpu.memory_space<hbm>>
      %dma_wait3A_72 = tpu.memref_squeeze %dma_wait3A_71 : memref<1x10240x128xf32, #tpu.memory_space<hbm>> -> memref<10240x128xf32, #tpu.memory_space<hbm>>
      %dma_wait3A_73 = arith.constant 0 : i32
      %dma_wait3A_74 = tpu.memref_slice %dma_wait3A_72[%mul3A_60, %dma_wait3A_73] : memref<10240x128xf32, #tpu.memory_space<hbm>> -> memref<640x128xf32, #tpu.memory_space<hbm>>
      %dma_wait3A_75 = arith.constant 0 : i32
      %dma_wait3A_76 = tpu.memref_slice %arg6[%mul3A_58, %dma_wait3A_75] : memref<10240x128xf32, #tpu.memory_space<vmem_shared>> -> memref<640x128xf32, #tpu.memory_space<vmem_shared>>
      tpu.wait_dma2 semaphore(%run_scoped3A : memref<!tpu.dma_semaphore, #tpu.memory_space<semaphore_mem>>) src(%dma_wait3A_76 : memref<640x128xf32, #tpu.memory_space<vmem_shared>>) dst(%dma_wait3A_74 : memref<640x128xf32, #tpu.memory_space<hbm>>)
      tpu.yield
    }) : () -> ()
    return
  }
}

#map = affine_map<(d0, d1) -> (0, 0, 0)>
#map1 = affine_map<(d0, d1) -> (0)>
module attributes {stable_mosaic.version = 14 : i64} {
  func.func @_agg_body(%arg0: i32, %arg1: i32, %arg2: memref<2x10240x128xf32, #tpu.memory_space<hbm>>, %arg3: memref<327680xi32, #tpu.memory_space<hbm>>, %arg4: memref<327680xi32, #tpu.memory_space<hbm>>, %arg5: memref<2x10240x128xf32, #tpu.memory_space<hbm>>, %arg6: memref<10240x128xf32, #tpu.memory_space<vmem_shared>>, %arg7: memref<128xi32, #tpu.memory_space<vmem>>, %arg8: memref<128xi32, #tpu.memory_space<vmem>>, %arg9: memref<128xi32, #tpu.memory_space<vmem>>, %arg10: memref<128xi32, #tpu.memory_space<vmem>>, %arg11: memref<128x128xf32, #tpu.memory_space<vmem>>, %arg12: memref<128x128xf32, #tpu.memory_space<vmem>>, %arg13: memref<!tpu.dma_semaphore, #tpu.memory_space<semaphore_mem>>, %arg14: memref<!tpu.dma_semaphore, #tpu.memory_space<semaphore_mem>>, %arg15: memref<!tpu.dma_semaphore, #tpu.memory_space<semaphore_mem>>, %arg16: memref<!tpu.dma_semaphore, #tpu.memory_space<semaphore_mem>>) attributes {dimension_semantics = [#tpu.dimension_semantics<core_parallel>, #tpu.dimension_semantics<subcore_parallel>], iteration_bounds = array<i64: 2, 16>, scalar_prefetch = 0 : i64, scratch_operands = 11 : i64, tpu.core_type = #tpu.core_type<sc_vector_subcore>, window_params = [{transform_indices = #map}, {transform_indices = #map1}, {transform_indices = #map1}, {transform_indices = #map}]} {
    %mul3A = arith.constant 640 : i32
    %mul3A_0 = arith.muli %arg1, %mul3A : i32
    %mul3A_1 = arith.constant 640 : i32
    %mul3A_2 = arith.muli %arg1, %mul3A_1 : i32
    "tpu.region"() ({
      %run_scoped3A = tpu.sem_alloc : memref<!tpu.dma_semaphore, #tpu.memory_space<semaphore_mem>>
      %dma_start3A_69 = arith.constant 0 : i32
      %dma_start3A_70 = tpu.memref_slice %arg6[%mul3A_2, %dma_start3A_69] : memref<10240x128xf32, #tpu.memory_space<vmem_shared>> -> memref<640x128xf32, #tpu.memory_space<vmem_shared>>
      %dma_start3A_71 = arith.constant 0 : i32
      %dma_start3A_72 = arith.constant 0 : i32
      %dma_start3A_73 = tpu.memref_slice %arg2[%arg0, %dma_start3A_71, %dma_start3A_72] : memref<2x10240x128xf32, #tpu.memory_space<hbm>> -> memref<1x10240x128xf32, #tpu.memory_space<hbm>>
      %dma_start3A_74 = tpu.memref_squeeze %dma_start3A_73 : memref<1x10240x128xf32, #tpu.memory_space<hbm>> -> memref<10240x128xf32, #tpu.memory_space<hbm>>
      %dma_start3A_75 = arith.constant 0 : i32
      %dma_start3A_76 = tpu.memref_slice %dma_start3A_74[%mul3A_0, %dma_start3A_75] : memref<10240x128xf32, #tpu.memory_space<hbm>> -> memref<640x128xf32, #tpu.memory_space<hbm>>
      tpu.enqueue_dma source(%dma_start3A_76 : memref<640x128xf32, #tpu.memory_space<hbm>>) target(%dma_start3A_70 : memref<640x128xf32, #tpu.memory_space<vmem_shared>>) target_semaphore(%run_scoped3A : memref<!tpu.dma_semaphore, #tpu.memory_space<semaphore_mem>>)
      %dma_wait3A_77 = arith.constant 0 : i32
      %dma_wait3A_78 = tpu.memref_slice %arg6[%mul3A_2, %dma_wait3A_77] : memref<10240x128xf32, #tpu.memory_space<vmem_shared>> -> memref<640x128xf32, #tpu.memory_space<vmem_shared>>
      %dma_wait3A_79 = arith.constant 0 : i32
      %dma_wait3A_80 = arith.constant 0 : i32
      %dma_wait3A_81 = tpu.memref_slice %arg2[%arg0, %dma_wait3A_79, %dma_wait3A_80] : memref<2x10240x128xf32, #tpu.memory_space<hbm>> -> memref<1x10240x128xf32, #tpu.memory_space<hbm>>
      %dma_wait3A_82 = tpu.memref_squeeze %dma_wait3A_81 : memref<1x10240x128xf32, #tpu.memory_space<hbm>> -> memref<10240x128xf32, #tpu.memory_space<hbm>>
      %dma_wait3A_83 = arith.constant 0 : i32
      %dma_wait3A_84 = tpu.memref_slice %dma_wait3A_82[%mul3A_0, %dma_wait3A_83] : memref<10240x128xf32, #tpu.memory_space<hbm>> -> memref<640x128xf32, #tpu.memory_space<hbm>>
      tpu.wait_dma2 semaphore(%run_scoped3A : memref<!tpu.dma_semaphore, #tpu.memory_space<semaphore_mem>>) src(%dma_wait3A_84 : memref<640x128xf32, #tpu.memory_space<hbm>>) dst(%dma_wait3A_78 : memref<640x128xf32, #tpu.memory_space<vmem_shared>>)
      tpu.yield
    }) : () -> ()
    %barrier3A = arith.constant 0 : index
    tpu.barrier barrier_id(%barrier3A)
    %mul3A_3 = arith.constant 16 : i32
    %mul3A_4 = arith.muli %arg0, %mul3A_3 : i32
    %add3A = arith.addi %mul3A_4, %arg1 : i32
    %mul3A_5 = arith.constant 80 : i32
    %mul3A_6 = arith.muli %add3A, %mul3A_5 : i32
    %add3A_7 = arith.constant 0 : i32
    %add3A_8 = arith.addi %mul3A_6, %add3A_7 : i32
    %mul3A_9 = arith.constant 128 : i32
    %mul3A_10 = arith.muli %add3A_8, %mul3A_9 : i32
    "tpu.region"() ({
      %run_scoped3A = tpu.sem_alloc : memref<!tpu.dma_semaphore, #tpu.memory_space<semaphore_mem>>
      %dma_start3A_69 = tpu.memref_slice %arg3[%mul3A_10] : memref<327680xi32, #tpu.memory_space<hbm>> -> memref<128xi32, #tpu.memory_space<hbm>>
      %dma_start3A_70 = tpu.memref_slice %arg3[%mul3A_10] : memref<327680xi32, #tpu.memory_space<hbm>> -> memref<128xi32, #tpu.memory_space<hbm>>
      tpu.enqueue_dma source(%dma_start3A_70 : memref<128xi32, #tpu.memory_space<hbm>>) target(%arg7 : memref<128xi32, #tpu.memory_space<vmem>>) target_semaphore(%run_scoped3A : memref<!tpu.dma_semaphore, #tpu.memory_space<semaphore_mem>>)
      %dma_wait3A_71 = tpu.memref_slice %arg3[%mul3A_10] : memref<327680xi32, #tpu.memory_space<hbm>> -> memref<128xi32, #tpu.memory_space<hbm>>
      %dma_wait3A_72 = tpu.memref_slice %arg3[%mul3A_10] : memref<327680xi32, #tpu.memory_space<hbm>> -> memref<128xi32, #tpu.memory_space<hbm>>
      tpu.wait_dma2 semaphore(%run_scoped3A : memref<!tpu.dma_semaphore, #tpu.memory_space<semaphore_mem>>) src(%dma_wait3A_72 : memref<128xi32, #tpu.memory_space<hbm>>) dst(%arg7 : memref<128xi32, #tpu.memory_space<vmem>>)
      tpu.yield
    }) : () -> ()
    "tpu.region"() ({
      %run_scoped3A = tpu.sem_alloc : memref<!tpu.dma_semaphore, #tpu.memory_space<semaphore_mem>>
      %dma_start3A_69 = tpu.memref_slice %arg4[%mul3A_10] : memref<327680xi32, #tpu.memory_space<hbm>> -> memref<128xi32, #tpu.memory_space<hbm>>
      %dma_start3A_70 = tpu.memref_slice %arg4[%mul3A_10] : memref<327680xi32, #tpu.memory_space<hbm>> -> memref<128xi32, #tpu.memory_space<hbm>>
      tpu.enqueue_dma source(%dma_start3A_70 : memref<128xi32, #tpu.memory_space<hbm>>) target(%arg9 : memref<128xi32, #tpu.memory_space<vmem>>) target_semaphore(%run_scoped3A : memref<!tpu.dma_semaphore, #tpu.memory_space<semaphore_mem>>)
      %dma_wait3A_71 = tpu.memref_slice %arg4[%mul3A_10] : memref<327680xi32, #tpu.memory_space<hbm>> -> memref<128xi32, #tpu.memory_space<hbm>>
      %dma_wait3A_72 = tpu.memref_slice %arg4[%mul3A_10] : memref<327680xi32, #tpu.memory_space<hbm>> -> memref<128xi32, #tpu.memory_space<hbm>>
      tpu.wait_dma2 semaphore(%run_scoped3A : memref<!tpu.dma_semaphore, #tpu.memory_space<semaphore_mem>>) src(%dma_wait3A_72 : memref<128xi32, #tpu.memory_space<hbm>>) dst(%arg9 : memref<128xi32, #tpu.memory_space<vmem>>)
      tpu.yield
    }) : () -> ()
    %dma_start3A = arith.constant 0 : i32
    %dma_start3A_11 = arith.constant 0 : i32
    %dma_start3A_12 = arith.constant 0 : i32
    %dma_start3A_13 = tpu.memref_slice %arg2[%dma_start3A, %dma_start3A_11, %dma_start3A_12] : memref<2x10240x128xf32, #tpu.memory_space<hbm>> -> memref<1x10240x128xf32, #tpu.memory_space<hbm>>
    %dma_start3A_14 = tpu.memref_squeeze %dma_start3A_13 : memref<1x10240x128xf32, #tpu.memory_space<hbm>> -> memref<10240x128xf32, #tpu.memory_space<hbm>>
    %dma_start3A_15 = arith.constant 0 : i32
    %dma_start3A_16 = arith.constant 0 : i32
    %dma_start3A_17 = tpu.memref_slice %dma_start3A_14[%dma_start3A_15, %dma_start3A_16] : memref<10240x128xf32, #tpu.memory_space<hbm>> -> memref<10240x128xf32, #tpu.memory_space<hbm>>
    tpu.enqueue_indirect_dma source(%dma_start3A_17 : memref<10240x128xf32, #tpu.memory_space<hbm>>) target(%arg11 : memref<128x128xf32, #tpu.memory_space<vmem>>) offsets(%arg7 : memref<128xi32, #tpu.memory_space<vmem>>) semaphore(%arg13 : memref<!tpu.dma_semaphore, #tpu.memory_space<semaphore_mem>>)
    %add3A_18 = arith.constant 1 : i32
    %add3A_19 = arith.addi %mul3A_6, %add3A_18 : i32
    %mul3A_20 = arith.constant 128 : i32
    %mul3A_21 = arith.muli %add3A_19, %mul3A_20 : i32
    "tpu.region"() ({
      %run_scoped3A = tpu.sem_alloc : memref<!tpu.dma_semaphore, #tpu.memory_space<semaphore_mem>>
      %dma_start3A_69 = tpu.memref_slice %arg3[%mul3A_21] : memref<327680xi32, #tpu.memory_space<hbm>> -> memref<128xi32, #tpu.memory_space<hbm>>
      %dma_start3A_70 = tpu.memref_slice %arg3[%mul3A_21] : memref<327680xi32, #tpu.memory_space<hbm>> -> memref<128xi32, #tpu.memory_space<hbm>>
      tpu.enqueue_dma source(%dma_start3A_70 : memref<128xi32, #tpu.memory_space<hbm>>) target(%arg8 : memref<128xi32, #tpu.memory_space<vmem>>) target_semaphore(%run_scoped3A : memref<!tpu.dma_semaphore, #tpu.memory_space<semaphore_mem>>)
      %dma_wait3A_71 = tpu.memref_slice %arg3[%mul3A_21] : memref<327680xi32, #tpu.memory_space<hbm>> -> memref<128xi32, #tpu.memory_space<hbm>>
      %dma_wait3A_72 = tpu.memref_slice %arg3[%mul3A_21] : memref<327680xi32, #tpu.memory_space<hbm>> -> memref<128xi32, #tpu.memory_space<hbm>>
      tpu.wait_dma2 semaphore(%run_scoped3A : memref<!tpu.dma_semaphore, #tpu.memory_space<semaphore_mem>>) src(%dma_wait3A_72 : memref<128xi32, #tpu.memory_space<hbm>>) dst(%arg8 : memref<128xi32, #tpu.memory_space<vmem>>)
      tpu.yield
    }) : () -> ()
    "tpu.region"() ({
      %run_scoped3A = tpu.sem_alloc : memref<!tpu.dma_semaphore, #tpu.memory_space<semaphore_mem>>
      %dma_start3A_69 = tpu.memref_slice %arg4[%mul3A_21] : memref<327680xi32, #tpu.memory_space<hbm>> -> memref<128xi32, #tpu.memory_space<hbm>>
      %dma_start3A_70 = tpu.memref_slice %arg4[%mul3A_21] : memref<327680xi32, #tpu.memory_space<hbm>> -> memref<128xi32, #tpu.memory_space<hbm>>
      tpu.enqueue_dma source(%dma_start3A_70 : memref<128xi32, #tpu.memory_space<hbm>>) target(%arg10 : memref<128xi32, #tpu.memory_space<vmem>>) target_semaphore(%run_scoped3A : memref<!tpu.dma_semaphore, #tpu.memory_space<semaphore_mem>>)
      %dma_wait3A_71 = tpu.memref_slice %arg4[%mul3A_21] : memref<327680xi32, #tpu.memory_space<hbm>> -> memref<128xi32, #tpu.memory_space<hbm>>
      %dma_wait3A_72 = tpu.memref_slice %arg4[%mul3A_21] : memref<327680xi32, #tpu.memory_space<hbm>> -> memref<128xi32, #tpu.memory_space<hbm>>
      tpu.wait_dma2 semaphore(%run_scoped3A : memref<!tpu.dma_semaphore, #tpu.memory_space<semaphore_mem>>) src(%dma_wait3A_72 : memref<128xi32, #tpu.memory_space<hbm>>) dst(%arg10 : memref<128xi32, #tpu.memory_space<vmem>>)
      tpu.yield
    }) : () -> ()
    %dma_start3A_22 = arith.constant 0 : i32
    %dma_start3A_23 = arith.constant 0 : i32
    %dma_start3A_24 = arith.constant 0 : i32
    %dma_start3A_25 = tpu.memref_slice %arg2[%dma_start3A_22, %dma_start3A_23, %dma_start3A_24] : memref<2x10240x128xf32, #tpu.memory_space<hbm>> -> memref<1x10240x128xf32, #tpu.memory_space<hbm>>
    %dma_start3A_26 = tpu.memref_squeeze %dma_start3A_25 : memref<1x10240x128xf32, #tpu.memory_space<hbm>> -> memref<10240x128xf32, #tpu.memory_space<hbm>>
    %dma_start3A_27 = arith.constant 0 : i32
    %dma_start3A_28 = arith.constant 0 : i32
    %dma_start3A_29 = tpu.memref_slice %dma_start3A_26[%dma_start3A_27, %dma_start3A_28] : memref<10240x128xf32, #tpu.memory_space<hbm>> -> memref<10240x128xf32, #tpu.memory_space<hbm>>
    tpu.enqueue_indirect_dma source(%dma_start3A_29 : memref<10240x128xf32, #tpu.memory_space<hbm>>) target(%arg12 : memref<128x128xf32, #tpu.memory_space<vmem>>) offsets(%arg8 : memref<128xi32, #tpu.memory_space<vmem>>) semaphore(%arg14 : memref<!tpu.dma_semaphore, #tpu.memory_space<semaphore_mem>>)
    %dma_wait3A = arith.constant 0 : i32
    %dma_wait3A_30 = arith.constant 0 : i32
    %dma_wait3A_31 = arith.constant 0 : i32
    %dma_wait3A_32 = tpu.memref_slice %arg2[%dma_wait3A, %dma_wait3A_30, %dma_wait3A_31] : memref<2x10240x128xf32, #tpu.memory_space<hbm>> -> memref<1x10240x128xf32, #tpu.memory_space<hbm>>
    %dma_wait3A_33 = tpu.memref_squeeze %dma_wait3A_32 : memref<1x10240x128xf32, #tpu.memory_space<hbm>> -> memref<10240x128xf32, #tpu.memory_space<hbm>>
    %dma_wait3A_34 = arith.constant 0 : i32
    %dma_wait3A_35 = arith.constant 0 : i32
    %dma_wait3A_36 = tpu.memref_slice %dma_wait3A_33[%dma_wait3A_34, %dma_wait3A_35] : memref<10240x128xf32, #tpu.memory_space<hbm>> -> memref<10240x128xf32, #tpu.memory_space<hbm>>
    tpu.wait_indirect_dma semaphore(%arg13 : memref<!tpu.dma_semaphore, #tpu.memory_space<semaphore_mem>>) src(%dma_wait3A_36 : memref<10240x128xf32, #tpu.memory_space<hbm>>) dst(%arg11 : memref<128x128xf32, #tpu.memory_space<vmem>>)
    %dma_start3A_37 = arith.constant 0 : i32
    %dma_start3A_38 = arith.constant 0 : i32
    %dma_start3A_39 = tpu.memref_slice %arg6[%dma_start3A_37, %dma_start3A_38] : memref<10240x128xf32, #tpu.memory_space<vmem_shared>> -> memref<10240x128xf32, #tpu.memory_space<vmem_shared>>
    tpu.enqueue_indirect_dma source(%arg11 : memref<128x128xf32, #tpu.memory_space<vmem>>) target(%dma_start3A_39 : memref<10240x128xf32, #tpu.memory_space<vmem_shared>>) offsets(%arg9 : memref<128xi32, #tpu.memory_space<vmem>>) semaphore(%arg15 : memref<!tpu.dma_semaphore, #tpu.memory_space<semaphore_mem>>) {add = true}
    %dma_wait3A_40 = arith.constant 0 : i32
    %dma_wait3A_41 = arith.constant 0 : i32
    %dma_wait3A_42 = arith.constant 0 : i32
    %dma_wait3A_43 = tpu.memref_slice %arg2[%dma_wait3A_40, %dma_wait3A_41, %dma_wait3A_42] : memref<2x10240x128xf32, #tpu.memory_space<hbm>> -> memref<1x10240x128xf32, #tpu.memory_space<hbm>>
    %dma_wait3A_44 = tpu.memref_squeeze %dma_wait3A_43 : memref<1x10240x128xf32, #tpu.memory_space<hbm>> -> memref<10240x128xf32, #tpu.memory_space<hbm>>
    %dma_wait3A_45 = arith.constant 0 : i32
    %dma_wait3A_46 = arith.constant 0 : i32
    %dma_wait3A_47 = tpu.memref_slice %dma_wait3A_44[%dma_wait3A_45, %dma_wait3A_46] : memref<10240x128xf32, #tpu.memory_space<hbm>> -> memref<10240x128xf32, #tpu.memory_space<hbm>>
    tpu.wait_indirect_dma semaphore(%arg14 : memref<!tpu.dma_semaphore, #tpu.memory_space<semaphore_mem>>) src(%dma_wait3A_47 : memref<10240x128xf32, #tpu.memory_space<hbm>>) dst(%arg12 : memref<128x128xf32, #tpu.memory_space<vmem>>)
    %dma_start3A_48 = arith.constant 0 : i32
    %dma_start3A_49 = arith.constant 0 : i32
    %dma_start3A_50 = tpu.memref_slice %arg6[%dma_start3A_48, %dma_start3A_49] : memref<10240x128xf32, #tpu.memory_space<vmem_shared>> -> memref<10240x128xf32, #tpu.memory_space<vmem_shared>>
    tpu.enqueue_indirect_dma source(%arg12 : memref<128x128xf32, #tpu.memory_space<vmem>>) target(%dma_start3A_50 : memref<10240x128xf32, #tpu.memory_space<vmem_shared>>) offsets(%arg10 : memref<128xi32, #tpu.memory_space<vmem>>) semaphore(%arg16 : memref<!tpu.dma_semaphore, #tpu.memory_space<semaphore_mem>>) {add = true}
    %scan3A = arith.constant 0 : i32
    %scan3A_51 = arith.constant 0 : i32
    %scan3A_52 = arith.constant 1 : i32
    %scan3A_53 = arith.constant 39 : i32
    %scan3A_54 = arith.addi %scan3A_52, %scan3A_53 : i32
    %scan3A_55 = arith.constant 1 : i32
    %scan3A_56 = scf.for %scan3A_69 = %scan3A_52 to %scan3A_54 step %scan3A_55 iter_args(%scan3A_70 = %scan3A_51) -> (i32)  : i32 {
      %mul3A_71 = arith.constant 2 : i32
      %mul3A_72 = arith.muli %scan3A_69, %mul3A_71 : i32
      %add3A_73 = arith.addi %mul3A_6, %mul3A_72 : i32
      %dma_wait3A_74 = arith.constant 0 : i32
      %dma_wait3A_75 = arith.constant 0 : i32
      %dma_wait3A_76 = tpu.memref_slice %arg6[%dma_wait3A_74, %dma_wait3A_75] : memref<10240x128xf32, #tpu.memory_space<vmem_shared>> -> memref<10240x128xf32, #tpu.memory_space<vmem_shared>>
      tpu.wait_indirect_dma semaphore(%arg15 : memref<!tpu.dma_semaphore, #tpu.memory_space<semaphore_mem>>) src(%arg11 : memref<128x128xf32, #tpu.memory_space<vmem>>) dst(%dma_wait3A_76 : memref<10240x128xf32, #tpu.memory_space<vmem_shared>>)
      %add3A_77 = arith.constant 0 : i32
      %add3A_78 = arith.addi %add3A_73, %add3A_77 : i32
      %mul3A_79 = arith.constant 128 : i32
      %mul3A_80 = arith.muli %add3A_78, %mul3A_79 : i32
      "tpu.region"() ({
        %run_scoped3A = tpu.sem_alloc : memref<!tpu.dma_semaphore, #tpu.memory_space<semaphore_mem>>
        %dma_start3A_123 = tpu.memref_slice %arg3[%mul3A_80] : memref<327680xi32, #tpu.memory_space<hbm>> -> memref<128xi32, #tpu.memory_space<hbm>>
        %dma_start3A_124 = tpu.memref_slice %arg3[%mul3A_80] : memref<327680xi32, #tpu.memory_space<hbm>> -> memref<128xi32, #tpu.memory_space<hbm>>
        tpu.enqueue_dma source(%dma_start3A_124 : memref<128xi32, #tpu.memory_space<hbm>>) target(%arg7 : memref<128xi32, #tpu.memory_space<vmem>>) target_semaphore(%run_scoped3A : memref<!tpu.dma_semaphore, #tpu.memory_space<semaphore_mem>>)
        %dma_wait3A_125 = tpu.memref_slice %arg3[%mul3A_80] : memref<327680xi32, #tpu.memory_space<hbm>> -> memref<128xi32, #tpu.memory_space<hbm>>
        %dma_wait3A_126 = tpu.memref_slice %arg3[%mul3A_80] : memref<327680xi32, #tpu.memory_space<hbm>> -> memref<128xi32, #tpu.memory_space<hbm>>
        tpu.wait_dma2 semaphore(%run_scoped3A : memref<!tpu.dma_semaphore, #tpu.memory_space<semaphore_mem>>) src(%dma_wait3A_126 : memref<128xi32, #tpu.memory_space<hbm>>) dst(%arg7 : memref<128xi32, #tpu.memory_space<vmem>>)
        tpu.yield
      }) : () -> ()
      "tpu.region"() ({
        %run_scoped3A = tpu.sem_alloc : memref<!tpu.dma_semaphore, #tpu.memory_space<semaphore_mem>>
        %dma_start3A_123 = tpu.memref_slice %arg4[%mul3A_80] : memref<327680xi32, #tpu.memory_space<hbm>> -> memref<128xi32, #tpu.memory_space<hbm>>
        %dma_start3A_124 = tpu.memref_slice %arg4[%mul3A_80] : memref<327680xi32, #tpu.memory_space<hbm>> -> memref<128xi32, #tpu.memory_space<hbm>>
        tpu.enqueue_dma source(%dma_start3A_124 : memref<128xi32, #tpu.memory_space<hbm>>) target(%arg9 : memref<128xi32, #tpu.memory_space<vmem>>) target_semaphore(%run_scoped3A : memref<!tpu.dma_semaphore, #tpu.memory_space<semaphore_mem>>)
        %dma_wait3A_125 = tpu.memref_slice %arg4[%mul3A_80] : memref<327680xi32, #tpu.memory_space<hbm>> -> memref<128xi32, #tpu.memory_space<hbm>>
        %dma_wait3A_126 = tpu.memref_slice %arg4[%mul3A_80] : memref<327680xi32, #tpu.memory_space<hbm>> -> memref<128xi32, #tpu.memory_space<hbm>>
        tpu.wait_dma2 semaphore(%run_scoped3A : memref<!tpu.dma_semaphore, #tpu.memory_space<semaphore_mem>>) src(%dma_wait3A_126 : memref<128xi32, #tpu.memory_space<hbm>>) dst(%arg9 : memref<128xi32, #tpu.memory_space<vmem>>)
        tpu.yield
      }) : () -> ()
      %dma_start3A_81 = arith.constant 0 : i32
      %dma_start3A_82 = arith.constant 0 : i32
      %dma_start3A_83 = tpu.memref_slice %arg2[%scan3A, %dma_start3A_81, %dma_start3A_82] : memref<2x10240x128xf32, #tpu.memory_space<hbm>> -> memref<1x10240x128xf32, #tpu.memory_space<hbm>>
      %dma_start3A_84 = tpu.memref_squeeze %dma_start3A_83 : memref<1x10240x128xf32, #tpu.memory_space<hbm>> -> memref<10240x128xf32, #tpu.memory_space<hbm>>
      %dma_start3A_85 = arith.constant 0 : i32
      %dma_start3A_86 = arith.constant 0 : i32
      %dma_start3A_87 = tpu.memref_slice %dma_start3A_84[%dma_start3A_85, %dma_start3A_86] : memref<10240x128xf32, #tpu.memory_space<hbm>> -> memref<10240x128xf32, #tpu.memory_space<hbm>>
      tpu.enqueue_indirect_dma source(%dma_start3A_87 : memref<10240x128xf32, #tpu.memory_space<hbm>>) target(%arg11 : memref<128x128xf32, #tpu.memory_space<vmem>>) offsets(%arg7 : memref<128xi32, #tpu.memory_space<vmem>>) semaphore(%arg13 : memref<!tpu.dma_semaphore, #tpu.memory_space<semaphore_mem>>)
      %dma_wait3A_88 = arith.constant 0 : i32
      %dma_wait3A_89 = arith.constant 0 : i32
      %dma_wait3A_90 = tpu.memref_slice %arg6[%dma_wait3A_88, %dma_wait3A_89] : memref<10240x128xf32, #tpu.memory_space<vmem_shared>> -> memref<10240x128xf32, #tpu.memory_space<vmem_shared>>
      tpu.wait_indirect_dma semaphore(%arg16 : memref<!tpu.dma_semaphore, #tpu.memory_space<semaphore_mem>>) src(%arg12 : memref<128x128xf32, #tpu.memory_space<vmem>>) dst(%dma_wait3A_90 : memref<10240x128xf32, #tpu.memory_space<vmem_shared>>)
      %add3A_91 = arith.constant 1 : i32
      %add3A_92 = arith.addi %add3A_73, %add3A_91 : i32
      %mul3A_93 = arith.constant 128 : i32
      %mul3A_94 = arith.muli %add3A_92, %mul3A_93 : i32
      "tpu.region"() ({
        %run_scoped3A = tpu.sem_alloc : memref<!tpu.dma_semaphore, #tpu.memory_space<semaphore_mem>>
        %dma_start3A_123 = tpu.memref_slice %arg3[%mul3A_94] : memref<327680xi32, #tpu.memory_space<hbm>> -> memref<128xi32, #tpu.memory_space<hbm>>
        %dma_start3A_124 = tpu.memref_slice %arg3[%mul3A_94] : memref<327680xi32, #tpu.memory_space<hbm>> -> memref<128xi32, #tpu.memory_space<hbm>>
        tpu.enqueue_dma source(%dma_start3A_124 : memref<128xi32, #tpu.memory_space<hbm>>) target(%arg8 : memref<128xi32, #tpu.memory_space<vmem>>) target_semaphore(%run_scoped3A : memref<!tpu.dma_semaphore, #tpu.memory_space<semaphore_mem>>)
        %dma_wait3A_125 = tpu.memref_slice %arg3[%mul3A_94] : memref<327680xi32, #tpu.memory_space<hbm>> -> memref<128xi32, #tpu.memory_space<hbm>>
        %dma_wait3A_126 = tpu.memref_slice %arg3[%mul3A_94] : memref<327680xi32, #tpu.memory_space<hbm>> -> memref<128xi32, #tpu.memory_space<hbm>>
        tpu.wait_dma2 semaphore(%run_scoped3A : memref<!tpu.dma_semaphore, #tpu.memory_space<semaphore_mem>>) src(%dma_wait3A_126 : memref<128xi32, #tpu.memory_space<hbm>>) dst(%arg8 : memref<128xi32, #tpu.memory_space<vmem>>)
        tpu.yield
      }) : () -> ()
      "tpu.region"() ({
        %run_scoped3A = tpu.sem_alloc : memref<!tpu.dma_semaphore, #tpu.memory_space<semaphore_mem>>
        %dma_start3A_123 = tpu.memref_slice %arg4[%mul3A_94] : memref<327680xi32, #tpu.memory_space<hbm>> -> memref<128xi32, #tpu.memory_space<hbm>>
        %dma_start3A_124 = tpu.memref_slice %arg4[%mul3A_94] : memref<327680xi32, #tpu.memory_space<hbm>> -> memref<128xi32, #tpu.memory_space<hbm>>
        tpu.enqueue_dma source(%dma_start3A_124 : memref<128xi32, #tpu.memory_space<hbm>>) target(%arg10 : memref<128xi32, #tpu.memory_space<vmem>>) target_semaphore(%run_scoped3A : memref<!tpu.dma_semaphore, #tpu.memory_space<semaphore_mem>>)
        %dma_wait3A_125 = tpu.memref_slice %arg4[%mul3A_94] : memref<327680xi32, #tpu.memory_space<hbm>> -> memref<128xi32, #tpu.memory_space<hbm>>
        %dma_wait3A_126 = tpu.memref_slice %arg4[%mul3A_94] : memref<327680xi32, #tpu.memory_space<hbm>> -> memref<128xi32, #tpu.memory_space<hbm>>
        tpu.wait_dma2 semaphore(%run_scoped3A : memref<!tpu.dma_semaphore, #tpu.memory_space<semaphore_mem>>) src(%dma_wait3A_126 : memref<128xi32, #tpu.memory_space<hbm>>) dst(%arg10 : memref<128xi32, #tpu.memory_space<vmem>>)
        tpu.yield
      }) : () -> ()
      %dma_start3A_95 = arith.constant 0 : i32
      %dma_start3A_96 = arith.constant 0 : i32
      %dma_start3A_97 = tpu.memref_slice %arg2[%scan3A, %dma_start3A_95, %dma_start3A_96] : memref<2x10240x128xf32, #tpu.memory_space<hbm>> -> memref<1x10240x128xf32, #tpu.memory_space<hbm>>
      %dma_start3A_98 = tpu.memref_squeeze %dma_start3A_97 : memref<1x10240x128xf32, #tpu.memory_space<hbm>> -> memref<10240x128xf32, #tpu.memory_space<hbm>>
      %dma_start3A_99 = arith.constant 0 : i32
      %dma_start3A_100 = arith.constant 0 : i32
      %dma_start3A_101 = tpu.memref_slice %dma_start3A_98[%dma_start3A_99, %dma_start3A_100] : memref<10240x128xf32, #tpu.memory_space<hbm>> -> memref<10240x128xf32, #tpu.memory_space<hbm>>
      tpu.enqueue_indirect_dma source(%dma_start3A_101 : memref<10240x128xf32, #tpu.memory_space<hbm>>) target(%arg12 : memref<128x128xf32, #tpu.memory_space<vmem>>) offsets(%arg8 : memref<128xi32, #tpu.memory_space<vmem>>) semaphore(%arg14 : memref<!tpu.dma_semaphore, #tpu.memory_space<semaphore_mem>>)
      %dma_wait3A_102 = arith.constant 0 : i32
      %dma_wait3A_103 = arith.constant 0 : i32
      %dma_wait3A_104 = tpu.memref_slice %arg2[%scan3A, %dma_wait3A_102, %dma_wait3A_103] : memref<2x10240x128xf32, #tpu.memory_space<hbm>> -> memref<1x10240x128xf32, #tpu.memory_space<hbm>>
      %dma_wait3A_105 = tpu.memref_squeeze %dma_wait3A_104 : memref<1x10240x128xf32, #tpu.memory_space<hbm>> -> memref<10240x128xf32, #tpu.memory_space<hbm>>
      %dma_wait3A_106 = arith.constant 0 : i32
      %dma_wait3A_107 = arith.constant 0 : i32
      %dma_wait3A_108 = tpu.memref_slice %dma_wait3A_105[%dma_wait3A_106, %dma_wait3A_107] : memref<10240x128xf32, #tpu.memory_space<hbm>> -> memref<10240x128xf32, #tpu.memory_space<hbm>>
      tpu.wait_indirect_dma semaphore(%arg13 : memref<!tpu.dma_semaphore, #tpu.memory_space<semaphore_mem>>) src(%dma_wait3A_108 : memref<10240x128xf32, #tpu.memory_space<hbm>>) dst(%arg11 : memref<128x128xf32, #tpu.memory_space<vmem>>)
      %dma_start3A_109 = arith.constant 0 : i32
      %dma_start3A_110 = arith.constant 0 : i32
      %dma_start3A_111 = tpu.memref_slice %arg6[%dma_start3A_109, %dma_start3A_110] : memref<10240x128xf32, #tpu.memory_space<vmem_shared>> -> memref<10240x128xf32, #tpu.memory_space<vmem_shared>>
      tpu.enqueue_indirect_dma source(%arg11 : memref<128x128xf32, #tpu.memory_space<vmem>>) target(%dma_start3A_111 : memref<10240x128xf32, #tpu.memory_space<vmem_shared>>) offsets(%arg9 : memref<128xi32, #tpu.memory_space<vmem>>) semaphore(%arg15 : memref<!tpu.dma_semaphore, #tpu.memory_space<semaphore_mem>>) {add = true}
      %dma_wait3A_112 = arith.constant 0 : i32
      %dma_wait3A_113 = arith.constant 0 : i32
      %dma_wait3A_114 = tpu.memref_slice %arg2[%scan3A, %dma_wait3A_112, %dma_wait3A_113] : memref<2x10240x128xf32, #tpu.memory_space<hbm>> -> memref<1x10240x128xf32, #tpu.memory_space<hbm>>
      %dma_wait3A_115 = tpu.memref_squeeze %dma_wait3A_114 : memref<1x10240x128xf32, #tpu.memory_space<hbm>> -> memref<10240x128xf32, #tpu.memory_space<hbm>>
      %dma_wait3A_116 = arith.constant 0 : i32
      %dma_wait3A_117 = arith.constant 0 : i32
      %dma_wait3A_118 = tpu.memref_slice %dma_wait3A_115[%dma_wait3A_116, %dma_wait3A_117] : memref<10240x128xf32, #tpu.memory_space<hbm>> -> memref<10240x128xf32, #tpu.memory_space<hbm>>
      tpu.wait_indirect_dma semaphore(%arg14 : memref<!tpu.dma_semaphore, #tpu.memory_space<semaphore_mem>>) src(%dma_wait3A_118 : memref<10240x128xf32, #tpu.memory_space<hbm>>) dst(%arg12 : memref<128x128xf32, #tpu.memory_space<vmem>>)
      %dma_start3A_119 = arith.constant 0 : i32
      %dma_start3A_120 = arith.constant 0 : i32
      %dma_start3A_121 = tpu.memref_slice %arg6[%dma_start3A_119, %dma_start3A_120] : memref<10240x128xf32, #tpu.memory_space<vmem_shared>> -> memref<10240x128xf32, #tpu.memory_space<vmem_shared>>
      tpu.enqueue_indirect_dma source(%arg12 : memref<128x128xf32, #tpu.memory_space<vmem>>) target(%dma_start3A_121 : memref<10240x128xf32, #tpu.memory_space<vmem_shared>>) offsets(%arg10 : memref<128xi32, #tpu.memory_space<vmem>>) semaphore(%arg16 : memref<!tpu.dma_semaphore, #tpu.memory_space<semaphore_mem>>) {add = true}
      %scan3A_122 = arith.constant 0 : i32
      scf.yield %scan3A_122 : i32
    }
    %scan3A_57 = arith.constant 39 : i32
    %dma_wait3A_58 = arith.constant 0 : i32
    %dma_wait3A_59 = arith.constant 0 : i32
    %dma_wait3A_60 = tpu.memref_slice %arg6[%dma_wait3A_58, %dma_wait3A_59] : memref<10240x128xf32, #tpu.memory_space<vmem_shared>> -> memref<10240x128xf32, #tpu.memory_space<vmem_shared>>
    tpu.wait_indirect_dma semaphore(%arg15 : memref<!tpu.dma_semaphore, #tpu.memory_space<semaphore_mem>>) src(%arg11 : memref<128x128xf32, #tpu.memory_space<vmem>>) dst(%dma_wait3A_60 : memref<10240x128xf32, #tpu.memory_space<vmem_shared>>)
    %dma_wait3A_61 = arith.constant 0 : i32
    %dma_wait3A_62 = arith.constant 0 : i32
    %dma_wait3A_63 = tpu.memref_slice %arg6[%dma_wait3A_61, %dma_wait3A_62] : memref<10240x128xf32, #tpu.memory_space<vmem_shared>> -> memref<10240x128xf32, #tpu.memory_space<vmem_shared>>
    tpu.wait_indirect_dma semaphore(%arg16 : memref<!tpu.dma_semaphore, #tpu.memory_space<semaphore_mem>>) src(%arg12 : memref<128x128xf32, #tpu.memory_space<vmem>>) dst(%dma_wait3A_63 : memref<10240x128xf32, #tpu.memory_space<vmem_shared>>)
    %barrier3A_64 = arith.constant 0 : index
    tpu.barrier barrier_id(%barrier3A_64)
    %mul3A_65 = arith.constant 640 : i32
    %mul3A_66 = arith.muli %arg1, %mul3A_65 : i32
    %mul3A_67 = arith.constant 640 : i32
    %mul3A_68 = arith.muli %arg1, %mul3A_67 : i32
    "tpu.region"() ({
      %run_scoped3A = tpu.sem_alloc : memref<!tpu.dma_semaphore, #tpu.memory_space<semaphore_mem>>
      %dma_start3A_69 = arith.constant 0 : i32
      %dma_start3A_70 = arith.constant 0 : i32
      %dma_start3A_71 = tpu.memref_slice %arg5[%arg0, %dma_start3A_69, %dma_start3A_70] : memref<2x10240x128xf32, #tpu.memory_space<hbm>> -> memref<1x10240x128xf32, #tpu.memory_space<hbm>>
      %dma_start3A_72 = tpu.memref_squeeze %dma_start3A_71 : memref<1x10240x128xf32, #tpu.memory_space<hbm>> -> memref<10240x128xf32, #tpu.memory_space<hbm>>
      %dma_start3A_73 = arith.constant 0 : i32
      %dma_start3A_74 = tpu.memref_slice %dma_start3A_72[%mul3A_68, %dma_start3A_73] : memref<10240x128xf32, #tpu.memory_space<hbm>> -> memref<640x128xf32, #tpu.memory_space<hbm>>
      %dma_start3A_75 = arith.constant 0 : i32
      %dma_start3A_76 = tpu.memref_slice %arg6[%mul3A_66, %dma_start3A_75] : memref<10240x128xf32, #tpu.memory_space<vmem_shared>> -> memref<640x128xf32, #tpu.memory_space<vmem_shared>>
      tpu.enqueue_dma source(%dma_start3A_76 : memref<640x128xf32, #tpu.memory_space<vmem_shared>>) target(%dma_start3A_74 : memref<640x128xf32, #tpu.memory_space<hbm>>) target_semaphore(%run_scoped3A : memref<!tpu.dma_semaphore, #tpu.memory_space<semaphore_mem>>)
      %dma_wait3A_77 = arith.constant 0 : i32
      %dma_wait3A_78 = arith.constant 0 : i32
      %dma_wait3A_79 = tpu.memref_slice %arg5[%arg0, %dma_wait3A_77, %dma_wait3A_78] : memref<2x10240x128xf32, #tpu.memory_space<hbm>> -> memref<1x10240x128xf32, #tpu.memory_space<hbm>>
      %dma_wait3A_80 = tpu.memref_squeeze %dma_wait3A_79 : memref<1x10240x128xf32, #tpu.memory_space<hbm>> -> memref<10240x128xf32, #tpu.memory_space<hbm>>
      %dma_wait3A_81 = arith.constant 0 : i32
      %dma_wait3A_82 = tpu.memref_slice %dma_wait3A_80[%mul3A_68, %dma_wait3A_81] : memref<10240x128xf32, #tpu.memory_space<hbm>> -> memref<640x128xf32, #tpu.memory_space<hbm>>
      %dma_wait3A_83 = arith.constant 0 : i32
      %dma_wait3A_84 = tpu.memref_slice %arg6[%mul3A_66, %dma_wait3A_83] : memref<10240x128xf32, #tpu.memory_space<vmem_shared>> -> memref<640x128xf32, #tpu.memory_space<vmem_shared>>
      tpu.wait_dma2 semaphore(%run_scoped3A : memref<!tpu.dma_semaphore, #tpu.memory_space<semaphore_mem>>) src(%dma_wait3A_84 : memref<640x128xf32, #tpu.memory_space<vmem_shared>>) dst(%dma_wait3A_82 : memref<640x128xf32, #tpu.memory_space<hbm>>)
      tpu.yield
    }) : () -> ()
    return
  }
}

module attributes {stable_mosaic.version = 14 : i64} {
  func.func @_l0_body(%arg0: i32, %arg1: memref<2048x128xf32, #tpu.memory_space<vmem>>, %arg2: memref<128x256xf32, #tpu.memory_space<vmem>>, %arg3: memref<2048x1xf32, #tpu.memory_space<vmem>>, %arg4: memref<2x2048x128xf32, #tpu.memory_space<vmem>>) attributes {dimension_semantics = [#tpu.dimension_semantics<arbitrary>], iteration_bounds = array<i64: 5>, scalar_prefetch = 0 : i64, scratch_operands = 0 : i64, tpu.core_type = #tpu.core_type<tc>, window_params = [{transform_indices = @transform_0, window_bounds = array<i64: 2048, 128>}, {pipeline_mode = #tpu.pipeline_mode<synchronous>, transform_indices = @transform_1, window_bounds = array<i64: 128, 256>}, {transform_indices = @transform_2, window_bounds = array<i64: 2048, 1>}, {transform_indices = @transform_3, window_bounds = array<i64: 2, 2048, 128>}]} {
    %get3A = arith.constant 0 : index
    %get3A_0 = arith.constant 0 : index
    %get3A_1 = vector.load %arg1[%get3A, %get3A_0] : memref<2048x128xf32, #tpu.memory_space<vmem>>, vector<2048x128xf32>
    %get3A_2 = arith.constant 0 : index
    %get3A_3 = arith.constant 0 : index
    %get3A_4 = vector.load %arg2[%get3A_2, %get3A_3] : memref<128x256xf32, #tpu.memory_space<vmem>>, vector<128x256xf32>
    %dot_general3A = arith.constant dense<0.000000e+00> : vector<2048x256xf32>
    %dot_general3A_5 = tpu.matmul %get3A_1, %get3A_4, %dot_general3A {dimension_numbers = #tpu.dot_dimension_numbers<[1], [0], [0], [1], [0, 0, 1, 1], [], []>, transpose_lhs_hint = false} : vector<2048x128xf32>, vector<128x256xf32>, vector<2048x256xf32> -> vector<2048x256xf32>
    %get3A_6 = arith.constant 0 : index
    %get3A_7 = arith.constant 0 : index
    %get3A_8 = vector.load %arg3[%get3A_6, %get3A_7] : memref<2048x1xf32, #tpu.memory_space<vmem>>, vector<2048x1xf32>
    %mul3A = vector.broadcast %get3A_8 : vector<2048x1xf32> to vector<2048x256xf32>
    %mul3A_9 = arith.mulf %dot_general3A_5, %mul3A : vector<2048x256xf32>
    %slice3A = vector.extract_strided_slice %mul3A_9 {offsets = [0, 0], sizes = [2048, 128], strides = [1, 1]} : vector<2048x256xf32> to vector<2048x128xf32>
    %swap3A = arith.constant 0 : index
    %swap3A_10 = arith.constant 0 : index
    %swap3A_11 = arith.constant 0 : index
    %swap3A_12 = vector.load %arg4[%swap3A, %swap3A_10, %swap3A_11] : memref<2x2048x128xf32, #tpu.memory_space<vmem>>, vector<1x2048x128xf32>
    %swap3A_13 = vector.shape_cast %swap3A_12 : vector<1x2048x128xf32> to vector<2048x128xf32>
    %swap3A_14 = vector.shape_cast %slice3A : vector<2048x128xf32> to vector<1x2048x128xf32>
    tpu.vector_store %arg4[%swap3A, %swap3A_10, %swap3A_11], %swap3A_14 {strides = array<i32>} : memref<2x2048x128xf32, #tpu.memory_space<vmem>>, vector<1x2048x128xf32>,
    %slice3A_15 = vector.extract_strided_slice %mul3A_9 {offsets = [0, 128], sizes = [2048, 128], strides = [1, 1]} : vector<2048x256xf32> to vector<2048x128xf32>
    %swap3A_16 = arith.constant 1 : index
    %swap3A_17 = arith.constant 0 : index
    %swap3A_18 = arith.constant 0 : index
    %swap3A_19 = vector.load %arg4[%swap3A_16, %swap3A_17, %swap3A_18] : memref<2x2048x128xf32, #tpu.memory_space<vmem>>, vector<1x2048x128xf32>
    %swap3A_20 = vector.shape_cast %swap3A_19 : vector<1x2048x128xf32> to vector<2048x128xf32>
    %swap3A_21 = vector.shape_cast %slice3A_15 : vector<2048x128xf32> to vector<1x2048x128xf32>
    tpu.vector_store %arg4[%swap3A_16, %swap3A_17, %swap3A_18], %swap3A_21 {strides = array<i32>} : memref<2x2048x128xf32, #tpu.memory_space<vmem>>, vector<1x2048x128xf32>,
    return
  }
  func.func @transform_0(%arg0: i32) -> (i32, i32) {
    %c0_i32 = arith.constant 0 : i32
    %c0_i32_0 = arith.constant 0 : i32
    return %arg0, %c0_i32 : i32, i32
  }
  func.func @transform_1(%arg0: i32) -> (i32, i32) {
    %c0_i32 = arith.constant 0 : i32
    %c0_i32_0 = arith.constant 0 : i32
    %c0_i32_1 = arith.constant 0 : i32
    return %c0_i32, %c0_i32_0 : i32, i32
  }
  func.func @transform_2(%arg0: i32) -> (i32, i32) {
    %c0_i32 = arith.constant 0 : i32
    %c0_i32_0 = arith.constant 0 : i32
    return %arg0, %c0_i32 : i32, i32
  }
  func.func @transform_3(%arg0: i32) -> (i32, i32, i32) {
    %c0_i32 = arith.constant 0 : i32
    %c0_i32_0 = arith.constant 0 : i32
    %c0_i32_1 = arith.constant 0 : i32
    return %c0_i32, %arg0, %c0_i32_0 : i32, i32, i32
  }
}

module attributes {stable_mosaic.version = 14 : i64} {
  func.func @_mid_body(%arg0: i32, %arg1: memref<2x2048x128xf32, #tpu.memory_space<vmem>>, %arg2: memref<2048x1xf32, #tpu.memory_space<vmem>>, %arg3: memref<1x256xf32, #tpu.memory_space<vmem>>, %arg4: memref<256x256xf32, #tpu.memory_space<vmem>>, %arg5: memref<2x2048x128xf32, #tpu.memory_space<vmem>>) attributes {dimension_semantics = [#tpu.dimension_semantics<arbitrary>], iteration_bounds = array<i64: 5>, scalar_prefetch = 0 : i64, scratch_operands = 0 : i64, tpu.core_type = #tpu.core_type<tc>, window_params = [{transform_indices = @transform_0, window_bounds = array<i64: 2, 2048, 128>}, {transform_indices = @transform_1, window_bounds = array<i64: 2048, 1>}, {pipeline_mode = #tpu.pipeline_mode<synchronous>, transform_indices = @transform_2, window_bounds = array<i64: 1, 256>}, {pipeline_mode = #tpu.pipeline_mode<synchronous>, transform_indices = @transform_3, window_bounds = array<i64: 256, 256>}, {transform_indices = @transform_4, window_bounds = array<i64: 2, 2048, 128>}]} {
    %get3A = arith.constant 0 : index
    %get3A_0 = arith.constant 0 : index
    %get3A_1 = arith.constant 0 : index
    %get3A_2 = vector.load %arg1[%get3A, %get3A_0, %get3A_1] : memref<2x2048x128xf32, #tpu.memory_space<vmem>>, vector<1x2048x128xf32>
    %get3A_3 = vector.shape_cast %get3A_2 : vector<1x2048x128xf32> to vector<2048x128xf32>
    %get3A_4 = arith.constant 1 : index
    %get3A_5 = arith.constant 0 : index
    %get3A_6 = arith.constant 0 : index
    %get3A_7 = vector.load %arg1[%get3A_4, %get3A_5, %get3A_6] : memref<2x2048x128xf32, #tpu.memory_space<vmem>>, vector<1x2048x128xf32>
    %get3A_8 = vector.shape_cast %get3A_7 : vector<1x2048x128xf32> to vector<2048x128xf32>
    %concatenate3A = tpu.concatenate %get3A_3, %get3A_8 in 1 : vector<2048x128xf32>, vector<2048x128xf32> -> vector<2048x256xf32>
    %get3A_9 = arith.constant 0 : index
    %get3A_10 = arith.constant 0 : index
    %get3A_11 = vector.load %arg2[%get3A_9, %get3A_10] : memref<2048x1xf32, #tpu.memory_space<vmem>>, vector<2048x1xf32>
    %mul3A = vector.broadcast %get3A_11 : vector<2048x1xf32> to vector<2048x256xf32>
    %mul3A_12 = arith.mulf %concatenate3A, %mul3A : vector<2048x256xf32>
    %get3A_13 = arith.constant 0 : index
    %get3A_14 = arith.constant 0 : index
    %get3A_15 = vector.load %arg3[%get3A_13, %get3A_14] : memref<1x256xf32, #tpu.memory_space<vmem>>, vector<1x256xf32>
    %add3A = vector.broadcast %get3A_15 : vector<1x256xf32> to vector<2048x256xf32>
    %add3A_16 = arith.addf %mul3A_12, %add3A : vector<2048x256xf32>
    %max3A = arith.constant 0.000000e+00 : f32
    %max3A_17 = vector.broadcast %max3A : f32 to vector<2048x256xf32>
    %max3A_18 = arith.maximumf %add3A_16, %max3A_17 : vector<2048x256xf32>
    %get3A_19 = arith.constant 0 : index
    %get3A_20 = arith.constant 0 : index
    %get3A_21 = vector.load %arg4[%get3A_19, %get3A_20] : memref<256x256xf32, #tpu.memory_space<vmem>>, vector<256x256xf32>
    %dot_general3A = arith.constant dense<0.000000e+00> : vector<2048x256xf32>
    %dot_general3A_22 = tpu.matmul %max3A_18, %get3A_21, %dot_general3A {dimension_numbers = #tpu.dot_dimension_numbers<[1], [0], [0], [1], [0, 0, 1, 1], [], []>, transpose_lhs_hint = false} : vector<2048x256xf32>, vector<256x256xf32>, vector<2048x256xf32> -> vector<2048x256xf32>
    %get3A_23 = arith.constant 0 : index
    %get3A_24 = arith.constant 0 : index
    %get3A_25 = vector.load %arg2[%get3A_23, %get3A_24] : memref<2048x1xf32, #tpu.memory_space<vmem>>, vector<2048x1xf32>
    %mul3A_26 = vector.broadcast %get3A_25 : vector<2048x1xf32> to vector<2048x256xf32>
    %mul3A_27 = arith.mulf %dot_general3A_22, %mul3A_26 : vector<2048x256xf32>
    %slice3A = vector.extract_strided_slice %mul3A_27 {offsets = [0, 0], sizes = [2048, 128], strides = [1, 1]} : vector<2048x256xf32> to vector<2048x128xf32>
    %swap3A = arith.constant 0 : index
    %swap3A_28 = arith.constant 0 : index
    %swap3A_29 = arith.constant 0 : index
    %swap3A_30 = vector.load %arg5[%swap3A, %swap3A_28, %swap3A_29] : memref<2x2048x128xf32, #tpu.memory_space<vmem>>, vector<1x2048x128xf32>
    %swap3A_31 = vector.shape_cast %swap3A_30 : vector<1x2048x128xf32> to vector<2048x128xf32>
    %swap3A_32 = vector.shape_cast %slice3A : vector<2048x128xf32> to vector<1x2048x128xf32>
    tpu.vector_store %arg5[%swap3A, %swap3A_28, %swap3A_29], %swap3A_32 {strides = array<i32>} : memref<2x2048x128xf32, #tpu.memory_space<vmem>>, vector<1x2048x128xf32>,
    %slice3A_33 = vector.extract_strided_slice %mul3A_27 {offsets = [0, 128], sizes = [2048, 128], strides = [1, 1]} : vector<2048x256xf32> to vector<2048x128xf32>
    %swap3A_34 = arith.constant 1 : index
    %swap3A_35 = arith.constant 0 : index
    %swap3A_36 = arith.constant 0 : index
    %swap3A_37 = vector.load %arg5[%swap3A_34, %swap3A_35, %swap3A_36] : memref<2x2048x128xf32, #tpu.memory_space<vmem>>, vector<1x2048x128xf32>
    %swap3A_38 = vector.shape_cast %swap3A_37 : vector<1x2048x128xf32> to vector<2048x128xf32>
    %swap3A_39 = vector.shape_cast %slice3A_33 : vector<2048x128xf32> to vector<1x2048x128xf32>
    tpu.vector_store %arg5[%swap3A_34, %swap3A_35, %swap3A_36], %swap3A_39 {strides = array<i32>} : memref<2x2048x128xf32, #tpu.memory_space<vmem>>, vector<1x2048x128xf32>,
    return
  }
  func.func @transform_0(%arg0: i32) -> (i32, i32, i32) {
    %c0_i32 = arith.constant 0 : i32
    %c0_i32_0 = arith.constant 0 : i32
    %c0_i32_1 = arith.constant 0 : i32
    return %c0_i32, %arg0, %c0_i32_0 : i32, i32, i32
  }
  func.func @transform_1(%arg0: i32) -> (i32, i32) {
    %c0_i32 = arith.constant 0 : i32
    %c0_i32_0 = arith.constant 0 : i32
    return %arg0, %c0_i32 : i32, i32
  }
  func.func @transform_2(%arg0: i32) -> (i32, i32) {
    %c0_i32 = arith.constant 0 : i32
    %c0_i32_0 = arith.constant 0 : i32
    %c0_i32_1 = arith.constant 0 : i32
    return %c0_i32, %c0_i32_0 : i32, i32
  }
  func.func @transform_3(%arg0: i32) -> (i32, i32) {
    %c0_i32 = arith.constant 0 : i32
    %c0_i32_0 = arith.constant 0 : i32
    %c0_i32_1 = arith.constant 0 : i32
    return %c0_i32, %c0_i32_0 : i32, i32
  }
  func.func @transform_4(%arg0: i32) -> (i32, i32, i32) {
    %c0_i32 = arith.constant 0 : i32
    %c0_i32_0 = arith.constant 0 : i32
    %c0_i32_1 = arith.constant 0 : i32
    return %c0_i32, %arg0, %c0_i32_0 : i32, i32, i32
  }
}

module attributes {stable_mosaic.version = 14 : i64} {
  func.func @_mid_body(%arg0: i32, %arg1: memref<2x2048x128xf32, #tpu.memory_space<vmem>>, %arg2: memref<2048x1xf32, #tpu.memory_space<vmem>>, %arg3: memref<1x256xf32, #tpu.memory_space<vmem>>, %arg4: memref<256x128xf32, #tpu.memory_space<vmem>>, %arg5: memref<2x2048x128xf32, #tpu.memory_space<vmem>>) attributes {dimension_semantics = [#tpu.dimension_semantics<arbitrary>], iteration_bounds = array<i64: 5>, scalar_prefetch = 0 : i64, scratch_operands = 0 : i64, tpu.core_type = #tpu.core_type<tc>, window_params = [{transform_indices = @transform_0, window_bounds = array<i64: 2, 2048, 128>}, {transform_indices = @transform_1, window_bounds = array<i64: 2048, 1>}, {pipeline_mode = #tpu.pipeline_mode<synchronous>, transform_indices = @transform_2, window_bounds = array<i64: 1, 256>}, {pipeline_mode = #tpu.pipeline_mode<synchronous>, transform_indices = @transform_3, window_bounds = array<i64: 256, 128>}, {transform_indices = @transform_4, window_bounds = array<i64: 2, 2048, 128>}]} {
    %get3A = arith.constant 0 : index
    %get3A_0 = arith.constant 0 : index
    %get3A_1 = arith.constant 0 : index
    %get3A_2 = vector.load %arg1[%get3A, %get3A_0, %get3A_1] : memref<2x2048x128xf32, #tpu.memory_space<vmem>>, vector<1x2048x128xf32>
    %get3A_3 = vector.shape_cast %get3A_2 : vector<1x2048x128xf32> to vector<2048x128xf32>
    %get3A_4 = arith.constant 1 : index
    %get3A_5 = arith.constant 0 : index
    %get3A_6 = arith.constant 0 : index
    %get3A_7 = vector.load %arg1[%get3A_4, %get3A_5, %get3A_6] : memref<2x2048x128xf32, #tpu.memory_space<vmem>>, vector<1x2048x128xf32>
    %get3A_8 = vector.shape_cast %get3A_7 : vector<1x2048x128xf32> to vector<2048x128xf32>
    %concatenate3A = tpu.concatenate %get3A_3, %get3A_8 in 1 : vector<2048x128xf32>, vector<2048x128xf32> -> vector<2048x256xf32>
    %get3A_9 = arith.constant 0 : index
    %get3A_10 = arith.constant 0 : index
    %get3A_11 = vector.load %arg2[%get3A_9, %get3A_10] : memref<2048x1xf32, #tpu.memory_space<vmem>>, vector<2048x1xf32>
    %mul3A = vector.broadcast %get3A_11 : vector<2048x1xf32> to vector<2048x256xf32>
    %mul3A_12 = arith.mulf %concatenate3A, %mul3A : vector<2048x256xf32>
    %get3A_13 = arith.constant 0 : index
    %get3A_14 = arith.constant 0 : index
    %get3A_15 = vector.load %arg3[%get3A_13, %get3A_14] : memref<1x256xf32, #tpu.memory_space<vmem>>, vector<1x256xf32>
    %add3A = vector.broadcast %get3A_15 : vector<1x256xf32> to vector<2048x256xf32>
    %add3A_16 = arith.addf %mul3A_12, %add3A : vector<2048x256xf32>
    %max3A = arith.constant 0.000000e+00 : f32
    %max3A_17 = vector.broadcast %max3A : f32 to vector<2048x256xf32>
    %max3A_18 = arith.maximumf %add3A_16, %max3A_17 : vector<2048x256xf32>
    %get3A_19 = arith.constant 0 : index
    %get3A_20 = arith.constant 0 : index
    %get3A_21 = vector.load %arg4[%get3A_19, %get3A_20] : memref<256x128xf32, #tpu.memory_space<vmem>>, vector<256x128xf32>
    %dot_general3A = arith.constant dense<0.000000e+00> : vector<2048x128xf32>
    %dot_general3A_22 = tpu.matmul %max3A_18, %get3A_21, %dot_general3A {dimension_numbers = #tpu.dot_dimension_numbers<[1], [0], [0], [1], [0, 0, 1, 1], [], []>, transpose_lhs_hint = false} : vector<2048x256xf32>, vector<256x128xf32>, vector<2048x128xf32> -> vector<2048x128xf32>
    %get3A_23 = arith.constant 0 : index
    %get3A_24 = arith.constant 0 : index
    %get3A_25 = vector.load %arg2[%get3A_23, %get3A_24] : memref<2048x1xf32, #tpu.memory_space<vmem>>, vector<2048x1xf32>
    %mul3A_26 = vector.broadcast %get3A_25 : vector<2048x1xf32> to vector<2048x128xf32>
    %mul3A_27 = arith.mulf %dot_general3A_22, %mul3A_26 : vector<2048x128xf32>
    %swap3A = arith.constant 0 : index
    %swap3A_28 = arith.constant 0 : index
    %swap3A_29 = arith.constant 0 : index
    %swap3A_30 = vector.load %arg5[%swap3A, %swap3A_28, %swap3A_29] : memref<2x2048x128xf32, #tpu.memory_space<vmem>>, vector<1x2048x128xf32>
    %swap3A_31 = vector.shape_cast %swap3A_30 : vector<1x2048x128xf32> to vector<2048x128xf32>
    %swap3A_32 = vector.shape_cast %mul3A_27 : vector<2048x128xf32> to vector<1x2048x128xf32>
    tpu.vector_store %arg5[%swap3A, %swap3A_28, %swap3A_29], %swap3A_32 {strides = array<i32>} : memref<2x2048x128xf32, #tpu.memory_space<vmem>>, vector<1x2048x128xf32>,
    %broadcast_in_dim3A = arith.constant 0.000000e+00 : f32
    %broadcast_in_dim3A_33 = vector.broadcast %broadcast_in_dim3A : f32 to vector<2048x128xf32>
    %swap3A_34 = arith.constant 1 : index
    %swap3A_35 = arith.constant 0 : index
    %swap3A_36 = arith.constant 0 : index
    %swap3A_37 = vector.load %arg5[%swap3A_34, %swap3A_35, %swap3A_36] : memref<2x2048x128xf32, #tpu.memory_space<vmem>>, vector<1x2048x128xf32>
    %swap3A_38 = vector.shape_cast %swap3A_37 : vector<1x2048x128xf32> to vector<2048x128xf32>
    %swap3A_39 = vector.shape_cast %broadcast_in_dim3A_33 : vector<2048x128xf32> to vector<1x2048x128xf32>
    tpu.vector_store %arg5[%swap3A_34, %swap3A_35, %swap3A_36], %swap3A_39 {strides = array<i32>} : memref<2x2048x128xf32, #tpu.memory_space<vmem>>, vector<1x2048x128xf32>,
    return
  }
  func.func @transform_0(%arg0: i32) -> (i32, i32, i32) {
    %c0_i32 = arith.constant 0 : i32
    %c0_i32_0 = arith.constant 0 : i32
    %c0_i32_1 = arith.constant 0 : i32
    return %c0_i32, %arg0, %c0_i32_0 : i32, i32, i32
  }
  func.func @transform_1(%arg0: i32) -> (i32, i32) {
    %c0_i32 = arith.constant 0 : i32
    %c0_i32_0 = arith.constant 0 : i32
    return %arg0, %c0_i32 : i32, i32
  }
  func.func @transform_2(%arg0: i32) -> (i32, i32) {
    %c0_i32 = arith.constant 0 : i32
    %c0_i32_0 = arith.constant 0 : i32
    %c0_i32_1 = arith.constant 0 : i32
    return %c0_i32, %c0_i32_0 : i32, i32
  }
  func.func @transform_3(%arg0: i32) -> (i32, i32) {
    %c0_i32 = arith.constant 0 : i32
    %c0_i32_0 = arith.constant 0 : i32
    %c0_i32_1 = arith.constant 0 : i32
    return %c0_i32, %c0_i32_0 : i32, i32
  }
  func.func @transform_4(%arg0: i32) -> (i32, i32, i32) {
    %c0_i32 = arith.constant 0 : i32
    %c0_i32_0 = arith.constant 0 : i32
    %c0_i32_1 = arith.constant 0 : i32
    return %c0_i32, %arg0, %c0_i32_0 : i32, i32, i32
  }
}

module attributes {stable_mosaic.version = 14 : i64} {
  func.func @_final_body(%arg0: i32, %arg1: memref<2x2048x128xf32, #tpu.memory_space<vmem>>, %arg2: memref<2048x1xf32, #tpu.memory_space<vmem>>, %arg3: memref<1x128xf32, #tpu.memory_space<vmem>>, %arg4: memref<2048x128xf32, #tpu.memory_space<vmem>>) attributes {dimension_semantics = [#tpu.dimension_semantics<arbitrary>], iteration_bounds = array<i64: 5>, scalar_prefetch = 0 : i64, scratch_operands = 0 : i64, tpu.core_type = #tpu.core_type<tc>, window_params = [{transform_indices = @transform_0, window_bounds = array<i64: 2, 2048, 128>}, {transform_indices = @transform_1, window_bounds = array<i64: 2048, 1>}, {pipeline_mode = #tpu.pipeline_mode<synchronous>, transform_indices = @transform_2, window_bounds = array<i64: 1, 128>}, {transform_indices = @transform_3, window_bounds = array<i64: 2048, 128>}]} {
    %get3A = arith.constant 0 : index
    %get3A_0 = arith.constant 0 : index
    %get3A_1 = arith.constant 0 : index
    %get3A_2 = vector.load %arg1[%get3A, %get3A_0, %get3A_1] : memref<2x2048x128xf32, #tpu.memory_space<vmem>>, vector<1x2048x128xf32>
    %get3A_3 = vector.shape_cast %get3A_2 : vector<1x2048x128xf32> to vector<2048x128xf32>
    %get3A_4 = arith.constant 1 : index
    %get3A_5 = arith.constant 0 : index
    %get3A_6 = arith.constant 0 : index
    %get3A_7 = vector.load %arg1[%get3A_4, %get3A_5, %get3A_6] : memref<2x2048x128xf32, #tpu.memory_space<vmem>>, vector<1x2048x128xf32>
    %get3A_8 = vector.shape_cast %get3A_7 : vector<1x2048x128xf32> to vector<2048x128xf32>
    %add3A = arith.addf %get3A_3, %get3A_8 : vector<2048x128xf32>
    %get3A_9 = arith.constant 0 : index
    %get3A_10 = arith.constant 0 : index
    %get3A_11 = vector.load %arg2[%get3A_9, %get3A_10] : memref<2048x1xf32, #tpu.memory_space<vmem>>, vector<2048x1xf32>
    %mul3A = vector.broadcast %get3A_11 : vector<2048x1xf32> to vector<2048x128xf32>
    %mul3A_12 = arith.mulf %add3A, %mul3A : vector<2048x128xf32>
    %get3A_13 = arith.constant 0 : index
    %get3A_14 = arith.constant 0 : index
    %get3A_15 = vector.load %arg3[%get3A_13, %get3A_14] : memref<1x128xf32, #tpu.memory_space<vmem>>, vector<1x128xf32>
    %add3A_16 = vector.broadcast %get3A_15 : vector<1x128xf32> to vector<2048x128xf32>
    %add3A_17 = arith.addf %mul3A_12, %add3A_16 : vector<2048x128xf32>
    %iota3A = tpu.iota {dimensions = array<i32: 1>} : vector<2048x128xi32>
    %lt3A = arith.constant 40 : i32
    %lt3A_18 = vector.broadcast %lt3A : i32 to vector<2048x128xi32>
    %lt3A_19 = arith.cmpi slt, %iota3A, %lt3A_18 : vector<2048x128xi32>
    %jit3A = arith.constant 0xFF800000 : f32
    %broadcast_in_dim3A = vector.broadcast %jit3A : f32 to vector<2048x128xf32>
    %select_n3A = arith.select %lt3A_19, %add3A_17, %broadcast_in_dim3A : vector<2048x128xi1>, vector<2048x128xf32>
    %reduce_max3A = arith.constant dense<0xFF800000> : vector<2048xf32>
    %reduce_max3A_20 = vector.multi_reduction <maximumf>, %select_n3A, %reduce_max3A [1] : vector<2048x128xf32> to vector<2048xf32>
    %broadcast_in_dim3A_21 = vector.shape_cast %reduce_max3A_20 : vector<2048xf32> to vector<2048x1xf32>
    %sub3A = vector.broadcast %broadcast_in_dim3A_21 : vector<2048x1xf32> to vector<2048x128xf32>
    %sub3A_22 = arith.subf %select_n3A, %sub3A : vector<2048x128xf32>
    %exp3A = math.exp %sub3A_22 : vector<2048x128xf32>
    %reduce_sum3A = arith.constant dense<0.000000e+00> : vector<2048xf32>
    %reduce_sum3A_23 = vector.multi_reduction <add>, %exp3A, %reduce_sum3A [1] : vector<2048x128xf32> to vector<2048xf32>
    %broadcast_in_dim3A_24 = vector.shape_cast %reduce_sum3A_23 : vector<2048xf32> to vector<2048x1xf32>
    %log3A = math.log %broadcast_in_dim3A_24 : vector<2048x1xf32>
    %add3A_25 = arith.addf %log3A, %broadcast_in_dim3A_21 : vector<2048x1xf32>
    %sub3A_26 = vector.broadcast %add3A_25 : vector<2048x1xf32> to vector<2048x128xf32>
    %sub3A_27 = arith.subf %add3A_17, %sub3A_26 : vector<2048x128xf32>
    %swap3A = arith.constant 0 : index
    %swap3A_28 = arith.constant 0 : index
    %swap3A_29 = vector.load %arg4[%swap3A, %swap3A_28] : memref<2048x128xf32, #tpu.memory_space<vmem>>, vector<2048x128xf32>
    tpu.vector_store %arg4[%swap3A, %swap3A_28], %sub3A_27 {strides = array<i32>} : memref<2048x128xf32, #tpu.memory_space<vmem>>, vector<2048x128xf32>,
    return
  }
  func.func @transform_0(%arg0: i32) -> (i32, i32, i32) {
    %c0_i32 = arith.constant 0 : i32
    %c0_i32_0 = arith.constant 0 : i32
    %c0_i32_1 = arith.constant 0 : i32
    return %c0_i32, %arg0, %c0_i32_0 : i32, i32, i32
  }
  func.func @transform_1(%arg0: i32) -> (i32, i32) {
    %c0_i32 = arith.constant 0 : i32
    %c0_i32_0 = arith.constant 0 : i32
    return %arg0, %c0_i32 : i32, i32
  }
  func.func @transform_2(%arg0: i32) -> (i32, i32) {
    %c0_i32 = arith.constant 0 : i32
    %c0_i32_0 = arith.constant 0 : i32
    %c0_i32_1 = arith.constant 0 : i32
    return %c0_i32, %c0_i32_0 : i32, i32
  }
  func.func @transform_3(%arg0: i32) -> (i32, i32) {
    %c0_i32 = arith.constant 0 : i32
    %c0_i32_0 = arith.constant 0 : i32
    return %arg0, %c0_i32 : i32, i32
  }
}

</mosaic_0001>

<sc_bundles>
// kernel: kernel.12.cloned.1.call-start
scs
__scs_entry_jumppad:
0x0: {  	(pc) =	sbr.rel $0x88, $3  }
0x1: {  	(tag) =	ssettag $0x0;
	lr =	simm.s32 $0x1  }
0x2: {  	[smem:$0x3F97] =	sst lr;
	_ =	strace $0xD0000000  }
0x3: {  	_ = 	snop  }
0x4: {  	_ = 	snop  }
0x5: {  	_ = 	snop  }
0x6: {  	_ = 	snop  }
0x7: {  	_ = 	snop  }
__scs_overlays_trampoline_lowered:
0x8: {  	[smem:$0x3FA6] =	sst s0  }
0x9: {  	[smem:$0x3FA7] =	sst s1  }
0xa: {  	[smem:$0x3FA8] =	sst s2  }
0xb: {  	[smem:$0x3FA9] =	sst s3  }
0xc: {  	[smem:$0x3FAA] =	sst s4  }
0xd: {  	[smem:$0x3FAB] =	sst s5  }
0xe: {  	[smem:$0x3FAC] =	sst s6  }
0xf: {  	[smem:$0x3FAD] =	sst s7  }
0x10: {  	[smem:$0x3FAE] =	sst s8  }
0x11: {  	[smem:$0x3FAF] =	sst s9;
	s0 =	simm.s32 @!p0 $0x0  }
0x12: {  	s1 =	sld [smem:$0x3F95];
	s0 =	simm.s32 @p0 $0x1  }
0x13: {  	[smem:$0x3FB0] =	sst s0;
	s0 =	simm.s32 @!p1 $0x0  }
0x14: {  	s2 =	sld [smem:$0x3F94];
	s0 =	simm.s32 @p1 $0x1  }
0x15: {  	[smem:$0x3FB1] =	sst s0;
	s0 =	simm.s32 @!p2 $0x0  }
0x16: {  	s3 =	sld [smem:$0x3FDB];
	s0 =	simm.s32 @p2 $0x1  }
0x17: {  	s4 =	simm.s32 $0x1BF5;
	[smem:$0x3FB3] =	sst s0  }
0x18: {  	s0 =	sld [smem:$0x3F96];
	_ =	swait.ge [sflag:s4], $0x0  }
0x19: {  	s7 =	sld [smem:$0x3F97]  }
0x1a: {  	s8 =	sadd.s32 $0xFFFFE003, lr  }
0x1b: {  	s9 =	sadd.s32 $0xFFFFFEF7, lr;
	s5 =	simm.s32 $0xFFFFFFFF;
	p2 =	slt.u32 s8, $0xFFFFF086  }
0x1c: {  	p1 =	slt.u32 s9, $0xF7A;
	s5 =	simm.s32 @!p2 $0x0  }
0x1d: {  	s5 =	simm.s32 @p1 $0x1;
	p0 =	seq.s32 s7, s2  }
0x1e: {  	s7 =	smul.u32 @!p0 $0xF7A, s2;
	p2 =	seq.s32 @!p0 s5, $0x0  }
0x1f: {  	s9 =	smul.u32 $0xF7A, s1;
	s8 =	simm.s32 @!p0 $0x1BF5;
	p2 =	por !p2, p0  }
0x20: {  	[sflag:s8] =	ssyncset.s32 @!p0 $0xFFFFF086;
	s6 =	sadd.s32 @!p0 s3, s7;
	s7 =	simm.s32 @!p0 $0x108  }
0x21: {  	s3 =	sadd.s32 s3, s9;
	s6 =	sadd.s32 @!p0 $0x88, s6;
	s7 =	simm.s32 @p2 $0x1082  }
0x22: {  	[simem:s7], [sflag:s8] =	dma.local @!p0 [hbm:s6], $0xF7A  }
0x23: {  	s9 =	sor.u32 $0xD0000000, s2;
	s6 =	simm.s32 $0x108;
	_ =	swait.ge @!p0 [sflag:s8], $0x0  }
0x24: {  	s3 =	sadd.s32 $0x88, s3;
	s6 =	simm.s32 @!p1 $0x1082;
	[sflag:s4] =	ssyncset.s32 $0xFFFFF086  }
0x25: {  	[simem:s6], [sflag:s4] =	dma.local [hbm:s3], $0xF7A  }
0x26: {  	[smem:$0x3F97] =	sst s1;
	(tag) =	ssettag s2;
	_ =	strace s9  }
0x27: {  	s1 =	sld [smem:$0x3FA7]  }
0x28: {  	s2 =	sld [smem:$0x3FA8]  }
0x29: {  	s4 =	sld [smem:$0x3FAA]  }
0x2a: {  	p0 =	seq.s32 s5, $0x0;
	s5 =	sld [smem:$0x3FAB]  }
0x2b: {  	s6 =	sld [smem:$0x3FAC]  }
0x2c: {  	s7 =	sld [smem:$0x3FAD]  }
0x2d: {  	s3 =	simm.s32 $0x108;
	s8 =	sld [smem:$0x3FAE]  }
0x2e: {  	s3 =	simm.s32 @!p0 $0x1082;
	s9 =	sld [smem:$0x3FAF]  }
0x2f: {  	lr =	sadd.s32 s0, s3;
	s0 =	sld [smem:$0x3FA6]  }
0x30: {  	s3 =	sld [smem:$0x3FA9]  }
0x31: {  	[smem:$0x3FB2] =	sst s10  }
0x32: {  	s10 =	sld [smem:$0x3FB0];
	_ =	sdelay $0x3  }
0x33: {  	p0 =	seq.s32 s10, $0x1;
	s10 =	sld [smem:$0x3FB2];
	_ =	sdelay $0x3  }
0x34: {  	[smem:$0x3FB2] =	sst s10  }
0x35: {  	s10 =	sld [smem:$0x3FB1];
	_ =	sdelay $0x3  }
0x36: {  	p1 =	seq.s32 s10, $0x1;
	s10 =	sld [smem:$0x3FB2];
	_ =	sdelay $0x3  }
0x37: {  	[smem:$0x3FB2] =	sst s10  }
0x38: {  	s10 =	sld [smem:$0x3FB3]  }
0x39: {  	_ = 	snop;
	(pc) =	sbr.ind lr, $3  }
0x3a: {  	_ = 	snop  }
0x3b: {  	_ = 	snop  }
0x3c: {  	p2 =	seq.s32 s10, $0x1;
	s10 =	sld [smem:$0x3FB2]  }
0x3d: {  	_ =	shalt  }
0x3e: {  	_ =	shalt  }
0x3f: {  	_ =	shalt  }
0x40: {  	_ =	shalt  }
0x41: {  	_ =	shalt  }
0x42: {  	_ =	shalt  }
0x43: {  	_ =	shalt  }
0x44: {  	_ =	shalt  }
0x45: {  	_ =	shalt  }
0x46: {  	_ =	shalt  }
0x47: {  	_ =	shalt  }
0x48: {  	_ =	shalt  }
0x49: {  	_ =	shalt  }
0x4a: {  	_ =	shalt  }
0x4b: {  	_ =	shalt  }
0x4c: {  	_ =	shalt  }
0x4d: {  	_ =	shalt  }
0x4e: {  	_ =	shalt  }
0x4f: {  	_ =	shalt  }
0x50: {  	_ =	shalt  }
0x51: {  	_ =	shalt  }
0x52: {  	_ =	shalt  }
0x53: {  	_ =	shalt  }
0x54: {  	_ =	shalt  }
0x55: {  	_ =	shalt  }
0x56: {  	_ =	shalt  }
0x57: {  	_ =	shalt  }
0x58: {  	_ =	shalt  }
0x59: {  	_ =	shalt  }
0x5a: {  	_ =	shalt  }
0x5b: {  	_ =	shalt  }
0x5c: {  	_ =	shalt  }
0x5d: {  	_ =	shalt  }
0x5e: {  	_ =	shalt  }
0x5f: {  	_ =	shalt  }
0x60: {  	_ =	shalt  }
0x61: {  	_ =	shalt  }
0x62: {  	_ =	shalt  }
0x63: {  	_ =	shalt  }
0x64: {  	_ =	shalt  }
0x65: {  	_ =	shalt  }
0x66: {  	_ =	shalt  }
0x67: {  	_ =	shalt  }
0x68: {  	_ =	shalt  }
0x69: {  	_ =	shalt  }
0x6a: {  	_ =	shalt  }
0x6b: {  	_ =	shalt  }
0x6c: {  	_ =	shalt  }
0x6d: {  	_ =	shalt  }
0x6e: {  	_ =	shalt  }
0x6f: {  	_ =	shalt  }
0x70: {  	_ =	shalt  }
0x71: {  	_ =	shalt  }
0x72: {  	_ =	shalt  }
0x73: {  	_ =	shalt  }
0x74: {  	_ =	shalt  }
0x75: {  	_ =	shalt  }
0x76: {  	_ =	shalt  }
0x77: {  	_ =	shalt  }
0x78: {  	_ =	shalt  }
0x79: {  	_ =	shalt  }
0x7a: {  	_ =	shalt  }
0x7b: {  	_ =	shalt  }
0x7c: {  	_ =	shalt  }
0x7d: {  	_ =	shalt  }
0x7e: {  	_ =	shalt  }
0x7f: {  	_ =	shalt  }
0x80: {  	_ =	shalt  }
0x81: {  	_ =	shalt  }
0x82: {  	_ =	shalt  }
0x83: {  	_ =	shalt  }
0x84: {  	_ =	shalt  }
0x85: {  	_ =	shalt  }
0x86: {  	_ =	shalt  }
0x87: {  	_ =	shalt  }
.Lfunc_end0:
.L_simem_size_0:
called_computation_lowered:
.L_overlay_start_0:
0x88: {  	s2 =	sld [smem:$0x3FD9]  }
0x89: {  	s3 =	sld [smem:$0x3FFE];
	_ =	sdelay $0x1  }
0x8a: {  	s1 =	srdreg.scid  }
0x8b: {  	s0 =	sand.u32 $0x1, s1  }
0x8c: {  	s16 =	sshll.u32 s0, $0xA;
	s2 =	sadd.s32 s3, s2  }
0x8d: {  	s2 =	sadd.s32 s2, s16  }
0x8e: {  	[smem:$0x3FBE] =	sst s2  }
0x8f: {  	_ = 	snop  }
0x90: {  	(tm) =	ssettm $0x1  }
0x91: {  	s17 =	sld [smem:$0x3FFB];
	_ =	sdelay $0x3  }
0x92: {  	_ =	strace s17  }
0x93: {  	s2 =	sld [smem:$0x3FFC];
	_ =	sdelay $0x3  }
0x94: {  	_ =	strace s2  }
0x95: {  	s2 =	sld [smem:$0x3FFD];
	_ =	sdelay $0x3  }
0x96: {  	_ =	strace s2  }
0x97: {  	_ =	strace $0x8FFFFFFF  }
0x98: {  	s18 =	sld [smem:$0x3FDB];
	_ =	sdelay $0x1  }
0x99: {  	s19 =	simm.s32 $_scs_section_size  }
0x9a: {  	s4 =	simm.s32 $_size__tile_overlayer_lowered;
	s5 =	simm.s32 $_tile_overlayer_lowered  }
0x9b: {  	s22 =	simm.s32 $0x1BFF;
	s21 =	sshll.u32 s5, $0x1;
	s2 =	sadd.s32 s19, s18  }
0x9c: {  	s6 =	simm.s32 $0x0;
	s20 =	sshll.u32 s4, $0x1;
	s4 =	sadd.s32 s21, s2  }
0x9d: {  	[timem:s6], [sflag:s22] =	dma.local [hbm:s4], s20  }
0x9e: {  	_ =	swait.ge [sflag:s22], s20  }
0x9f: {  	s3 =	ssub.s32 $0x0, s20;
	[sflag:s22] =	ssyncset.done $0x0  }
0xa0: {  	[sflag:s22] =	ssyncadd.s32 s3;
	_ =	sdelay $0x1  }
0xa1: {  	s23 =	simm.s32 $0x1B8B  }
0xa2: {  	_ =	swait.ge [sflag:s23], $0x1  }
0xa3: {  	[sflag:s23] =	ssyncset.done $0x0  }
0xa4: {  	s25 =	simm.s32 $0x1B8E;
	s24 =	sld [smem:$0x3FFE];
	[sflag:s23] =	ssyncadd.s32 $0xFFFFFFFF  }
0xa5: {  	s26 =	simm.s32 $execute0_lowered;
	[smem:$0x3FD2] =	sst s25  }
0xa6: {  	s4 =	sshll.u32 s26, $0x1;
	_ =	strace $0x80000046;
	[dreg:$0x1] =	wrdreg $0xFFFFFFFF  }
0xa7: {  	s28 =	simm.s32 $_size_execute0_lowered;
	s2 =	sadd.s32 s2, s4;
	[dreg:$0x0] =	wrdreg $0x0  }
0xa8: {  	s4 =	sshll.u32 s28, $0x1;
	[dreg:$0x2] =	wrdreg s2  }
0xa9: {  	[dreg:$0x3] =	wrdreg s4  }
0xaa: {  	[dreg:$0x4] =	wrdreg $0xC0  }
0xab: {  	_ =	task [dreg:s6], $0x5FFFF  }
0xac: {  	[dreg:$0x1] =	wrdreg $0xFFFFFFFF  }
0xad: {  	[dreg:$0x0] =	wrdreg $0x60  }
0xae: {  	[dreg:$0x2] =	wrdreg s24  }
0xaf: {  	[dreg:$0x3] =	wrdreg $0x0  }
0xb0: {  	[dreg:$0x4] =	wrdreg $0x9  }
0xb1: {  	_ =	task.clear_ibuf [dreg:s6], $0x5FFFF;
	_ =	strace $0x90000046  }
0xb2: {  	s29 =	simm.s32 $0x9;
	_ =	strace $0x80000048  }
0xb3: {  	_ =	swait.ge [sflag:s29], $0x1  }
0xb4: {  	[sflag:s29] =	ssyncadd.s32 $0xFFFFFFFF  }
0xb5: {  	_ =	strace $0x90000048  }
0xb6: {  	_ =	sfence  }
0xb7: {  	s30 =	sld [smem:$0x0];
	_ =	sdelay $0x2  }
0xb8: {  	s31 =	sshll.u32 s1, $0xD;
	s1 =	sshrl.u32 s1, $0x2  }
0xb9: {  	s3 =	sand.u32 $0x4000, s31;
	s1 =	sadd.s32 s1, s30  }
0xba: {  	s0 =	sor.u32 s3, s0;
	s1 =	sshll.u32 s1, $0x11  }
0xbb: {  	s0 =	sor.u32 s1, s0  }
0xbc: {  	s0 =	sadd.s32 $0x8F2B, s0  }
0xbd: {  	[sflag:s0] =	ssyncadd.remote.s32 $0x1  }
0xbe: {  	_ =	sfence.sel $0xFFFF  }
0xbf: {  	[dreg:$0x0] =	wrdreg $0xFFFFFFFF;
	(pc) =	sbr.abs _section_cstart, $3  }
0xc0: {  	[dreg:$0x1] =	wrdreg $0xFFFFFFFF  }
0xc1: {  	_ =	task.clear_ibuf [dreg:s6], $0x2FFFF;
	_ =	strace $0x9FFFFFFF  }
0xc2: {  	(tm) =	ssettm $0x7FFFFFFF  }
0xc3: {  	_ =	shalt  }
tec
execute0_lowered:
.L_overlay_start_1:
0x0: {  	(tag) =	ssettag $0x1  }
0x1: {  	s5 =	rddreg [dreg:$0x0]  }
0x2: {  	s2 =	rddreg [dreg:$0x1]  }
0x3: {  	s0 =	rddreg [dreg:$0x2];
	s1 =	stileid.u32  }
0x4: {  	s4 =	srdreg.scid;
	s7 =	smul.u32 $0x280, s1  }
0x5: {  	s3 =	simm.s32 $0x0;
	s16 =	simm.s32 $0x10;
	s29 =	smul.u32 $0x500, s1  }
0x6: {  	s17 =	simm.s32 $0x0;
	s6 =	sand.u32 $0x1, s4;
	s15 =	smul.u32 $0xA0, s1  }
0x7: {  	[smem:$0x7FF] =	sst s3;
	s30 =	sshll.u32 s1, $0x6;
	s4 =	smul.u32 $0x5000, s6  }
0x8: {  	_ =	strace $0x80000047;
	s10 =	ssub.s32 $0x2, s6;
	s6 =	sshll.u32 s6, $0x4  }
0x9: {  	s8 =	sshrl.u32 s7, $0x3;
	s11 =	sshrl.u32 s10, $0x1;
	s12 =	sadd.s32 s6, s5  }
0xa: {  	s13 =	sadd.s32 s7, s2;
	s6 =	sor.u32 $0x1C01, s30;
	s9 =	sadd.s32 s4, s5  }
0xb: {  	s8 =	sadd.s32 s8, s5;
	s4 =	sadd.s32 $0xD600, s5;
	s10 =	ssub.s32 s10, s11  }
0xc: {  	s14 =	sadd.s32 $0xD800, s12;
	s11 =	simm.s32 $0x300;
	s12 =	simm.s32 $0x280  }
0xd: {  	s5 =	sadd.s32 $0xD000, s8;
	s31 =	sadd.s32 s29, s9;
	s7 =	smax.u32 s10, $0x1  }
0xe: {  	s9 =	sshrl.u32 s13, $0x3;
	s10 =	simm.s32 $0x1;
	s13 =	simm.s32 $0x80  }
0xf: {  	s14 =	sadd.s32 s15, s14;
	s15 =	simm.s32 $0x20;
	s8 =	sadd.s32 $0x3000, s31  }
.LBB2_1:
0x10: {  	[spmem:s9], [sflag:s6] =	dma.local [hbm:s5], $0x50  }
0x11: {  	_ =	swait.ge [sflag:s10], $0x50  }
0x12: {  	[sflag:s10] =	ssyncset.done $0x0  }
0x13: {  	[sflag:s10] =	ssyncadd.s32 $0xFFFFFFB0  }
0x14: {  	[tilespmem:s11], [sflag:$0x1] =	stream.linear.gather [hbm4b:s4+s3], $0x80, $0x38;
	[tilespmem:$0x380] =	vst v63  }
0x15: {  	_ =	swait.ge [sflag:s10], $0x80  }
0x16: {  	[sflag:s10] =	ssyncset.done $0x0  }
0x17: {  	[sflag:s10] =	ssyncadd.s32 $0xFFFFFF80  }
0x18: {  	s18 =	sadd.s32 $0x0, s8;
	[bflag:$0x0] =	sbarrier.arrive $0xFFFF  }
0x19: {  	[tilespmem:s12], [sflag:$0x1] =	stream.linear.gather [hbm4b:s18+s3], $0x80, $0x38;
	[tilespmem:$0x380] =	vst v63  }
0x1a: {  	_ =	swait.ge [sflag:s10], $0x80  }
0x1b: {  	[sflag:s10] =	ssyncset.done $0x0  }
0x1c: {  	[sflag:s10] =	ssyncadd.s32 $0xFFFFFF80  }
0x1d: {  	[spmem:s2] =	stream.indirect.scatter.add.f32 [tilespmem:s11], [sflag:$0x1], $0x1, s12, s13, $0xb8;
	[tilespmem:$0x380] =	vst v63  }
0x1e: {  	_ =	swait.ge [sflag:s10], $0x80  }
0x1f: {  	s19 =	simm.s32 $0x20;
	s18 =	simm.s32 $0x10;
	[sflag:s10] =	ssyncset.done $0x0  }
.LBB2_2:
0x20: {  	s20 =	sadd.s32 s18, s8  }
0x21: {  	[sflag:s10] =	ssyncadd.s32 $0xFFFFFF80;
	s18 =	smov.u32 s19;
	s21 =	sadd.s32 $0x10, s19  }
0x22: {  	[tilespmem:s12], [sflag:$0x1] =	stream.linear.gather [hbm4b:s20+s3], $0x80, $0x38;
	[tilespmem:$0x380] =	vst v63  }
0x23: {  	p0 =	sne.s32 s19, $0x4F0;
	_ =	swait.ge [sflag:s10], $0x80  }
.Ltmp0:
0x24: {  	[sflag:s10] =	ssyncset.done $0x0;
	(pc) =	sbr.rel @p0 .LBB2_2-.Ltmp0, $4  }
0x25: {  	[sflag:s10] =	ssyncadd.s32 $0xFFFFFF80  }
0x26: {  	[spmem:s2] =	stream.indirect.scatter.add.f32 [tilespmem:s11], [sflag:$0x1], $0x1, s12, s13, $0xb8;
	[tilespmem:$0x380] =	vst v63  }
0x27: {  	_ =	swait.ge [sflag:s10], $0x80  }
0x28: {  	s19 =	smov.u32 s21;
	[sflag:s10] =	ssyncset.done $0x0  }
0x29: {  	s18 =	sadd.s32 s18, s8;
	[sflag:s10] =	ssyncadd.s32 $0xFFFFFF80  }
0x2a: {  	[tilespmem:s12], [sflag:$0x1] =	stream.linear.gather [hbm4b:s18+s3], $0x80, $0x38;
	[tilespmem:$0x380] =	vst v63  }
0x2b: {  	_ =	swait.ge [sflag:s10], $0x80  }
0x2c: {  	[sflag:s10] =	ssyncset.done $0x0  }
0x2d: {  	[sflag:s10] =	ssyncadd.s32 $0xFFFFFF80  }
0x2e: {  	[spmem:s2] =	stream.indirect.scatter.add.f32 [tilespmem:s11], [sflag:$0x1], $0x1, s12, s13, $0xb8;
	[tilespmem:$0x380] =	vst v63  }
0x2f: {  	_ =	swait.ge [sflag:s10], $0x80  }
0x30: {  	s17 =	sadd.s32 $0x1, s17;
	[sflag:s10] =	ssyncset.done $0x0  }
0x31: {  	p0 =	sne.s32 s17, s7;
	[sflag:s10] =	ssyncadd.s32 $0xFFFFFF80  }
.Ltmp1:
0x32: {  	[bflag:$0x0] =	sbarrier.arrive $0xFFFF;
	(pc) =	sbr.rel @p0 .LBB2_1-.Ltmp1, $4  }
0x33: {  	[hbm:s14@s15], [sflag:s6] =	dma.strided [spmem:s9@s16], $0x50, s10, $0x10   }
0x34: {  	_ =	swait.ge [sflag:s10], $0x50  }
0x35: {  	[sflag:s10] =	ssyncset.done $0x0  }
0x36: {  	[sflag:s10] =	ssyncadd.s32 $0xFFFFFFB0  }
0x37: {  	_ =	sfence.sel $0x180000  }
0x38: {  	[bflag:$0x0] =	sbarrier.arrive $0xFFFF  }
0x39: {  	p0 =	sne.s32 s1, $0x0;
	_ =	strace $0x90000047  }
0x3a: {  	s0 =	sadd.s32 @!p0 $0x100000, s0;
	[bflag:$0x2] =	sbarrier.arrive $0xFFFF  }
0x3b: {  	[sflag:s0] =	ssyncadd.tile.s32 @!p0 $0x1;
	_ =	shalt  }
.Lfunc_end2:
_tile_overlayer_lowered:
.L_overlay_start_2:
0x3c: {  	(tag) =	ssettag $0x2  }
0x3d: {  	s0 =	rddreg [dreg:$0x0];
	s2 =	stileid.u32  }
0x3e: {  	s1 =	rddreg [dreg:$0x1];
	p0 =	sne.s32 s2, $0x0  }
0x3f: {  	s3 =	rddreg [dreg:$0x2];
	[bflag:$0x3] =	sbarrier.arrive $0xFFFF;
	s2 =	simm.s32 @!p0 $0x1C01  }
0x40: {  	[timem:s3], [sflag:s2] =	dma.local @!p0 [hbm:s0], s1  }
0x41: {  	s0 =	simm.s32 @!p0 $0x1  }
0x42: {  	_ =	swait.ge @!p0 [sflag:s0], s1  }
0x43: {  	s1 =	ssub.s32 @!p0 $0x0, s1;
	[sflag:s0] =	ssyncset.done @!p0 $0x0  }
0x44: {  	[sflag:s0] =	ssyncadd.s32 @!p0 s1  }
0x45: {  	[bflag:$0x3] =	sbarrier.arrive $0xFFFF  }
0x46: {  	_ =	shalt  }

// kernel: kernel.15.cloned.1.call-start
scs
__scs_entry_jumppad:
0x0: {  	(pc) =	sbr.rel $0x88, $3  }
0x1: {  	(tag) =	ssettag $0x0;
	lr =	simm.s32 $0x1  }
0x2: {  	[smem:$0x3F97] =	sst lr;
	_ =	strace $0xD0000000  }
0x3: {  	_ = 	snop  }
0x4: {  	_ = 	snop  }
0x5: {  	_ = 	snop  }
0x6: {  	_ = 	snop  }
0x7: {  	_ = 	snop  }
__scs_overlays_trampoline_lowered:
0x8: {  	[smem:$0x3FA6] =	sst s0  }
0x9: {  	[smem:$0x3FA7] =	sst s1  }
0xa: {  	[smem:$0x3FA8] =	sst s2  }
0xb: {  	[smem:$0x3FA9] =	sst s3  }
0xc: {  	[smem:$0x3FAA] =	sst s4  }
0xd: {  	[smem:$0x3FAB] =	sst s5  }
0xe: {  	[smem:$0x3FAC] =	sst s6  }
0xf: {  	[smem:$0x3FAD] =	sst s7  }
0x10: {  	[smem:$0x3FAE] =	sst s8  }
0x11: {  	[smem:$0x3FAF] =	sst s9;
	s0 =	simm.s32 @!p0 $0x0  }
0x12: {  	s1 =	sld [smem:$0x3F95];
	s0 =	simm.s32 @p0 $0x1  }
0x13: {  	[smem:$0x3FB0] =	sst s0;
	s0 =	simm.s32 @!p1 $0x0  }
0x14: {  	s2 =	sld [smem:$0x3F94];
	s0 =	simm.s32 @p1 $0x1  }
0x15: {  	[smem:$0x3FB1] =	sst s0;
	s0 =	simm.s32 @!p2 $0x0  }
0x16: {  	s3 =	sld [smem:$0x3FDB];
	s0 =	simm.s32 @p2 $0x1  }
0x17: {  	s4 =	simm.s32 $0x1BF5;
	[smem:$0x3FB3] =	sst s0  }
0x18: {  	s0 =	sld [smem:$0x3F96];
	_ =	swait.ge [sflag:s4], $0x0  }
0x19: {  	s7 =	sld [smem:$0x3F97]  }
0x1a: {  	s8 =	sadd.s32 $0xFFFFE003, lr  }
0x1b: {  	s9 =	sadd.s32 $0xFFFFFEF7, lr;
	s5 =	simm.s32 $0xFFFFFFFF;
	p2 =	slt.u32 s8, $0xFFFFF086  }
0x1c: {  	p1 =	slt.u32 s9, $0xF7A;
	s5 =	simm.s32 @!p2 $0x0  }
0x1d: {  	s5 =	simm.s32 @p1 $0x1;
	p0 =	seq.s32 s7, s2  }
0x1e: {  	s7 =	smul.u32 @!p0 $0xF7A, s2;
	p2 =	seq.s32 @!p0 s5, $0x0  }
0x1f: {  	s9 =	smul.u32 $0xF7A, s1;
	s8 =	simm.s32 @!p0 $0x1BF5;
	p2 =	por !p2, p0  }
0x20: {  	[sflag:s8] =	ssyncset.s32 @!p0 $0xFFFFF086;
	s6 =	sadd.s32 @!p0 s3, s7;
	s7 =	simm.s32 @!p0 $0x108  }
0x21: {  	s3 =	sadd.s32 s3, s9;
	s6 =	sadd.s32 @!p0 $0x88, s6;
	s7 =	simm.s32 @p2 $0x1082  }
0x22: {  	[simem:s7], [sflag:s8] =	dma.local @!p0 [hbm:s6], $0xF7A  }
0x23: {  	s9 =	sor.u32 $0xD0000000, s2;
	s6 =	simm.s32 $0x108;
	_ =	swait.ge @!p0 [sflag:s8], $0x0  }
0x24: {  	s3 =	sadd.s32 $0x88, s3;
	s6 =	simm.s32 @!p1 $0x1082;
	[sflag:s4] =	ssyncset.s32 $0xFFFFF086  }
0x25: {  	[simem:s6], [sflag:s4] =	dma.local [hbm:s3], $0xF7A  }
0x26: {  	[smem:$0x3F97] =	sst s1;
	(tag) =	ssettag s2;
	_ =	strace s9  }
0x27: {  	s1 =	sld [smem:$0x3FA7]  }
0x28: {  	s2 =	sld [smem:$0x3FA8]  }
0x29: {  	s4 =	sld [smem:$0x3FAA]  }
0x2a: {  	p0 =	seq.s32 s5, $0x0;
	s5 =	sld [smem:$0x3FAB]  }
0x2b: {  	s6 =	sld [smem:$0x3FAC]  }
0x2c: {  	s7 =	sld [smem:$0x3FAD]  }
0x2d: {  	s3 =	simm.s32 $0x108;
	s8 =	sld [smem:$0x3FAE]  }
0x2e: {  	s3 =	simm.s32 @!p0 $0x1082;
	s9 =	sld [smem:$0x3FAF]  }
0x2f: {  	lr =	sadd.s32 s0, s3;
	s0 =	sld [smem:$0x3FA6]  }
0x30: {  	s3 =	sld [smem:$0x3FA9]  }
0x31: {  	[smem:$0x3FB2] =	sst s10  }
0x32: {  	s10 =	sld [smem:$0x3FB0];
	_ =	sdelay $0x3  }
0x33: {  	p0 =	seq.s32 s10, $0x1;
	s10 =	sld [smem:$0x3FB2];
	_ =	sdelay $0x3  }
0x34: {  	[smem:$0x3FB2] =	sst s10  }
0x35: {  	s10 =	sld [smem:$0x3FB1];
	_ =	sdelay $0x3  }
0x36: {  	p1 =	seq.s32 s10, $0x1;
	s10 =	sld [smem:$0x3FB2];
	_ =	sdelay $0x3  }
0x37: {  	[smem:$0x3FB2] =	sst s10  }
0x38: {  	s10 =	sld [smem:$0x3FB3]  }
0x39: {  	_ = 	snop;
	(pc) =	sbr.ind lr, $3  }
0x3a: {  	_ = 	snop  }
0x3b: {  	_ = 	snop  }
0x3c: {  	p2 =	seq.s32 s10, $0x1;
	s10 =	sld [smem:$0x3FB2]  }
0x3d: {  	_ =	shalt  }
0x3e: {  	_ =	shalt  }
0x3f: {  	_ =	shalt  }
0x40: {  	_ =	shalt  }
0x41: {  	_ =	shalt  }
0x42: {  	_ =	shalt  }
0x43: {  	_ =	shalt  }
0x44: {  	_ =	shalt  }
0x45: {  	_ =	shalt  }
0x46: {  	_ =	shalt  }
0x47: {  	_ =	shalt  }
0x48: {  	_ =	shalt  }
0x49: {  	_ =	shalt  }
0x4a: {  	_ =	shalt  }
0x4b: {  	_ =	shalt  }
0x4c: {  	_ =	shalt  }
0x4d: {  	_ =	shalt  }
0x4e: {  	_ =	shalt  }
0x4f: {  	_ =	shalt  }
0x50: {  	_ =	shalt  }
0x51: {  	_ =	shalt  }
0x52: {  	_ =	shalt  }
0x53: {  	_ =	shalt  }
0x54: {  	_ =	shalt  }
0x55: {  	_ =	shalt  }
0x56: {  	_ =	shalt  }
0x57: {  	_ =	shalt  }
0x58: {  	_ =	shalt  }
0x59: {  	_ =	shalt  }
0x5a: {  	_ =	shalt  }
0x5b: {  	_ =	shalt  }
0x5c: {  	_ =	shalt  }
0x5d: {  	_ =	shalt  }
0x5e: {  	_ =	shalt  }
0x5f: {  	_ =	shalt  }
0x60: {  	_ =	shalt  }
0x61: {  	_ =	shalt  }
0x62: {  	_ =	shalt  }
0x63: {  	_ =	shalt  }
0x64: {  	_ =	shalt  }
0x65: {  	_ =	shalt  }
0x66: {  	_ =	shalt  }
0x67: {  	_ =	shalt  }
0x68: {  	_ =	shalt  }
0x69: {  	_ =	shalt  }
0x6a: {  	_ =	shalt  }
0x6b: {  	_ =	shalt  }
0x6c: {  	_ =	shalt  }
0x6d: {  	_ =	shalt  }
0x6e: {  	_ =	shalt  }
0x6f: {  	_ =	shalt  }
0x70: {  	_ =	shalt  }
0x71: {  	_ =	shalt  }
0x72: {  	_ =	shalt  }
0x73: {  	_ =	shalt  }
0x74: {  	_ =	shalt  }
0x75: {  	_ =	shalt  }
0x76: {  	_ =	shalt  }
0x77: {  	_ =	shalt  }
0x78: {  	_ =	shalt  }
0x79: {  	_ =	shalt  }
0x7a: {  	_ =	shalt  }
0x7b: {  	_ =	shalt  }
0x7c: {  	_ =	shalt  }
0x7d: {  	_ =	shalt  }
0x7e: {  	_ =	shalt  }
0x7f: {  	_ =	shalt  }
0x80: {  	_ =	shalt  }
0x81: {  	_ =	shalt  }
0x82: {  	_ =	shalt  }
0x83: {  	_ =	shalt  }
0x84: {  	_ =	shalt  }
0x85: {  	_ =	shalt  }
0x86: {  	_ =	shalt  }
0x87: {  	_ =	shalt  }
.Lfunc_end0:
.L_simem_size_0:
called_computation.1_lowered:
.L_overlay_start_0:
0x88: {  	s2 =	sld [smem:$0x3FD9]  }
0x89: {  	s3 =	sld [smem:$0x3FFE];
	_ =	sdelay $0x1  }
0x8a: {  	s1 =	srdreg.scid  }
0x8b: {  	s0 =	sand.u32 $0x1, s1  }
0x8c: {  	s17 =	sshll.u32 s0, $0xA;
	s2 =	sadd.s32 s3, s2  }
0x8d: {  	s2 =	sadd.s32 s2, s17  }
0x8e: {  	[smem:$0x3FBE] =	sst s2  }
0x8f: {  	_ = 	snop  }
0x90: {  	s2 =	sld [smem:$0x3FD0];
	(tm) =	ssettm $0x1  }
0x91: {  	s18 =	sld [smem:$0x3FFB];
	_ =	sdelay $0x3  }
0x92: {  	_ =	strace s18  }
0x93: {  	s3 =	sld [smem:$0x3FFC];
	_ =	sdelay $0x3  }
0x94: {  	_ =	strace s3  }
0x95: {  	s3 =	sld [smem:$0x3FFD];
	_ =	sdelay $0x3  }
0x96: {  	_ =	strace s3  }
0x97: {  	_ =	strace $0x8FFFFFFF  }
0x98: {  	s19 =	sld [smem:$0x3FDB];
	_ =	sdelay $0x1  }
0x99: {  	s4 =	simm.s32 $_scs_section_size  }
0x9a: {  	s5 =	simm.s32 $_size__tile_overlayer_lowered;
	s6 =	simm.s32 $_tile_overlayer_lowered  }
0x9b: {  	s22 =	simm.s32 $0x1BFF;
	s21 =	sshll.u32 s6, $0x1;
	s3 =	sadd.s32 s4, s19  }
0x9c: {  	s7 =	simm.s32 $0x0;
	s20 =	sshll.u32 s5, $0x1;
	s5 =	sadd.s32 s21, s3  }
0x9d: {  	[timem:s7], [sflag:s22] =	dma.local [hbm:s5], s20  }
0x9e: {  	_ =	swait.ge [sflag:s22], s20  }
0x9f: {  	s4 =	ssub.s32 $0x0, s20;
	[sflag:s22] =	ssyncset.done $0x0  }
0xa0: {  	[sflag:s22] =	ssyncadd.s32 s4;
	_ =	sdelay $0x1  }
0xa1: {  	s23 =	simm.s32 $0x1B8B  }
0xa2: {  	_ =	swait.ge [sflag:s23], $0x1  }
0xa3: {  	[sflag:s23] =	ssyncset.done $0x0  }
0xa4: {  	s25 =	simm.s32 $0x1B8E;
	s24 =	sld [smem:$0x3FFE];
	[sflag:s23] =	ssyncadd.s32 $0xFFFFFFFF  }
0xa5: {  	s26 =	simm.s32 $execute0_lowered;
	[smem:$0x3FD2] =	sst s25  }
0xa6: {  	s5 =	sshll.u32 s26, $0x1;
	_ =	strace $0x80000049;
	[dreg:$0x1] =	wrdreg $0xFFFFFFFF  }
0xa7: {  	s28 =	simm.s32 $_size_execute0_lowered;
	s3 =	sadd.s32 s3, s5;
	[dreg:$0x0] =	wrdreg $0x0  }
0xa8: {  	s5 =	sshll.u32 s28, $0x1;
	[dreg:$0x2] =	wrdreg s3  }
0xa9: {  	[dreg:$0x3] =	wrdreg s5  }
0xaa: {  	[dreg:$0x4] =	wrdreg $0xC0  }
0xab: {  	_ =	task [dreg:s7], $0x5FFFF  }
0xac: {  	[dreg:$0x1] =	wrdreg $0xFFFFFFFF  }
0xad: {  	[dreg:$0x0] =	wrdreg $0x60  }
0xae: {  	[dreg:$0x2] =	wrdreg s24  }
0xaf: {  	[dreg:$0x3] =	wrdreg s2  }
0xb0: {  	[dreg:$0x4] =	wrdreg $0x0  }
0xb1: {  	[dreg:$0x5] =	wrdreg $0x9  }
0xb2: {  	_ =	task.clear_ibuf [dreg:s7], $0x6FFFF;
	_ =	strace $0x90000049  }
0xb3: {  	s29 =	simm.s32 $0x9;
	_ =	strace $0x8000004B  }
0xb4: {  	_ =	swait.ge [sflag:s29], $0x1  }
0xb5: {  	[sflag:s29] =	ssyncadd.s32 $0xFFFFFFFF  }
0xb6: {  	_ =	strace $0x9000004B  }
0xb7: {  	_ =	sfence  }
0xb8: {  	s30 =	sld [smem:$0x0];
	_ =	sdelay $0x2  }
0xb9: {  	s31 =	sshll.u32 s1, $0xD;
	s1 =	sshrl.u32 s1, $0x2  }
0xba: {  	s3 =	sand.u32 $0x4000, s31;
	s1 =	sadd.s32 s1, s30  }
0xbb: {  	s0 =	sor.u32 s3, s0;
	s1 =	sshll.u32 s1, $0x11  }
0xbc: {  	s0 =	sor.u32 s1, s0  }
0xbd: {  	s0 =	sadd.s32 $0x8F2B, s0  }
0xbe: {  	[sflag:s0] =	ssyncadd.remote.s32 $0x1  }
0xbf: {  	_ =	sfence.sel $0xFFFF  }
0xc0: {  	[dreg:$0x0] =	wrdreg $0xFFFFFFFF;
	(pc) =	sbr.abs _section_cstart, $3  }
0xc1: {  	[dreg:$0x1] =	wrdreg $0xFFFFFFFF  }
0xc2: {  	_ =	task.clear_ibuf [dreg:s7], $0x2FFFF;
	_ =	strace $0x9FFFFFFF  }
0xc3: {  	(tm) =	ssettm $0x7FFFFFFF  }
tec
execute0_lowered:
.L_overlay_start_1:
0x0: {  	(tag) =	ssettag $0x1  }
0x1: {  	s4 =	rddreg [dreg:$0x0]  }
0x2: {  	s9 =	rddreg [dreg:$0x1]  }
0x3: {  	s1 =	rddreg [dreg:$0x2]  }
0x4: {  	s0 =	rddreg [dreg:$0x3];
	s2 =	simm.s32 $0x0  }
0x5: {  	s3 =	srdreg.scid;
	s15 =	simm.s32 $0x14100;
	s16 =	simm.s32 $0x80  }
0x6: {  	s17 =	simm.s32 $0x14200;
	s18 =	simm.s32 $0x14080;
	s19 =	simm.s32 $0x14180  }
0x7: {  	s20 =	simm.s32 $0x18200;
	s21 =	simm.s32 $0x1;
	s5 =	sand.u32 $0x1, s3  }
0x8: {  	s22 =	simm.s32 $0x2;
	s3 =	stileid.u32;
	s6 =	smul.u32 $0x28000, s5  }
0x9: {  	s23 =	simm.s32 $0x3;
	s26 =	simm.s32 $0x0;
	s7 =	smul.u32 $0x50000, s3  }
0xa: {  	[smem:$0x7FF] =	sst s2;
	s10 =	sadd.s32 $0x3000, s4;
	s24 =	smul.u32 $0x2800, s3  }
0xb: {  	_ =	strace $0x8000004A;
	s5 =	ssub.s32 $0x2, s5;
	s8 =	smul.u32 $0xA00, s3  }
0xc: {  	s31 =	sshll.u32 s3, $0x6;
	s29 =	sshrl.u32 s5, $0x1;
	s11 =	sadd.s32 s6, s4  }
0xd: {  	s12 =	ssub.s32 s5, s29;
	s30 =	sshrl.u32 s7, $0x2;
	s6 =	sor.u32 $0x1C05, s31  }
0xe: {  	s14 =	sor.u32 $0x10, s8;
	s7 =	sadd.s32 s9, s8;
	s8 =	sadd.s32 s10, s8  }
0xf: {  	s13 =	sadd.s32 s30, s1;
	s4 =	sadd.s32 $0xD000, s11;
	s9 =	sadd.s32 s9, s14  }
0x10: {  	s10 =	sadd.s32 s10, s14;
	s25 =	sadd.s32 $0x5D000, s11;
	s11 =	smax.u32 s12, $0x1  }
0x11: {  	s14 =	simm.s32 $0x14000;
	s5 =	sadd.s32 s24, s4;
	s12 =	sshrl.u32 s13, $0x3  }
0x12: {  	s13 =	simm.s32 $0x5;
	s24 =	sadd.s32 s24, s25;
	s25 =	simm.s32 $0x4  }
.LBB2_1:
0x13: {  	[spmem:s12], [sflag:s6] =	dma.local [hbm:s5], $0x2800  }
0x14: {  	_ =	swait.ge [sflag:s13], $0x2800  }
0x15: {  	[sflag:s13] =	ssyncset.done $0x0  }
0x16: {  	[sflag:s13] =	ssyncadd.s32 $0xFFFFD800  }
0x17: {  	[bflag:$0x0] =	sbarrier.arrive $0xFFFF  }
0x18: {  	[tilespmem:s14], [sflag:$0x5] =	stream.linear.gather [hbm4b:s7+s2], $0x80, $0x38;
	[tilespmem:$0x1C200] =	vst v63  }
0x19: {  	_ =	swait.ge [sflag:s13], $0x80  }
0x1a: {  	[sflag:s13] =	ssyncset.done $0x0  }
0x1b: {  	[sflag:s13] =	ssyncadd.s32 $0xFFFFFF80  }
0x1c: {  	[tilespmem:s15], [sflag:$0x5] =	stream.linear.gather [hbm4b:s8+s2], $0x80, $0x38;
	[tilespmem:$0x1C200] =	vst v63  }
0x1d: {  	_ =	swait.ge [sflag:s13], $0x80  }
0x1e: {  	[sflag:s13] =	ssyncset.done $0x0  }
0x1f: {  	[sflag:s13] =	ssyncadd.s32 $0xFFFFFF80  }
0x20: {  	[tilespmem:s17], [sflag:$0x1] =	stream.indirect.gather [hbm4b:s4+s16], $0x80, s14, s16, $0xb8;
	[tilespmem:$0x1C200] =	vst v63  }
0x21: {  	_ = 	snop  }
0x22: {  	[tilespmem:s18], [sflag:$0x5] =	stream.linear.gather [hbm4b:s9+s2], $0x80, $0x38;
	[tilespmem:$0x1C200] =	vst v63  }
0x23: {  	_ =	swait.ge [sflag:s13], $0x80  }
0x24: {  	[sflag:s13] =	ssyncset.done $0x0  }
0x25: {  	[sflag:s13] =	ssyncadd.s32 $0xFFFFFF80  }
0x26: {  	[tilespmem:s19], [sflag:$0x5] =	stream.linear.gather [hbm4b:s10+s2], $0x80, $0x38;
	[tilespmem:$0x1C200] =	vst v63  }
0x27: {  	_ =	swait.ge [sflag:s13], $0x80  }
0x28: {  	[sflag:s13] =	ssyncset.done $0x0  }
0x29: {  	[sflag:s13] =	ssyncadd.s32 $0xFFFFFF80  }
0x2a: {  	[tilespmem:s20], [sflag:$0x2] =	stream.indirect.gather [hbm4b:s4+s16], $0x80, s18, s16, $0xb8;
	[tilespmem:$0x1C200] =	vst v63  }
0x2b: {  	_ =	swait.ge [sflag:s21], $0x4000  }
0x2c: {  	[sflag:s21] =	ssyncset.done $0x0  }
0x2d: {  	[sflag:s21] =	ssyncadd.s32 $0xFFFFC000  }
0x2e: {  	[spmem:s1] =	stream.indirect.scatter.add.f32 [tilespmem:s17], [sflag:$0x3], $0x80, s15, s16, $0xb8;
	[tilespmem:$0x1C200] =	vst v63  }
0x2f: {  	_ =	swait.ge [sflag:s22], $0x4000  }
0x30: {  	[sflag:s22] =	ssyncset.done $0x0  }
0x31: {  	[sflag:s22] =	ssyncadd.s32 $0xFFFFC000  }
0x32: {  	[spmem:s1] =	stream.indirect.scatter.add.f32 [tilespmem:s20], [sflag:$0x4], $0x80, s19, s16, $0xb8;
	[tilespmem:$0x1C200] =	vst v63  }
0x33: {  	_ =	swait.ge [sflag:s23], $0x4000  }
0x34: {  	s28 =	sadd.s32 $0xFFFFF620, s7;
	[sflag:s23] =	ssyncset.done $0x0  }
0x35: {  	s29 =	sadd.s32 $0xA00, s28;
	[sflag:s23] =	ssyncadd.s32 $0xFFFFC000  }
0x36: {  	[tilespmem:s14], [sflag:$0x5] =	stream.linear.gather [hbm4b:s29+s2], $0x80, $0x38;
	[tilespmem:$0x1C200] =	vst v63  }
0x37: {  	_ =	swait.ge [sflag:s13], $0x80  }
0x38: {  	s31 =	sadd.s32 $0xFFFFF620, s8;
	[sflag:s13] =	ssyncset.done $0x0  }
0x39: {  	s30 =	sadd.s32 $0xA00, s31;
	[sflag:s13] =	ssyncadd.s32 $0xFFFFFF80  }
0x3a: {  	[tilespmem:s15], [sflag:$0x5] =	stream.linear.gather [hbm4b:s30+s2], $0x80, $0x38;
	[tilespmem:$0x1C200] =	vst v63  }
0x3b: {  	_ =	swait.ge [sflag:s13], $0x80  }
0x3c: {  	[sflag:s13] =	ssyncset.done $0x0  }
0x3d: {  	[sflag:s13] =	ssyncadd.s32 $0xFFFFFF80  }
0x3e: {  	[tilespmem:s17], [sflag:$0x1] =	stream.indirect.gather [hbm4b:s4+s16], $0x80, s14, s16, $0xb8;
	[tilespmem:$0x1C200] =	vst v63  }
0x3f: {  	_ =	swait.ge [sflag:s25], $0x4000  }
0x40: {  	[sflag:s25] =	ssyncset.done $0x0  }
0x41: {  	s28 =	sadd.s32 $0xA10, s28;
	[sflag:s25] =	ssyncadd.s32 $0xFFFFC000  }
0x42: {  	[tilespmem:s18], [sflag:$0x5] =	stream.linear.gather [hbm4b:s28+s2], $0x80, $0x38;
	[tilespmem:$0x1C200] =	vst v63  }
0x43: {  	_ =	swait.ge [sflag:s13], $0x80  }
0x44: {  	[sflag:s13] =	ssyncset.done $0x0  }
0x45: {  	s28 =	sadd.s32 $0xA10, s31;
	[sflag:s13] =	ssyncadd.s32 $0xFFFFFF80  }
0x46: {  	[tilespmem:s19], [sflag:$0x5] =	stream.linear.gather [hbm4b:s28+s2], $0x80, $0x38;
	[tilespmem:$0x1C200] =	vst v63  }
0x47: {  	_ =	swait.ge [sflag:s13], $0x80  }
0x48: {  	[sflag:s13] =	ssyncset.done $0x0  }
0x49: {  	[sflag:s13] =	ssyncadd.s32 $0xFFFFFF80  }
0x4a: {  	[tilespmem:s20], [sflag:$0x2] =	stream.indirect.gather [hbm4b:s4+s16], $0x80, s18, s16, $0xb8;
	[tilespmem:$0x1C200] =	vst v63  }
0x4b: {  	_ =	swait.ge [sflag:s21], $0x4000  }
0x4c: {  	[sflag:s21] =	ssyncset.done $0x0  }
0x4d: {  	[sflag:s21] =	ssyncadd.s32 $0xFFFFC000  }
0x4e: {  	[spmem:s1] =	stream.indirect.scatter.add.f32 [tilespmem:s17], [sflag:$0x3], $0x80, s15, s16, $0xb8;
	[tilespmem:$0x1C200] =	vst v63  }
0x4f: {  	_ =	swait.ge [sflag:s22], $0x4000  }
0x50: {  	[sflag:s22] =	ssyncset.done $0x0  }
0x51: {  	s28 =	simm.s32 $0xFFFFF640;
	[sflag:s22] =	ssyncadd.s32 $0xFFFFC000  }
.LBB2_2:
0x52: {  	[spmem:s1] =	stream.indirect.scatter.add.f32 [tilespmem:s20], [sflag:$0x4], $0x80, s19, s16, $0xb8;
	[tilespmem:$0x1C200] =	vst v63  }
0x53: {  	s29 =	smov.u32 s28  }
0x54: {  	p0 =	sne.s32 s28, $0xFFFFFFE0;
	s28 =	sadd.s32 $0x20, s28;
	_ =	swait.ge [sflag:s23], $0x4000  }
0x55: {  	s30 =	sadd.s32 s29, s7;
	[sflag:s23] =	ssyncset.done $0x0  }
0x56: {  	s31 =	sadd.s32 $0xA00, s30;
	[sflag:s23] =	ssyncadd.s32 $0xFFFFC000  }
0x57: {  	[tilespmem:s14], [sflag:$0x5] =	stream.linear.gather [hbm4b:s31+s2], $0x80, $0x38;
	[tilespmem:$0x1C200] =	vst v63  }
0x58: {  	_ =	swait.ge [sflag:s13], $0x80  }
0x59: {  	s29 =	sadd.s32 s29, s8;
	[sflag:s13] =	ssyncset.done $0x0  }
0x5a: {  	s31 =	sadd.s32 $0xA00, s29;
	[sflag:s13] =	ssyncadd.s32 $0xFFFFFF80  }
0x5b: {  	[tilespmem:s15], [sflag:$0x5] =	stream.linear.gather [hbm4b:s31+s2], $0x80, $0x38;
	[tilespmem:$0x1C200] =	vst v63  }
0x5c: {  	_ =	swait.ge [sflag:s13], $0x80  }
0x5d: {  	[sflag:s13] =	ssyncset.done $0x0  }
0x5e: {  	[sflag:s13] =	ssyncadd.s32 $0xFFFFFF80  }
0x5f: {  	[tilespmem:s17], [sflag:$0x1] =	stream.indirect.gather [hbm4b:s4+s16], $0x80, s14, s16, $0xb8;
	[tilespmem:$0x1C200] =	vst v63  }
0x60: {  	_ =	swait.ge [sflag:s25], $0x4000  }
0x61: {  	[sflag:s25] =	ssyncset.done $0x0  }
0x62: {  	s30 =	sadd.s32 $0xA10, s30;
	[sflag:s25] =	ssyncadd.s32 $0xFFFFC000  }
0x63: {  	[tilespmem:s18], [sflag:$0x5] =	stream.linear.gather [hbm4b:s30+s2], $0x80, $0x38;
	[tilespmem:$0x1C200] =	vst v63  }
0x64: {  	_ =	swait.ge [sflag:s13], $0x80  }
0x65: {  	[sflag:s13] =	ssyncset.done $0x0  }
0x66: {  	s29 =	sadd.s32 $0xA10, s29;
	[sflag:s13] =	ssyncadd.s32 $0xFFFFFF80  }
0x67: {  	[tilespmem:s19], [sflag:$0x5] =	stream.linear.gather [hbm4b:s29+s2], $0x80, $0x38;
	[tilespmem:$0x1C200] =	vst v63  }
0x68: {  	_ =	swait.ge [sflag:s13], $0x80  }
0x69: {  	[sflag:s13] =	ssyncset.done $0x0  }
0x6a: {  	[sflag:s13] =	ssyncadd.s32 $0xFFFFFF80  }
0x6b: {  	[tilespmem:s20], [sflag:$0x2] =	stream.indirect.gather [hbm4b:s4+s16], $0x80, s18, s16, $0xb8;
	[tilespmem:$0x1C200] =	vst v63  }
0x6c: {  	_ =	swait.ge [sflag:s21], $0x4000  }
0x6d: {  	[sflag:s21] =	ssyncset.done $0x0  }
.Ltmp0:
0x6e: {  	[sflag:s21] =	ssyncadd.s32 $0xFFFFC000;
	(pc) =	sbr.rel @p0 .LBB2_2-.Ltmp0, $4  }
0x6f: {  	[spmem:s1] =	stream.indirect.scatter.add.f32 [tilespmem:s17], [sflag:$0x3], $0x80, s15, s16, $0xb8;
	[tilespmem:$0x1C200] =	vst v63  }
0x70: {  	_ =	swait.ge [sflag:s22], $0x4000  }
0x71: {  	[sflag:s22] =	ssyncset.done $0x0  }
0x72: {  	[sflag:s22] =	ssyncadd.s32 $0xFFFFC000  }
0x73: {  	[spmem:s1] =	stream.indirect.scatter.add.f32 [tilespmem:s20], [sflag:$0x4], $0x80, s19, s16, $0xb8;
	[tilespmem:$0x1C200] =	vst v63  }
0x74: {  	_ =	swait.ge [sflag:s23], $0x4000  }
0x75: {  	[sflag:s23] =	ssyncset.done $0x0  }
0x76: {  	[sflag:s23] =	ssyncadd.s32 $0xFFFFC000  }
0x77: {  	_ =	swait.ge [sflag:s25], $0x4000  }
0x78: {  	s26 =	sadd.s32 $0x1, s26;
	[sflag:s25] =	ssyncset.done $0x0  }
0x79: {  	p0 =	sne.s32 s26, s11;
	[sflag:s25] =	ssyncadd.s32 $0xFFFFC000  }
.Ltmp1:
0x7a: {  	[bflag:$0x0] =	sbarrier.arrive $0xFFFF;
	(pc) =	sbr.rel @p0 .LBB2_1-.Ltmp1, $4  }
0x7b: {  	[hbm:s24], [sflag:s6] =	dma.local [spmem:s12], $0x2800  }
0x7c: {  	_ =	swait.ge [sflag:s13], $0x2800  }
0x7d: {  	[sflag:s13] =	ssyncset.done $0x0  }
0x7e: {  	[sflag:s13] =	ssyncadd.s32 $0xFFFFD800  }
0x7f: {  	_ =	sfence.sel $0x180000  }
0x80: {  	[bflag:$0x0] =	sbarrier.arrive $0xFFFF  }
0x81: {  	p0 =	sne.s32 s3, $0x0;
	_ =	strace $0x9000004A  }
0x82: {  	s0 =	sadd.s32 @!p0 $0x100000, s0;
	[bflag:$0x2] =	sbarrier.arrive $0xFFFF  }
0x83: {  	[sflag:s0] =	ssyncadd.tile.s32 @!p0 $0x1;
	_ =	shalt  }
.Lfunc_end2:
_tile_overlayer_lowered:
.L_overlay_start_2:
0x84: {  	(tag) =	ssettag $0x2  }
0x85: {  	s0 =	rddreg [dreg:$0x0];
	s2 =	stileid.u32  }
0x86: {  	s1 =	rddreg [dreg:$0x1];
	p0 =	sne.s32 s2, $0x0  }
0x87: {  	s3 =	rddreg [dreg:$0x2];
	[bflag:$0x3] =	sbarrier.arrive $0xFFFF;
	s2 =	simm.s32 @!p0 $0x1C05  }
0x88: {  	[timem:s3], [sflag:s2] =	dma.local @!p0 [hbm:s0], s1  }
0x89: {  	s0 =	simm.s32 @!p0 $0x5  }
0x8a: {  	_ =	swait.ge @!p0 [sflag:s0], s1  }
0x8b: {  	s1 =	ssub.s32 @!p0 $0x0, s1;
	[sflag:s0] =	ssyncset.done @!p0 $0x0  }
0x8c: {  	[sflag:s0] =	ssyncadd.s32 @!p0 s1  }
0x8d: {  	[bflag:$0x3] =	sbarrier.arrive $0xFFFF  }
0x8e: {  	_ =	shalt  }

// kernel: kernel.18.cloned.1.call-start
scs
__scs_entry_jumppad:
0x0: {  	(pc) =	sbr.rel $0x88, $3  }
0x1: {  	(tag) =	ssettag $0x0;
	lr =	simm.s32 $0x1  }
0x2: {  	[smem:$0x3F97] =	sst lr;
	_ =	strace $0xD0000000  }
0x3: {  	_ = 	snop  }
0x4: {  	_ = 	snop  }
0x5: {  	_ = 	snop  }
0x6: {  	_ = 	snop  }
0x7: {  	_ = 	snop  }
__scs_overlays_trampoline_lowered:
0x8: {  	[smem:$0x3FA6] =	sst s0  }
0x9: {  	[smem:$0x3FA7] =	sst s1  }
0xa: {  	[smem:$0x3FA8] =	sst s2  }
0xb: {  	[smem:$0x3FA9] =	sst s3  }
0xc: {  	[smem:$0x3FAA] =	sst s4  }
0xd: {  	[smem:$0x3FAB] =	sst s5  }
0xe: {  	[smem:$0x3FAC] =	sst s6  }
0xf: {  	[smem:$0x3FAD] =	sst s7  }
0x10: {  	[smem:$0x3FAE] =	sst s8  }
0x11: {  	[smem:$0x3FAF] =	sst s9;
	s0 =	simm.s32 @!p0 $0x0  }
0x12: {  	s1 =	sld [smem:$0x3F95];
	s0 =	simm.s32 @p0 $0x1  }
0x13: {  	[smem:$0x3FB0] =	sst s0;
	s0 =	simm.s32 @!p1 $0x0  }
0x14: {  	s2 =	sld [smem:$0x3F94];
	s0 =	simm.s32 @p1 $0x1  }
0x15: {  	[smem:$0x3FB1] =	sst s0;
	s0 =	simm.s32 @!p2 $0x0  }
0x16: {  	s3 =	sld [smem:$0x3FDB];
	s0 =	simm.s32 @p2 $0x1  }
0x17: {  	s4 =	simm.s32 $0x1BF5;
	[smem:$0x3FB3] =	sst s0  }
0x18: {  	s0 =	sld [smem:$0x3F96];
	_ =	swait.ge [sflag:s4], $0x0  }
0x19: {  	s7 =	sld [smem:$0x3F97]  }
0x1a: {  	s8 =	sadd.s32 $0xFFFFE003, lr  }
0x1b: {  	s9 =	sadd.s32 $0xFFFFFEF7, lr;
	s5 =	simm.s32 $0xFFFFFFFF;
	p2 =	slt.u32 s8, $0xFFFFF086  }
0x1c: {  	p1 =	slt.u32 s9, $0xF7A;
	s5 =	simm.s32 @!p2 $0x0  }
0x1d: {  	s5 =	simm.s32 @p1 $0x1;
	p0 =	seq.s32 s7, s2  }
0x1e: {  	s7 =	smul.u32 @!p0 $0xF7A, s2;
	p2 =	seq.s32 @!p0 s5, $0x0  }
0x1f: {  	s9 =	smul.u32 $0xF7A, s1;
	s8 =	simm.s32 @!p0 $0x1BF5;
	p2 =	por !p2, p0  }
0x20: {  	[sflag:s8] =	ssyncset.s32 @!p0 $0xFFFFF086;
	s6 =	sadd.s32 @!p0 s3, s7;
	s7 =	simm.s32 @!p0 $0x108  }
0x21: {  	s3 =	sadd.s32 s3, s9;
	s6 =	sadd.s32 @!p0 $0x88, s6;
	s7 =	simm.s32 @p2 $0x1082  }
0x22: {  	[simem:s7], [sflag:s8] =	dma.local @!p0 [hbm:s6], $0xF7A  }
0x23: {  	s9 =	sor.u32 $0xD0000000, s2;
	s6 =	simm.s32 $0x108;
	_ =	swait.ge @!p0 [sflag:s8], $0x0  }
0x24: {  	s3 =	sadd.s32 $0x88, s3;
	s6 =	simm.s32 @!p1 $0x1082;
	[sflag:s4] =	ssyncset.s32 $0xFFFFF086  }
0x25: {  	[simem:s6], [sflag:s4] =	dma.local [hbm:s3], $0xF7A  }
0x26: {  	[smem:$0x3F97] =	sst s1;
	(tag) =	ssettag s2;
	_ =	strace s9  }
0x27: {  	s1 =	sld [smem:$0x3FA7]  }
0x28: {  	s2 =	sld [smem:$0x3FA8]  }
0x29: {  	s4 =	sld [smem:$0x3FAA]  }
0x2a: {  	p0 =	seq.s32 s5, $0x0;
	s5 =	sld [smem:$0x3FAB]  }
0x2b: {  	s6 =	sld [smem:$0x3FAC]  }
0x2c: {  	s7 =	sld [smem:$0x3FAD]  }
0x2d: {  	s3 =	simm.s32 $0x108;
	s8 =	sld [smem:$0x3FAE]  }
0x2e: {  	s3 =	simm.s32 @!p0 $0x1082;
	s9 =	sld [smem:$0x3FAF]  }
0x2f: {  	lr =	sadd.s32 s0, s3;
	s0 =	sld [smem:$0x3FA6]  }
0x30: {  	s3 =	sld [smem:$0x3FA9]  }
0x31: {  	[smem:$0x3FB2] =	sst s10  }
0x32: {  	s10 =	sld [smem:$0x3FB0];
	_ =	sdelay $0x3  }
0x33: {  	p0 =	seq.s32 s10, $0x1;
	s10 =	sld [smem:$0x3FB2];
	_ =	sdelay $0x3  }
0x34: {  	[smem:$0x3FB2] =	sst s10  }
0x35: {  	s10 =	sld [smem:$0x3FB1];
	_ =	sdelay $0x3  }
0x36: {  	p1 =	seq.s32 s10, $0x1;
	s10 =	sld [smem:$0x3FB2];
	_ =	sdelay $0x3  }
0x37: {  	[smem:$0x3FB2] =	sst s10  }
0x38: {  	s10 =	sld [smem:$0x3FB3]  }
0x39: {  	_ = 	snop;
	(pc) =	sbr.ind lr, $3  }
0x3a: {  	_ = 	snop  }
0x3b: {  	_ = 	snop  }
0x3c: {  	p2 =	seq.s32 s10, $0x1;
	s10 =	sld [smem:$0x3FB2]  }
0x3d: {  	_ =	shalt  }
0x3e: {  	_ =	shalt  }
0x3f: {  	_ =	shalt  }
0x40: {  	_ =	shalt  }
0x41: {  	_ =	shalt  }
0x42: {  	_ =	shalt  }
0x43: {  	_ =	shalt  }
0x44: {  	_ =	shalt  }
0x45: {  	_ =	shalt  }
0x46: {  	_ =	shalt  }
0x47: {  	_ =	shalt  }
0x48: {  	_ =	shalt  }
0x49: {  	_ =	shalt  }
0x4a: {  	_ =	shalt  }
0x4b: {  	_ =	shalt  }
0x4c: {  	_ =	shalt  }
0x4d: {  	_ =	shalt  }
0x4e: {  	_ =	shalt  }
0x4f: {  	_ =	shalt  }
0x50: {  	_ =	shalt  }
0x51: {  	_ =	shalt  }
0x52: {  	_ =	shalt  }
0x53: {  	_ =	shalt  }
0x54: {  	_ =	shalt  }
0x55: {  	_ =	shalt  }
0x56: {  	_ =	shalt  }
0x57: {  	_ =	shalt  }
0x58: {  	_ =	shalt  }
0x59: {  	_ =	shalt  }
0x5a: {  	_ =	shalt  }
0x5b: {  	_ =	shalt  }
0x5c: {  	_ =	shalt  }
0x5d: {  	_ =	shalt  }
0x5e: {  	_ =	shalt  }
0x5f: {  	_ =	shalt  }
0x60: {  	_ =	shalt  }
0x61: {  	_ =	shalt  }
0x62: {  	_ =	shalt  }
0x63: {  	_ =	shalt  }
0x64: {  	_ =	shalt  }
0x65: {  	_ =	shalt  }
0x66: {  	_ =	shalt  }
0x67: {  	_ =	shalt  }
0x68: {  	_ =	shalt  }
0x69: {  	_ =	shalt  }
0x6a: {  	_ =	shalt  }
0x6b: {  	_ =	shalt  }
0x6c: {  	_ =	shalt  }
0x6d: {  	_ =	shalt  }
0x6e: {  	_ =	shalt  }
0x6f: {  	_ =	shalt  }
0x70: {  	_ =	shalt  }
0x71: {  	_ =	shalt  }
0x72: {  	_ =	shalt  }
0x73: {  	_ =	shalt  }
0x74: {  	_ =	shalt  }
0x75: {  	_ =	shalt  }
0x76: {  	_ =	shalt  }
0x77: {  	_ =	shalt  }
0x78: {  	_ =	shalt  }
0x79: {  	_ =	shalt  }
0x7a: {  	_ =	shalt  }
0x7b: {  	_ =	shalt  }
0x7c: {  	_ =	shalt  }
0x7d: {  	_ =	shalt  }
0x7e: {  	_ =	shalt  }
0x7f: {  	_ =	shalt  }
0x80: {  	_ =	shalt  }
0x81: {  	_ =	shalt  }
0x82: {  	_ =	shalt  }
0x83: {  	_ =	shalt  }
0x84: {  	_ =	shalt  }
0x85: {  	_ =	shalt  }
0x86: {  	_ =	shalt  }
0x87: {  	_ =	shalt  }
.Lfunc_end0:
.L_simem_size_0:
called_computation.2_lowered:
.L_overlay_start_0:
0x88: {  	s2 =	sld [smem:$0x3FD9]  }
0x89: {  	s3 =	sld [smem:$0x3FFE];
	_ =	sdelay $0x1  }
0x8a: {  	s1 =	srdreg.scid  }
0x8b: {  	s0 =	sand.u32 $0x1, s1  }
0x8c: {  	s17 =	sshll.u32 s0, $0xA;
	s2 =	sadd.s32 s3, s2  }
0x8d: {  	s2 =	sadd.s32 s2, s17  }
0x8e: {  	[smem:$0x3FBE] =	sst s2  }
0x8f: {  	_ = 	snop  }
0x90: {  	s2 =	sld [smem:$0x3FD0];
	(tm) =	ssettm $0x1  }
0x91: {  	s18 =	sld [smem:$0x3FFB];
	_ =	sdelay $0x3  }
0x92: {  	_ =	strace s18  }
0x93: {  	s3 =	sld [smem:$0x3FFC];
	_ =	sdelay $0x3  }
0x94: {  	_ =	strace s3  }
0x95: {  	s3 =	sld [smem:$0x3FFD];
	_ =	sdelay $0x3  }
0x96: {  	_ =	strace s3  }
0x97: {  	_ =	strace $0x8FFFFFFF  }
0x98: {  	s19 =	sld [smem:$0x3FDB];
	_ =	sdelay $0x1  }
0x99: {  	s4 =	simm.s32 $_scs_section_size  }
0x9a: {  	s5 =	simm.s32 $_size__tile_overlayer_lowered;
	s6 =	simm.s32 $_tile_overlayer_lowered  }
0x9b: {  	s22 =	simm.s32 $0x1BFF;
	s21 =	sshll.u32 s6, $0x1;
	s3 =	sadd.s32 s4, s19  }
0x9c: {  	s7 =	simm.s32 $0x0;
	s20 =	sshll.u32 s5, $0x1;
	s5 =	sadd.s32 s21, s3  }
0x9d: {  	[timem:s7], [sflag:s22] =	dma.local [hbm:s5], s20  }
0x9e: {  	_ =	swait.ge [sflag:s22], s20  }
0x9f: {  	s4 =	ssub.s32 $0x0, s20;
	[sflag:s22] =	ssyncset.done $0x0  }
0xa0: {  	[sflag:s22] =	ssyncadd.s32 s4;
	_ =	sdelay $0x1  }
0xa1: {  	s23 =	simm.s32 $0x1B8B  }
0xa2: {  	_ =	swait.ge [sflag:s23], $0x1  }
0xa3: {  	[sflag:s23] =	ssyncset.done $0x0  }
0xa4: {  	s25 =	simm.s32 $0x1B8E;
	s24 =	sld [smem:$0x3FFE];
	[sflag:s23] =	ssyncadd.s32 $0xFFFFFFFF  }
0xa5: {  	s26 =	simm.s32 $execute0_lowered;
	[smem:$0x3FD2] =	sst s25  }
0xa6: {  	s5 =	sshll.u32 s26, $0x1;
	_ =	strace $0x8000004C;
	[dreg:$0x1] =	wrdreg $0xFFFFFFFF  }
0xa7: {  	s28 =	simm.s32 $_size_execute0_lowered;
	s3 =	sadd.s32 s3, s5;
	[dreg:$0x0] =	wrdreg $0x0  }
0xa8: {  	s5 =	sshll.u32 s28, $0x1;
	[dreg:$0x2] =	wrdreg s3  }
0xa9: {  	[dreg:$0x3] =	wrdreg s5  }
0xaa: {  	[dreg:$0x4] =	wrdreg $0xC0  }
0xab: {  	_ =	task [dreg:s7], $0x5FFFF  }
0xac: {  	[dreg:$0x1] =	wrdreg $0xFFFFFFFF  }
0xad: {  	[dreg:$0x0] =	wrdreg $0x60  }
0xae: {  	[dreg:$0x2] =	wrdreg s24  }
0xaf: {  	[dreg:$0x3] =	wrdreg s2  }
0xb0: {  	[dreg:$0x4] =	wrdreg $0x0  }
0xb1: {  	[dreg:$0x5] =	wrdreg $0x9  }
0xb2: {  	_ =	task.clear_ibuf [dreg:s7], $0x6FFFF;
	_ =	strace $0x9000004C  }
0xb3: {  	s29 =	simm.s32 $0x9;
	_ =	strace $0x8000004E  }
0xb4: {  	_ =	swait.ge [sflag:s29], $0x1  }
0xb5: {  	[sflag:s29] =	ssyncadd.s32 $0xFFFFFFFF  }
0xb6: {  	_ =	strace $0x9000004E  }
0xb7: {  	_ =	sfence  }
0xb8: {  	s30 =	sld [smem:$0x0];
	_ =	sdelay $0x2  }
0xb9: {  	s31 =	sshll.u32 s1, $0xD;
	s1 =	sshrl.u32 s1, $0x2  }
0xba: {  	s3 =	sand.u32 $0x4000, s31;
	s1 =	sadd.s32 s1, s30  }
0xbb: {  	s0 =	sor.u32 s3, s0;
	s1 =	sshll.u32 s1, $0x11  }
0xbc: {  	s0 =	sor.u32 s1, s0  }
0xbd: {  	s0 =	sadd.s32 $0x8F2B, s0  }
0xbe: {  	[sflag:s0] =	ssyncadd.remote.s32 $0x1  }
0xbf: {  	_ =	sfence.sel $0xFFFF  }
0xc0: {  	[dreg:$0x0] =	wrdreg $0xFFFFFFFF;
	(pc) =	sbr.abs _section_cstart, $3  }
0xc1: {  	[dreg:$0x1] =	wrdreg $0xFFFFFFFF  }
0xc2: {  	_ =	task.clear_ibuf [dreg:s7], $0x2FFFF;
	_ =	strace $0x9FFFFFFF  }
0xc3: {  	(tm) =	ssettm $0x7FFFFFFF  }
tec
execute0_lowered:
.L_overlay_start_1:
0x0: {  	(tag) =	ssettag $0x1  }
0x1: {  	s4 =	rddreg [dreg:$0x0]  }
0x2: {  	s9 =	rddreg [dreg:$0x1]  }
0x3: {  	s1 =	rddreg [dreg:$0x2]  }
0x4: {  	s0 =	rddreg [dreg:$0x3];
	s2 =	simm.s32 $0x0  }
0x5: {  	s3 =	srdreg.scid;
	s15 =	simm.s32 $0x14100;
	s16 =	simm.s32 $0x80  }
0x6: {  	s17 =	simm.s32 $0x14200;
	s18 =	simm.s32 $0x14080;
	s19 =	simm.s32 $0x14180  }
0x7: {  	s20 =	simm.s32 $0x18200;
	s21 =	simm.s32 $0x1;
	s5 =	sand.u32 $0x1, s3  }
0x8: {  	s22 =	simm.s32 $0x2;
	s3 =	stileid.u32;
	s6 =	smul.u32 $0x28000, s5  }
0x9: {  	s23 =	simm.s32 $0x3;
	s26 =	simm.s32 $0x0;
	s7 =	smul.u32 $0x50000, s3  }
0xa: {  	[smem:$0x7FF] =	sst s2;
	s10 =	sadd.s32 $0x3000, s4;
	s24 =	smul.u32 $0x2800, s3  }
0xb: {  	_ =	strace $0x8000004D;
	s5 =	ssub.s32 $0x2, s5;
	s8 =	smul.u32 $0xA00, s3  }
0xc: {  	s31 =	sshll.u32 s3, $0x6;
	s29 =	sshrl.u32 s5, $0x1;
	s11 =	sadd.s32 s6, s4  }
0xd: {  	s12 =	ssub.s32 s5, s29;
	s30 =	sshrl.u32 s7, $0x2;
	s6 =	sor.u32 $0x1C05, s31  }
0xe: {  	s14 =	sor.u32 $0x10, s8;
	s7 =	sadd.s32 s9, s8;
	s8 =	sadd.s32 s10, s8  }
0xf: {  	s13 =	sadd.s32 s30, s1;
	s4 =	sadd.s32 $0xD000, s11;
	s9 =	sadd.s32 s9, s14  }
0x10: {  	s10 =	sadd.s32 s10, s14;
	s25 =	sadd.s32 $0x5D000, s11;
	s11 =	smax.u32 s12, $0x1  }
0x11: {  	s14 =	simm.s32 $0x14000;
	s5 =	sadd.s32 s24, s4;
	s12 =	sshrl.u32 s13, $0x3  }
0x12: {  	s13 =	simm.s32 $0x5;
	s24 =	sadd.s32 s24, s25;
	s25 =	simm.s32 $0x4  }
.LBB2_1:
0x13: {  	[spmem:s12], [sflag:s6] =	dma.local [hbm:s5], $0x2800  }
0x14: {  	_ =	swait.ge [sflag:s13], $0x2800  }
0x15: {  	[sflag:s13] =	ssyncset.done $0x0  }
0x16: {  	[sflag:s13] =	ssyncadd.s32 $0xFFFFD800  }
0x17: {  	[bflag:$0x0] =	sbarrier.arrive $0xFFFF  }
0x18: {  	[tilespmem:s14], [sflag:$0x5] =	stream.linear.gather [hbm4b:s7+s2], $0x80, $0x38;
	[tilespmem:$0x1C200] =	vst v63  }
0x19: {  	_ =	swait.ge [sflag:s13], $0x80  }
0x1a: {  	[sflag:s13] =	ssyncset.done $0x0  }
0x1b: {  	[sflag:s13] =	ssyncadd.s32 $0xFFFFFF80  }
0x1c: {  	[tilespmem:s15], [sflag:$0x5] =	stream.linear.gather [hbm4b:s8+s2], $0x80, $0x38;
	[tilespmem:$0x1C200] =	vst v63  }
0x1d: {  	_ =	swait.ge [sflag:s13], $0x80  }
0x1e: {  	[sflag:s13] =	ssyncset.done $0x0  }
0x1f: {  	[sflag:s13] =	ssyncadd.s32 $0xFFFFFF80  }
0x20: {  	[tilespmem:s17], [sflag:$0x1] =	stream.indirect.gather [hbm4b:s4+s16], $0x80, s14, s16, $0xb8;
	[tilespmem:$0x1C200] =	vst v63  }
0x21: {  	_ = 	snop  }
0x22: {  	[tilespmem:s18], [sflag:$0x5] =	stream.linear.gather [hbm4b:s9+s2], $0x80, $0x38;
	[tilespmem:$0x1C200] =	vst v63  }
0x23: {  	_ =	swait.ge [sflag:s13], $0x80  }
0x24: {  	[sflag:s13] =	ssyncset.done $0x0  }
0x25: {  	[sflag:s13] =	ssyncadd.s32 $0xFFFFFF80  }
0x26: {  	[tilespmem:s19], [sflag:$0x5] =	stream.linear.gather [hbm4b:s10+s2], $0x80, $0x38;
	[tilespmem:$0x1C200] =	vst v63  }
0x27: {  	_ =	swait.ge [sflag:s13], $0x80  }
0x28: {  	[sflag:s13] =	ssyncset.done $0x0  }
0x29: {  	[sflag:s13] =	ssyncadd.s32 $0xFFFFFF80  }
0x2a: {  	[tilespmem:s20], [sflag:$0x2] =	stream.indirect.gather [hbm4b:s4+s16], $0x80, s18, s16, $0xb8;
	[tilespmem:$0x1C200] =	vst v63  }
0x2b: {  	_ =	swait.ge [sflag:s21], $0x4000  }
0x2c: {  	[sflag:s21] =	ssyncset.done $0x0  }
0x2d: {  	[sflag:s21] =	ssyncadd.s32 $0xFFFFC000  }
0x2e: {  	[spmem:s1] =	stream.indirect.scatter.add.f32 [tilespmem:s17], [sflag:$0x3], $0x80, s15, s16, $0xb8;
	[tilespmem:$0x1C200] =	vst v63  }
0x2f: {  	_ =	swait.ge [sflag:s22], $0x4000  }
0x30: {  	[sflag:s22] =	ssyncset.done $0x0  }
0x31: {  	[sflag:s22] =	ssyncadd.s32 $0xFFFFC000  }
0x32: {  	[spmem:s1] =	stream.indirect.scatter.add.f32 [tilespmem:s20], [sflag:$0x4], $0x80, s19, s16, $0xb8;
	[tilespmem:$0x1C200] =	vst v63  }
0x33: {  	_ =	swait.ge [sflag:s23], $0x4000  }
0x34: {  	s28 =	sadd.s32 $0xFFFFF620, s7;
	[sflag:s23] =	ssyncset.done $0x0  }
0x35: {  	s29 =	sadd.s32 $0xA00, s28;
	[sflag:s23] =	ssyncadd.s32 $0xFFFFC000  }
0x36: {  	[tilespmem:s14], [sflag:$0x5] =	stream.linear.gather [hbm4b:s29+s2], $0x80, $0x38;
	[tilespmem:$0x1C200] =	vst v63  }
0x37: {  	_ =	swait.ge [sflag:s13], $0x80  }
0x38: {  	s31 =	sadd.s32 $0xFFFFF620, s8;
	[sflag:s13] =	ssyncset.done $0x0  }
0x39: {  	s30 =	sadd.s32 $0xA00, s31;
	[sflag:s13] =	ssyncadd.s32 $0xFFFFFF80  }
0x3a: {  	[tilespmem:s15], [sflag:$0x5] =	stream.linear.gather [hbm4b:s30+s2], $0x80, $0x38;
	[tilespmem:$0x1C200] =	vst v63  }
0x3b: {  	_ =	swait.ge [sflag:s13], $0x80  }
0x3c: {  	[sflag:s13] =	ssyncset.done $0x0  }
0x3d: {  	[sflag:s13] =	ssyncadd.s32 $0xFFFFFF80  }
0x3e: {  	[tilespmem:s17], [sflag:$0x1] =	stream.indirect.gather [hbm4b:s4+s16], $0x80, s14, s16, $0xb8;
	[tilespmem:$0x1C200] =	vst v63  }
0x3f: {  	_ =	swait.ge [sflag:s25], $0x4000  }
0x40: {  	[sflag:s25] =	ssyncset.done $0x0  }
0x41: {  	s28 =	sadd.s32 $0xA10, s28;
	[sflag:s25] =	ssyncadd.s32 $0xFFFFC000  }
0x42: {  	[tilespmem:s18], [sflag:$0x5] =	stream.linear.gather [hbm4b:s28+s2], $0x80, $0x38;
	[tilespmem:$0x1C200] =	vst v63  }
0x43: {  	_ =	swait.ge [sflag:s13], $0x80  }
0x44: {  	[sflag:s13] =	ssyncset.done $0x0  }
0x45: {  	s28 =	sadd.s32 $0xA10, s31;
	[sflag:s13] =	ssyncadd.s32 $0xFFFFFF80  }
0x46: {  	[tilespmem:s19], [sflag:$0x5] =	stream.linear.gather [hbm4b:s28+s2], $0x80, $0x38;
	[tilespmem:$0x1C200] =	vst v63  }
0x47: {  	_ =	swait.ge [sflag:s13], $0x80  }
0x48: {  	[sflag:s13] =	ssyncset.done $0x0  }
0x49: {  	[sflag:s13] =	ssyncadd.s32 $0xFFFFFF80  }
0x4a: {  	[tilespmem:s20], [sflag:$0x2] =	stream.indirect.gather [hbm4b:s4+s16], $0x80, s18, s16, $0xb8;
	[tilespmem:$0x1C200] =	vst v63  }
0x4b: {  	_ =	swait.ge [sflag:s21], $0x4000  }
0x4c: {  	[sflag:s21] =	ssyncset.done $0x0  }
0x4d: {  	[sflag:s21] =	ssyncadd.s32 $0xFFFFC000  }
0x4e: {  	[spmem:s1] =	stream.indirect.scatter.add.f32 [tilespmem:s17], [sflag:$0x3], $0x80, s15, s16, $0xb8;
	[tilespmem:$0x1C200] =	vst v63  }
0x4f: {  	_ =	swait.ge [sflag:s22], $0x4000  }
0x50: {  	[sflag:s22] =	ssyncset.done $0x0  }
0x51: {  	s28 =	simm.s32 $0xFFFFF640;
	[sflag:s22] =	ssyncadd.s32 $0xFFFFC000  }
.LBB2_2:
0x52: {  	[spmem:s1] =	stream.indirect.scatter.add.f32 [tilespmem:s20], [sflag:$0x4], $0x80, s19, s16, $0xb8;
	[tilespmem:$0x1C200] =	vst v63  }
0x53: {  	s29 =	smov.u32 s28  }
0x54: {  	p0 =	sne.s32 s28, $0xFFFFFFE0;
	s28 =	sadd.s32 $0x20, s28;
	_ =	swait.ge [sflag:s23], $0x4000  }
0x55: {  	s30 =	sadd.s32 s29, s7;
	[sflag:s23] =	ssyncset.done $0x0  }
0x56: {  	s31 =	sadd.s32 $0xA00, s30;
	[sflag:s23] =	ssyncadd.s32 $0xFFFFC000  }
0x57: {  	[tilespmem:s14], [sflag:$0x5] =	stream.linear.gather [hbm4b:s31+s2], $0x80, $0x38;
	[tilespmem:$0x1C200] =	vst v63  }
0x58: {  	_ =	swait.ge [sflag:s13], $0x80  }
0x59: {  	s29 =	sadd.s32 s29, s8;
	[sflag:s13] =	ssyncset.done $0x0  }
0x5a: {  	s31 =	sadd.s32 $0xA00, s29;
	[sflag:s13] =	ssyncadd.s32 $0xFFFFFF80  }
0x5b: {  	[tilespmem:s15], [sflag:$0x5] =	stream.linear.gather [hbm4b:s31+s2], $0x80, $0x38;
	[tilespmem:$0x1C200] =	vst v63  }
0x5c: {  	_ =	swait.ge [sflag:s13], $0x80  }
0x5d: {  	[sflag:s13] =	ssyncset.done $0x0  }
0x5e: {  	[sflag:s13] =	ssyncadd.s32 $0xFFFFFF80  }
0x5f: {  	[tilespmem:s17], [sflag:$0x1] =	stream.indirect.gather [hbm4b:s4+s16], $0x80, s14, s16, $0xb8;
	[tilespmem:$0x1C200] =	vst v63  }
0x60: {  	_ =	swait.ge [sflag:s25], $0x4000  }
0x61: {  	[sflag:s25] =	ssyncset.done $0x0  }
0x62: {  	s30 =	sadd.s32 $0xA10, s30;
	[sflag:s25] =	ssyncadd.s32 $0xFFFFC000  }
0x63: {  	[tilespmem:s18], [sflag:$0x5] =	stream.linear.gather [hbm4b:s30+s2], $0x80, $0x38;
	[tilespmem:$0x1C200] =	vst v63  }
0x64: {  	_ =	swait.ge [sflag:s13], $0x80  }
0x65: {  	[sflag:s13] =	ssyncset.done $0x0  }
0x66: {  	s29 =	sadd.s32 $0xA10, s29;
	[sflag:s13] =	ssyncadd.s32 $0xFFFFFF80  }
0x67: {  	[tilespmem:s19], [sflag:$0x5] =	stream.linear.gather [hbm4b:s29+s2], $0x80, $0x38;
	[tilespmem:$0x1C200] =	vst v63  }
0x68: {  	_ =	swait.ge [sflag:s13], $0x80  }
0x69: {  	[sflag:s13] =	ssyncset.done $0x0  }
0x6a: {  	[sflag:s13] =	ssyncadd.s32 $0xFFFFFF80  }
0x6b: {  	[tilespmem:s20], [sflag:$0x2] =	stream.indirect.gather [hbm4b:s4+s16], $0x80, s18, s16, $0xb8;
	[tilespmem:$0x1C200] =	vst v63  }
0x6c: {  	_ =	swait.ge [sflag:s21], $0x4000  }
0x6d: {  	[sflag:s21] =	ssyncset.done $0x0  }
.Ltmp0:
0x6e: {  	[sflag:s21] =	ssyncadd.s32 $0xFFFFC000;
	(pc) =	sbr.rel @p0 .LBB2_2-.Ltmp0, $4  }
0x6f: {  	[spmem:s1] =	stream.indirect.scatter.add.f32 [tilespmem:s17], [sflag:$0x3], $0x80, s15, s16, $0xb8;
	[tilespmem:$0x1C200] =	vst v63  }
0x70: {  	_ =	swait.ge [sflag:s22], $0x4000  }
0x71: {  	[sflag:s22] =	ssyncset.done $0x0  }
0x72: {  	[sflag:s22] =	ssyncadd.s32 $0xFFFFC000  }
0x73: {  	[spmem:s1] =	stream.indirect.scatter.add.f32 [tilespmem:s20], [sflag:$0x4], $0x80, s19, s16, $0xb8;
	[tilespmem:$0x1C200] =	vst v63  }
0x74: {  	_ =	swait.ge [sflag:s23], $0x4000  }
0x75: {  	[sflag:s23] =	ssyncset.done $0x0  }
0x76: {  	[sflag:s23] =	ssyncadd.s32 $0xFFFFC000  }
0x77: {  	_ =	swait.ge [sflag:s25], $0x4000  }
0x78: {  	s26 =	sadd.s32 $0x1, s26;
	[sflag:s25] =	ssyncset.done $0x0  }
0x79: {  	p0 =	sne.s32 s26, s11;
	[sflag:s25] =	ssyncadd.s32 $0xFFFFC000  }
.Ltmp1:
0x7a: {  	[bflag:$0x0] =	sbarrier.arrive $0xFFFF;
	(pc) =	sbr.rel @p0 .LBB2_1-.Ltmp1, $4  }
0x7b: {  	[hbm:s24], [sflag:s6] =	dma.local [spmem:s12], $0x2800  }
0x7c: {  	_ =	swait.ge [sflag:s13], $0x2800  }
0x7d: {  	[sflag:s13] =	ssyncset.done $0x0  }
0x7e: {  	[sflag:s13] =	ssyncadd.s32 $0xFFFFD800  }
0x7f: {  	_ =	sfence.sel $0x180000  }
0x80: {  	[bflag:$0x0] =	sbarrier.arrive $0xFFFF  }
0x81: {  	p0 =	sne.s32 s3, $0x0;
	_ =	strace $0x9000004D  }
0x82: {  	s0 =	sadd.s32 @!p0 $0x100000, s0;
	[bflag:$0x2] =	sbarrier.arrive $0xFFFF  }
0x83: {  	[sflag:s0] =	ssyncadd.tile.s32 @!p0 $0x1;
	_ =	shalt  }
.Lfunc_end2:
_tile_overlayer_lowered:
.L_overlay_start_2:
0x84: {  	(tag) =	ssettag $0x2  }
0x85: {  	s0 =	rddreg [dreg:$0x0];
	s2 =	stileid.u32  }
0x86: {  	s1 =	rddreg [dreg:$0x1];
	p0 =	sne.s32 s2, $0x0  }
0x87: {  	s3 =	rddreg [dreg:$0x2];
	[bflag:$0x3] =	sbarrier.arrive $0xFFFF;
	s2 =	simm.s32 @!p0 $0x1C05  }
0x88: {  	[timem:s3], [sflag:s2] =	dma.local @!p0 [hbm:s0], s1  }
0x89: {  	s0 =	simm.s32 @!p0 $0x5  }
0x8a: {  	_ =	swait.ge @!p0 [sflag:s0], s1  }
0x8b: {  	s1 =	ssub.s32 @!p0 $0x0, s1;
	[sflag:s0] =	ssyncset.done @!p0 $0x0  }
0x8c: {  	[sflag:s0] =	ssyncadd.s32 @!p0 s1  }
0x8d: {  	[bflag:$0x3] =	sbarrier.arrive $0xFFFF  }
0x8e: {  	_ =	shalt  }

// kernel: kernel.21.cloned.1.call-start
scs
__scs_entry_jumppad:
0x0: {  	(pc) =	sbr.rel $0x88, $3  }
0x1: {  	(tag) =	ssettag $0x0;
	lr =	simm.s32 $0x1  }
0x2: {  	[smem:$0x3F97] =	sst lr;
	_ =	strace $0xD0000000  }
0x3: {  	_ = 	snop  }
0x4: {  	_ = 	snop  }
0x5: {  	_ = 	snop  }
0x6: {  	_ = 	snop  }
0x7: {  	_ = 	snop  }
__scs_overlays_trampoline_lowered:
0x8: {  	[smem:$0x3FA6] =	sst s0  }
0x9: {  	[smem:$0x3FA7] =	sst s1  }
0xa: {  	[smem:$0x3FA8] =	sst s2  }
0xb: {  	[smem:$0x3FA9] =	sst s3  }
0xc: {  	[smem:$0x3FAA] =	sst s4  }
0xd: {  	[smem:$0x3FAB] =	sst s5  }
0xe: {  	[smem:$0x3FAC] =	sst s6  }
0xf: {  	[smem:$0x3FAD] =	sst s7  }
0x10: {  	[smem:$0x3FAE] =	sst s8  }
0x11: {  	[smem:$0x3FAF] =	sst s9;
	s0 =	simm.s32 @!p0 $0x0  }
0x12: {  	s1 =	sld [smem:$0x3F95];
	s0 =	simm.s32 @p0 $0x1  }
0x13: {  	[smem:$0x3FB0] =	sst s0;
	s0 =	simm.s32 @!p1 $0x0  }
0x14: {  	s2 =	sld [smem:$0x3F94];
	s0 =	simm.s32 @p1 $0x1  }
0x15: {  	[smem:$0x3FB1] =	sst s0;
	s0 =	simm.s32 @!p2 $0x0  }
0x16: {  	s3 =	sld [smem:$0x3FDB];
	s0 =	simm.s32 @p2 $0x1  }
0x17: {  	s4 =	simm.s32 $0x1BF5;
	[smem:$0x3FB3] =	sst s0  }
0x18: {  	s0 =	sld [smem:$0x3F96];
	_ =	swait.ge [sflag:s4], $0x0  }
0x19: {  	s7 =	sld [smem:$0x3F97]  }
0x1a: {  	s8 =	sadd.s32 $0xFFFFE003, lr  }
0x1b: {  	s9 =	sadd.s32 $0xFFFFFEF7, lr;
	s5 =	simm.s32 $0xFFFFFFFF;
	p2 =	slt.u32 s8, $0xFFFFF086  }
0x1c: {  	p1 =	slt.u32 s9, $0xF7A;
	s5 =	simm.s32 @!p2 $0x0  }
0x1d: {  	s5 =	simm.s32 @p1 $0x1;
	p0 =	seq.s32 s7, s2  }
0x1e: {  	s7 =	smul.u32 @!p0 $0xF7A, s2;
	p2 =	seq.s32 @!p0 s5, $0x0  }
0x1f: {  	s9 =	smul.u32 $0xF7A, s1;
	s8 =	simm.s32 @!p0 $0x1BF5;
	p2 =	por !p2, p0  }
0x20: {  	[sflag:s8] =	ssyncset.s32 @!p0 $0xFFFFF086;
	s6 =	sadd.s32 @!p0 s3, s7;
	s7 =	simm.s32 @!p0 $0x108  }
0x21: {  	s3 =	sadd.s32 s3, s9;
	s6 =	sadd.s32 @!p0 $0x88, s6;
	s7 =	simm.s32 @p2 $0x1082  }
0x22: {  	[simem:s7], [sflag:s8] =	dma.local @!p0 [hbm:s6], $0xF7A  }
0x23: {  	s9 =	sor.u32 $0xD0000000, s2;
	s6 =	simm.s32 $0x108;
	_ =	swait.ge @!p0 [sflag:s8], $0x0  }
0x24: {  	s3 =	sadd.s32 $0x88, s3;
	s6 =	simm.s32 @!p1 $0x1082;
	[sflag:s4] =	ssyncset.s32 $0xFFFFF086  }
0x25: {  	[simem:s6], [sflag:s4] =	dma.local [hbm:s3], $0xF7A  }
0x26: {  	[smem:$0x3F97] =	sst s1;
	(tag) =	ssettag s2;
	_ =	strace s9  }
0x27: {  	s1 =	sld [smem:$0x3FA7]  }
0x28: {  	s2 =	sld [smem:$0x3FA8]  }
0x29: {  	s4 =	sld [smem:$0x3FAA]  }
0x2a: {  	p0 =	seq.s32 s5, $0x0;
	s5 =	sld [smem:$0x3FAB]  }
0x2b: {  	s6 =	sld [smem:$0x3FAC]  }
0x2c: {  	s7 =	sld [smem:$0x3FAD]  }
0x2d: {  	s3 =	simm.s32 $0x108;
	s8 =	sld [smem:$0x3FAE]  }
0x2e: {  	s3 =	simm.s32 @!p0 $0x1082;
	s9 =	sld [smem:$0x3FAF]  }
0x2f: {  	lr =	sadd.s32 s0, s3;
	s0 =	sld [smem:$0x3FA6]  }
0x30: {  	s3 =	sld [smem:$0x3FA9]  }
0x31: {  	[smem:$0x3FB2] =	sst s10  }
0x32: {  	s10 =	sld [smem:$0x3FB0];
	_ =	sdelay $0x3  }
0x33: {  	p0 =	seq.s32 s10, $0x1;
	s10 =	sld [smem:$0x3FB2];
	_ =	sdelay $0x3  }
0x34: {  	[smem:$0x3FB2] =	sst s10  }
0x35: {  	s10 =	sld [smem:$0x3FB1];
	_ =	sdelay $0x3  }
0x36: {  	p1 =	seq.s32 s10, $0x1;
	s10 =	sld [smem:$0x3FB2];
	_ =	sdelay $0x3  }
0x37: {  	[smem:$0x3FB2] =	sst s10  }
0x38: {  	s10 =	sld [smem:$0x3FB3]  }
0x39: {  	_ = 	snop;
	(pc) =	sbr.ind lr, $3  }
0x3a: {  	_ = 	snop  }
0x3b: {  	_ = 	snop  }
0x3c: {  	p2 =	seq.s32 s10, $0x1;
	s10 =	sld [smem:$0x3FB2]  }
0x3d: {  	_ =	shalt  }
0x3e: {  	_ =	shalt  }
0x3f: {  	_ =	shalt  }
0x40: {  	_ =	shalt  }
0x41: {  	_ =	shalt  }
0x42: {  	_ =	shalt  }
0x43: {  	_ =	shalt  }
0x44: {  	_ =	shalt  }
0x45: {  	_ =	shalt  }
0x46: {  	_ =	shalt  }
0x47: {  	_ =	shalt  }
0x48: {  	_ =	shalt  }
0x49: {  	_ =	shalt  }
0x4a: {  	_ =	shalt  }
0x4b: {  	_ =	shalt  }
0x4c: {  	_ =	shalt  }
0x4d: {  	_ =	shalt  }
0x4e: {  	_ =	shalt  }
0x4f: {  	_ =	shalt  }
0x50: {  	_ =	shalt  }
0x51: {  	_ =	shalt  }
0x52: {  	_ =	shalt  }
0x53: {  	_ =	shalt  }
0x54: {  	_ =	shalt  }
0x55: {  	_ =	shalt  }
0x56: {  	_ =	shalt  }
0x57: {  	_ =	shalt  }
0x58: {  	_ =	shalt  }
0x59: {  	_ =	shalt  }
0x5a: {  	_ =	shalt  }
0x5b: {  	_ =	shalt  }
0x5c: {  	_ =	shalt  }
0x5d: {  	_ =	shalt  }
0x5e: {  	_ =	shalt  }
0x5f: {  	_ =	shalt  }
0x60: {  	_ =	shalt  }
0x61: {  	_ =	shalt  }
0x62: {  	_ =	shalt  }
0x63: {  	_ =	shalt  }
0x64: {  	_ =	shalt  }
0x65: {  	_ =	shalt  }
0x66: {  	_ =	shalt  }
0x67: {  	_ =	shalt  }
0x68: {  	_ =	shalt  }
0x69: {  	_ =	shalt  }
0x6a: {  	_ =	shalt  }
0x6b: {  	_ =	shalt  }
0x6c: {  	_ =	shalt  }
0x6d: {  	_ =	shalt  }
0x6e: {  	_ =	shalt  }
0x6f: {  	_ =	shalt  }
0x70: {  	_ =	shalt  }
0x71: {  	_ =	shalt  }
0x72: {  	_ =	shalt  }
0x73: {  	_ =	shalt  }
0x74: {  	_ =	shalt  }
0x75: {  	_ =	shalt  }
0x76: {  	_ =	shalt  }
0x77: {  	_ =	shalt  }
0x78: {  	_ =	shalt  }
0x79: {  	_ =	shalt  }
0x7a: {  	_ =	shalt  }
0x7b: {  	_ =	shalt  }
0x7c: {  	_ =	shalt  }
0x7d: {  	_ =	shalt  }
0x7e: {  	_ =	shalt  }
0x7f: {  	_ =	shalt  }
0x80: {  	_ =	shalt  }
0x81: {  	_ =	shalt  }
0x82: {  	_ =	shalt  }
0x83: {  	_ =	shalt  }
0x84: {  	_ =	shalt  }
0x85: {  	_ =	shalt  }
0x86: {  	_ =	shalt  }
0x87: {  	_ =	shalt  }
.Lfunc_end0:
.L_simem_size_0:
called_computation.3_lowered:
.L_overlay_start_0:
0x88: {  	s2 =	sld [smem:$0x3FD9]  }
0x89: {  	s3 =	sld [smem:$0x3FFE];
	_ =	sdelay $0x1  }
0x8a: {  	s1 =	srdreg.scid  }
0x8b: {  	s0 =	sand.u32 $0x1, s1  }
0x8c: {  	s17 =	sshll.u32 s0, $0xA;
	s2 =	sadd.s32 s3, s2  }
0x8d: {  	s2 =	sadd.s32 s2, s17  }
0x8e: {  	[smem:$0x3FBE] =	sst s2  }
0x8f: {  	_ = 	snop  }
0x90: {  	s2 =	sld [smem:$0x3FD0];
	(tm) =	ssettm $0x1  }
0x91: {  	s18 =	sld [smem:$0x3FFB];
	_ =	sdelay $0x3  }
0x92: {  	_ =	strace s18  }
0x93: {  	s3 =	sld [smem:$0x3FFC];
	_ =	sdelay $0x3  }
0x94: {  	_ =	strace s3  }
0x95: {  	s3 =	sld [smem:$0x3FFD];
	_ =	sdelay $0x3  }
0x96: {  	_ =	strace s3  }
0x97: {  	_ =	strace $0x8FFFFFFF  }
0x98: {  	s19 =	sld [smem:$0x3FDB];
	_ =	sdelay $0x1  }
0x99: {  	s4 =	simm.s32 $_scs_section_size  }
0x9a: {  	s5 =	simm.s32 $_size__tile_overlayer_lowered;
	s6 =	simm.s32 $_tile_overlayer_lowered  }
0x9b: {  	s22 =	simm.s32 $0x1BFF;
	s21 =	sshll.u32 s6, $0x1;
	s3 =	sadd.s32 s4, s19  }
0x9c: {  	s7 =	simm.s32 $0x0;
	s20 =	sshll.u32 s5, $0x1;
	s5 =	sadd.s32 s21, s3  }
0x9d: {  	[timem:s7], [sflag:s22] =	dma.local [hbm:s5], s20  }
0x9e: {  	_ =	swait.ge [sflag:s22], s20  }
0x9f: {  	s4 =	ssub.s32 $0x0, s20;
	[sflag:s22] =	ssyncset.done $0x0  }
0xa0: {  	[sflag:s22] =	ssyncadd.s32 s4;
	_ =	sdelay $0x1  }
0xa1: {  	s23 =	simm.s32 $0x1B8B  }
0xa2: {  	_ =	swait.ge [sflag:s23], $0x1  }
0xa3: {  	[sflag:s23] =	ssyncset.done $0x0  }
0xa4: {  	s25 =	simm.s32 $0x1B8E;
	s24 =	sld [smem:$0x3FFE];
	[sflag:s23] =	ssyncadd.s32 $0xFFFFFFFF  }
0xa5: {  	s26 =	simm.s32 $execute0_lowered;
	[smem:$0x3FD2] =	sst s25  }
0xa6: {  	s5 =	sshll.u32 s26, $0x1;
	_ =	strace $0x8000004F;
	[dreg:$0x1] =	wrdreg $0xFFFFFFFF  }
0xa7: {  	s28 =	simm.s32 $_size_execute0_lowered;
	s3 =	sadd.s32 s3, s5;
	[dreg:$0x0] =	wrdreg $0x0  }
0xa8: {  	s5 =	sshll.u32 s28, $0x1;
	[dreg:$0x2] =	wrdreg s3  }
0xa9: {  	[dreg:$0x3] =	wrdreg s5  }
0xaa: {  	[dreg:$0x4] =	wrdreg $0xC0  }
0xab: {  	_ =	task [dreg:s7], $0x5FFFF  }
0xac: {  	[dreg:$0x1] =	wrdreg $0xFFFFFFFF  }
0xad: {  	[dreg:$0x0] =	wrdreg $0x60  }
0xae: {  	[dreg:$0x2] =	wrdreg s24  }
0xaf: {  	[dreg:$0x3] =	wrdreg s2  }
0xb0: {  	[dreg:$0x4] =	wrdreg $0x0  }
0xb1: {  	[dreg:$0x5] =	wrdreg $0x9  }
0xb2: {  	_ =	task.clear_ibuf [dreg:s7], $0x6FFFF;
	_ =	strace $0x9000004F  }
0xb3: {  	s29 =	simm.s32 $0x9;
	_ =	strace $0x80000051  }
0xb4: {  	_ =	swait.ge [sflag:s29], $0x1  }
0xb5: {  	[sflag:s29] =	ssyncadd.s32 $0xFFFFFFFF  }
0xb6: {  	_ =	strace $0x90000051  }
0xb7: {  	_ =	sfence  }
0xb8: {  	s30 =	sld [smem:$0x0];
	_ =	sdelay $0x2  }
0xb9: {  	s31 =	sshll.u32 s1, $0xD;
	s1 =	sshrl.u32 s1, $0x2  }
0xba: {  	s3 =	sand.u32 $0x4000, s31;
	s1 =	sadd.s32 s1, s30  }
0xbb: {  	s0 =	sor.u32 s3, s0;
	s1 =	sshll.u32 s1, $0x11  }
0xbc: {  	s0 =	sor.u32 s1, s0  }
0xbd: {  	s0 =	sadd.s32 $0x8F2B, s0  }
0xbe: {  	[sflag:s0] =	ssyncadd.remote.s32 $0x1  }
0xbf: {  	_ =	sfence.sel $0xFFFF  }
0xc0: {  	[dreg:$0x0] =	wrdreg $0xFFFFFFFF;
	(pc) =	sbr.abs _section_cstart, $3  }
0xc1: {  	[dreg:$0x1] =	wrdreg $0xFFFFFFFF  }
0xc2: {  	_ =	task.clear_ibuf [dreg:s7], $0x2FFFF;
	_ =	strace $0x9FFFFFFF  }
0xc3: {  	(tm) =	ssettm $0x7FFFFFFF  }
tec
execute0_lowered:
.L_overlay_start_1:
0x0: {  	(tag) =	ssettag $0x1  }
0x1: {  	s4 =	rddreg [dreg:$0x0]  }
0x2: {  	s9 =	rddreg [dreg:$0x1]  }
0x3: {  	s1 =	rddreg [dreg:$0x2]  }
0x4: {  	s0 =	rddreg [dreg:$0x3];
	s2 =	simm.s32 $0x0  }
0x5: {  	s3 =	srdreg.scid;
	s15 =	simm.s32 $0x14100;
	s16 =	simm.s32 $0x80  }
0x6: {  	s17 =	simm.s32 $0x14200;
	s18 =	simm.s32 $0x14080;
	s19 =	simm.s32 $0x14180  }
0x7: {  	s20 =	simm.s32 $0x18200;
	s21 =	simm.s32 $0x1;
	s5 =	sand.u32 $0x1, s3  }
0x8: {  	s22 =	simm.s32 $0x2;
	s3 =	stileid.u32;
	s6 =	smul.u32 $0x28000, s5  }
0x9: {  	s23 =	simm.s32 $0x3;
	s26 =	simm.s32 $0x0;
	s7 =	smul.u32 $0x50000, s3  }
0xa: {  	[smem:$0x7FF] =	sst s2;
	s10 =	sadd.s32 $0x3000, s4;
	s24 =	smul.u32 $0x2800, s3  }
0xb: {  	_ =	strace $0x80000050;
	s5 =	ssub.s32 $0x2, s5;
	s8 =	smul.u32 $0xA00, s3  }
0xc: {  	s31 =	sshll.u32 s3, $0x6;
	s29 =	sshrl.u32 s5, $0x1;
	s11 =	sadd.s32 s6, s4  }
0xd: {  	s12 =	ssub.s32 s5, s29;
	s30 =	sshrl.u32 s7, $0x2;
	s6 =	sor.u32 $0x1C05, s31  }
0xe: {  	s14 =	sor.u32 $0x10, s8;
	s7 =	sadd.s32 s9, s8;
	s8 =	sadd.s32 s10, s8  }
0xf: {  	s13 =	sadd.s32 s30, s1;
	s4 =	sadd.s32 $0xD000, s11;
	s9 =	sadd.s32 s9, s14  }
0x10: {  	s10 =	sadd.s32 s10, s14;
	s25 =	sadd.s32 $0x5D000, s11;
	s11 =	smax.u32 s12, $0x1  }
0x11: {  	s14 =	simm.s32 $0x14000;
	s5 =	sadd.s32 s24, s4;
	s12 =	sshrl.u32 s13, $0x3  }
0x12: {  	s13 =	simm.s32 $0x5;
	s24 =	sadd.s32 s24, s25;
	s25 =	simm.s32 $0x4  }
.LBB2_1:
0x13: {  	[spmem:s12], [sflag:s6] =	dma.local [hbm:s5], $0x2800  }
0x14: {  	_ =	swait.ge [sflag:s13], $0x2800  }
0x15: {  	[sflag:s13] =	ssyncset.done $0x0  }
0x16: {  	[sflag:s13] =	ssyncadd.s32 $0xFFFFD800  }
0x17: {  	[bflag:$0x0] =	sbarrier.arrive $0xFFFF  }
0x18: {  	[tilespmem:s14], [sflag:$0x5] =	stream.linear.gather [hbm4b:s7+s2], $0x80, $0x38;
	[tilespmem:$0x1C200] =	vst v63  }
0x19: {  	_ =	swait.ge [sflag:s13], $0x80  }
0x1a: {  	[sflag:s13] =	ssyncset.done $0x0  }
0x1b: {  	[sflag:s13] =	ssyncadd.s32 $0xFFFFFF80  }
0x1c: {  	[tilespmem:s15], [sflag:$0x5] =	stream.linear.gather [hbm4b:s8+s2], $0x80, $0x38;
	[tilespmem:$0x1C200] =	vst v63  }
0x1d: {  	_ =	swait.ge [sflag:s13], $0x80  }
0x1e: {  	[sflag:s13] =	ssyncset.done $0x0  }
0x1f: {  	[sflag:s13] =	ssyncadd.s32 $0xFFFFFF80  }
0x20: {  	[tilespmem:s17], [sflag:$0x1] =	stream.indirect.gather [hbm4b:s4+s16], $0x80, s14, s16, $0xb8;
	[tilespmem:$0x1C200] =	vst v63  }
0x21: {  	_ = 	snop  }
0x22: {  	[tilespmem:s18], [sflag:$0x5] =	stream.linear.gather [hbm4b:s9+s2], $0x80, $0x38;
	[tilespmem:$0x1C200] =	vst v63  }
0x23: {  	_ =	swait.ge [sflag:s13], $0x80  }
0x24: {  	[sflag:s13] =	ssyncset.done $0x0  }
0x25: {  	[sflag:s13] =	ssyncadd.s32 $0xFFFFFF80  }
0x26: {  	[tilespmem:s19], [sflag:$0x5] =	stream.linear.gather [hbm4b:s10+s2], $0x80, $0x38;
	[tilespmem:$0x1C200] =	vst v63  }
0x27: {  	_ =	swait.ge [sflag:s13], $0x80  }
0x28: {  	[sflag:s13] =	ssyncset.done $0x0  }
0x29: {  	[sflag:s13] =	ssyncadd.s32 $0xFFFFFF80  }
0x2a: {  	[tilespmem:s20], [sflag:$0x2] =	stream.indirect.gather [hbm4b:s4+s16], $0x80, s18, s16, $0xb8;
	[tilespmem:$0x1C200] =	vst v63  }
0x2b: {  	_ =	swait.ge [sflag:s21], $0x4000  }
0x2c: {  	[sflag:s21] =	ssyncset.done $0x0  }
0x2d: {  	[sflag:s21] =	ssyncadd.s32 $0xFFFFC000  }
0x2e: {  	[spmem:s1] =	stream.indirect.scatter.add.f32 [tilespmem:s17], [sflag:$0x3], $0x80, s15, s16, $0xb8;
	[tilespmem:$0x1C200] =	vst v63  }
0x2f: {  	_ =	swait.ge [sflag:s22], $0x4000  }
0x30: {  	[sflag:s22] =	ssyncset.done $0x0  }
0x31: {  	[sflag:s22] =	ssyncadd.s32 $0xFFFFC000  }
0x32: {  	[spmem:s1] =	stream.indirect.scatter.add.f32 [tilespmem:s20], [sflag:$0x4], $0x80, s19, s16, $0xb8;
	[tilespmem:$0x1C200] =	vst v63  }
0x33: {  	_ =	swait.ge [sflag:s23], $0x4000  }
0x34: {  	s28 =	sadd.s32 $0xFFFFF620, s7;
	[sflag:s23] =	ssyncset.done $0x0  }
0x35: {  	s29 =	sadd.s32 $0xA00, s28;
	[sflag:s23] =	ssyncadd.s32 $0xFFFFC000  }
0x36: {  	[tilespmem:s14], [sflag:$0x5] =	stream.linear.gather [hbm4b:s29+s2], $0x80, $0x38;
	[tilespmem:$0x1C200] =	vst v63  }
0x37: {  	_ =	swait.ge [sflag:s13], $0x80  }
0x38: {  	s31 =	sadd.s32 $0xFFFFF620, s8;
	[sflag:s13] =	ssyncset.done $0x0  }
0x39: {  	s30 =	sadd.s32 $0xA00, s31;
	[sflag:s13] =	ssyncadd.s32 $0xFFFFFF80  }
0x3a: {  	[tilespmem:s15], [sflag:$0x5] =	stream.linear.gather [hbm4b:s30+s2], $0x80, $0x38;
	[tilespmem:$0x1C200] =	vst v63  }
0x3b: {  	_ =	swait.ge [sflag:s13], $0x80  }
0x3c: {  	[sflag:s13] =	ssyncset.done $0x0  }
0x3d: {  	[sflag:s13] =	ssyncadd.s32 $0xFFFFFF80  }
0x3e: {  	[tilespmem:s17], [sflag:$0x1] =	stream.indirect.gather [hbm4b:s4+s16], $0x80, s14, s16, $0xb8;
	[tilespmem:$0x1C200] =	vst v63  }
0x3f: {  	_ =	swait.ge [sflag:s25], $0x4000  }
0x40: {  	[sflag:s25] =	ssyncset.done $0x0  }
0x41: {  	s28 =	sadd.s32 $0xA10, s28;
	[sflag:s25] =	ssyncadd.s32 $0xFFFFC000  }
0x42: {  	[tilespmem:s18], [sflag:$0x5] =	stream.linear.gather [hbm4b:s28+s2], $0x80, $0x38;
	[tilespmem:$0x1C200] =	vst v63  }
0x43: {  	_ =	swait.ge [sflag:s13], $0x80  }
0x44: {  	[sflag:s13] =	ssyncset.done $0x0  }
0x45: {  	s28 =	sadd.s32 $0xA10, s31;
	[sflag:s13] =	ssyncadd.s32 $0xFFFFFF80  }
0x46: {  	[tilespmem:s19], [sflag:$0x5] =	stream.linear.gather [hbm4b:s28+s2], $0x80, $0x38;
	[tilespmem:$0x1C200] =	vst v63  }
0x47: {  	_ =	swait.ge [sflag:s13], $0x80  }
0x48: {  	[sflag:s13] =	ssyncset.done $0x0  }
0x49: {  	[sflag:s13] =	ssyncadd.s32 $0xFFFFFF80  }
0x4a: {  	[tilespmem:s20], [sflag:$0x2] =	stream.indirect.gather [hbm4b:s4+s16], $0x80, s18, s16, $0xb8;
	[tilespmem:$0x1C200] =	vst v63  }
0x4b: {  	_ =	swait.ge [sflag:s21], $0x4000  }
0x4c: {  	[sflag:s21] =	ssyncset.done $0x0  }
0x4d: {  	[sflag:s21] =	ssyncadd.s32 $0xFFFFC000  }
0x4e: {  	[spmem:s1] =	stream.indirect.scatter.add.f32 [tilespmem:s17], [sflag:$0x3], $0x80, s15, s16, $0xb8;
	[tilespmem:$0x1C200] =	vst v63  }
0x4f: {  	_ =	swait.ge [sflag:s22], $0x4000  }
0x50: {  	[sflag:s22] =	ssyncset.done $0x0  }
0x51: {  	s28 =	simm.s32 $0xFFFFF640;
	[sflag:s22] =	ssyncadd.s32 $0xFFFFC000  }
.LBB2_2:
0x52: {  	[spmem:s1] =	stream.indirect.scatter.add.f32 [tilespmem:s20], [sflag:$0x4], $0x80, s19, s16, $0xb8;
	[tilespmem:$0x1C200] =	vst v63  }
0x53: {  	s29 =	smov.u32 s28  }
0x54: {  	p0 =	sne.s32 s28, $0xFFFFFFE0;
	s28 =	sadd.s32 $0x20, s28;
	_ =	swait.ge [sflag:s23], $0x4000  }
0x55: {  	s30 =	sadd.s32 s29, s7;
	[sflag:s23] =	ssyncset.done $0x0  }
0x56: {  	s31 =	sadd.s32 $0xA00, s30;
	[sflag:s23] =	ssyncadd.s32 $0xFFFFC000  }
0x57: {  	[tilespmem:s14], [sflag:$0x5] =	stream.linear.gather [hbm4b:s31+s2], $0x80, $0x38;
	[tilespmem:$0x1C200] =	vst v63  }
0x58: {  	_ =	swait.ge [sflag:s13], $0x80  }
0x59: {  	s29 =	sadd.s32 s29, s8;
	[sflag:s13] =	ssyncset.done $0x0  }
0x5a: {  	s31 =	sadd.s32 $0xA00, s29;
	[sflag:s13] =	ssyncadd.s32 $0xFFFFFF80  }
0x5b: {  	[tilespmem:s15], [sflag:$0x5] =	stream.linear.gather [hbm4b:s31+s2], $0x80, $0x38;
	[tilespmem:$0x1C200] =	vst v63  }
0x5c: {  	_ =	swait.ge [sflag:s13], $0x80  }
0x5d: {  	[sflag:s13] =	ssyncset.done $0x0  }
0x5e: {  	[sflag:s13] =	ssyncadd.s32 $0xFFFFFF80  }
0x5f: {  	[tilespmem:s17], [sflag:$0x1] =	stream.indirect.gather [hbm4b:s4+s16], $0x80, s14, s16, $0xb8;
	[tilespmem:$0x1C200] =	vst v63  }
0x60: {  	_ =	swait.ge [sflag:s25], $0x4000  }
0x61: {  	[sflag:s25] =	ssyncset.done $0x0  }
0x62: {  	s30 =	sadd.s32 $0xA10, s30;
	[sflag:s25] =	ssyncadd.s32 $0xFFFFC000  }
0x63: {  	[tilespmem:s18], [sflag:$0x5] =	stream.linear.gather [hbm4b:s30+s2], $0x80, $0x38;
	[tilespmem:$0x1C200] =	vst v63  }
0x64: {  	_ =	swait.ge [sflag:s13], $0x80  }
0x65: {  	[sflag:s13] =	ssyncset.done $0x0  }
0x66: {  	s29 =	sadd.s32 $0xA10, s29;
	[sflag:s13] =	ssyncadd.s32 $0xFFFFFF80  }
0x67: {  	[tilespmem:s19], [sflag:$0x5] =	stream.linear.gather [hbm4b:s29+s2], $0x80, $0x38;
	[tilespmem:$0x1C200] =	vst v63  }
0x68: {  	_ =	swait.ge [sflag:s13], $0x80  }
0x69: {  	[sflag:s13] =	ssyncset.done $0x0  }
0x6a: {  	[sflag:s13] =	ssyncadd.s32 $0xFFFFFF80  }
0x6b: {  	[tilespmem:s20], [sflag:$0x2] =	stream.indirect.gather [hbm4b:s4+s16], $0x80, s18, s16, $0xb8;
	[tilespmem:$0x1C200] =	vst v63  }
0x6c: {  	_ =	swait.ge [sflag:s21], $0x4000  }
0x6d: {  	[sflag:s21] =	ssyncset.done $0x0  }
.Ltmp0:
0x6e: {  	[sflag:s21] =	ssyncadd.s32 $0xFFFFC000;
	(pc) =	sbr.rel @p0 .LBB2_2-.Ltmp0, $4  }
0x6f: {  	[spmem:s1] =	stream.indirect.scatter.add.f32 [tilespmem:s17], [sflag:$0x3], $0x80, s15, s16, $0xb8;
	[tilespmem:$0x1C200] =	vst v63  }
0x70: {  	_ =	swait.ge [sflag:s22], $0x4000  }
0x71: {  	[sflag:s22] =	ssyncset.done $0x0  }
0x72: {  	[sflag:s22] =	ssyncadd.s32 $0xFFFFC000  }
0x73: {  	[spmem:s1] =	stream.indirect.scatter.add.f32 [tilespmem:s20], [sflag:$0x4], $0x80, s19, s16, $0xb8;
	[tilespmem:$0x1C200] =	vst v63  }
0x74: {  	_ =	swait.ge [sflag:s23], $0x4000  }
0x75: {  	[sflag:s23] =	ssyncset.done $0x0  }
0x76: {  	[sflag:s23] =	ssyncadd.s32 $0xFFFFC000  }
0x77: {  	_ =	swait.ge [sflag:s25], $0x4000  }
0x78: {  	s26 =	sadd.s32 $0x1, s26;
	[sflag:s25] =	ssyncset.done $0x0  }
0x79: {  	p0 =	sne.s32 s26, s11;
	[sflag:s25] =	ssyncadd.s32 $0xFFFFC000  }
.Ltmp1:
0x7a: {  	[bflag:$0x0] =	sbarrier.arrive $0xFFFF;
	(pc) =	sbr.rel @p0 .LBB2_1-.Ltmp1, $4  }
0x7b: {  	[hbm:s24], [sflag:s6] =	dma.local [spmem:s12], $0x2800  }
0x7c: {  	_ =	swait.ge [sflag:s13], $0x2800  }
0x7d: {  	[sflag:s13] =	ssyncset.done $0x0  }
0x7e: {  	[sflag:s13] =	ssyncadd.s32 $0xFFFFD800  }
0x7f: {  	_ =	sfence.sel $0x180000  }
0x80: {  	[bflag:$0x0] =	sbarrier.arrive $0xFFFF  }
0x81: {  	p0 =	sne.s32 s3, $0x0;
	_ =	strace $0x90000050  }
0x82: {  	s0 =	sadd.s32 @!p0 $0x100000, s0;
	[bflag:$0x2] =	sbarrier.arrive $0xFFFF  }
0x83: {  	[sflag:s0] =	ssyncadd.tile.s32 @!p0 $0x1;
	_ =	shalt  }
.Lfunc_end2:
_tile_overlayer_lowered:
.L_overlay_start_2:
0x84: {  	(tag) =	ssettag $0x2  }
0x85: {  	s0 =	rddreg [dreg:$0x0];
	s2 =	stileid.u32  }
0x86: {  	s1 =	rddreg [dreg:$0x1];
	p0 =	sne.s32 s2, $0x0  }
0x87: {  	s3 =	rddreg [dreg:$0x2];
	[bflag:$0x3] =	sbarrier.arrive $0xFFFF;
	s2 =	simm.s32 @!p0 $0x1C05  }
0x88: {  	[timem:s3], [sflag:s2] =	dma.local @!p0 [hbm:s0], s1  }
0x89: {  	s0 =	simm.s32 @!p0 $0x5  }
0x8a: {  	_ =	swait.ge @!p0 [sflag:s0], s1  }
0x8b: {  	s1 =	ssub.s32 @!p0 $0x0, s1;
	[sflag:s0] =	ssyncset.done @!p0 $0x0  }
0x8c: {  	[sflag:s0] =	ssyncadd.s32 @!p0 s1  }
0x8d: {  	[bflag:$0x3] =	sbarrier.arrive $0xFFFF  }
0x8e: {  	_ =	shalt  }

// kernel: kernel.24.cloned.1.call-start
scs
__scs_entry_jumppad:
0x0: {  	(pc) =	sbr.rel $0x88, $3  }
0x1: {  	(tag) =	ssettag $0x0;
	lr =	simm.s32 $0x1  }
0x2: {  	[smem:$0x3F97] =	sst lr;
	_ =	strace $0xD0000000  }
0x3: {  	_ = 	snop  }
0x4: {  	_ = 	snop  }
0x5: {  	_ = 	snop  }
0x6: {  	_ = 	snop  }
0x7: {  	_ = 	snop  }
__scs_overlays_trampoline_lowered:
0x8: {  	[smem:$0x3FA6] =	sst s0  }
0x9: {  	[smem:$0x3FA7] =	sst s1  }
0xa: {  	[smem:$0x3FA8] =	sst s2  }
0xb: {  	[smem:$0x3FA9] =	sst s3  }
0xc: {  	[smem:$0x3FAA] =	sst s4  }
0xd: {  	[smem:$0x3FAB] =	sst s5  }
0xe: {  	[smem:$0x3FAC] =	sst s6  }
0xf: {  	[smem:$0x3FAD] =	sst s7  }
0x10: {  	[smem:$0x3FAE] =	sst s8  }
0x11: {  	[smem:$0x3FAF] =	sst s9;
	s0 =	simm.s32 @!p0 $0x0  }
0x12: {  	s1 =	sld [smem:$0x3F95];
	s0 =	simm.s32 @p0 $0x1  }
0x13: {  	[smem:$0x3FB0] =	sst s0;
	s0 =	simm.s32 @!p1 $0x0  }
0x14: {  	s2 =	sld [smem:$0x3F94];
	s0 =	simm.s32 @p1 $0x1  }
0x15: {  	[smem:$0x3FB1] =	sst s0;
	s0 =	simm.s32 @!p2 $0x0  }
0x16: {  	s3 =	sld [smem:$0x3FDB];
	s0 =	simm.s32 @p2 $0x1  }
0x17: {  	s4 =	simm.s32 $0x1BF5;
	[smem:$0x3FB3] =	sst s0  }
0x18: {  	s0 =	sld [smem:$0x3F96];
	_ =	swait.ge [sflag:s4], $0x0  }
0x19: {  	s7 =	sld [smem:$0x3F97]  }
0x1a: {  	s8 =	sadd.s32 $0xFFFFE003, lr  }
0x1b: {  	s9 =	sadd.s32 $0xFFFFFEF7, lr;
	s5 =	simm.s32 $0xFFFFFFFF;
	p2 =	slt.u32 s8, $0xFFFFF086  }
0x1c: {  	p1 =	slt.u32 s9, $0xF7A;
	s5 =	simm.s32 @!p2 $0x0  }
0x1d: {  	s5 =	simm.s32 @p1 $0x1;
	p0 =	seq.s32 s7, s2  }
0x1e: {  	s7 =	smul.u32 @!p0 $0xF7A, s2;
	p2 =	seq.s32 @!p0 s5, $0x0  }
0x1f: {  	s9 =	smul.u32 $0xF7A, s1;
	s8 =	simm.s32 @!p0 $0x1BF5;
	p2 =	por !p2, p0  }
0x20: {  	[sflag:s8] =	ssyncset.s32 @!p0 $0xFFFFF086;
	s6 =	sadd.s32 @!p0 s3, s7;
	s7 =	simm.s32 @!p0 $0x108  }
0x21: {  	s3 =	sadd.s32 s3, s9;
	s6 =	sadd.s32 @!p0 $0x88, s6;
	s7 =	simm.s32 @p2 $0x1082  }
0x22: {  	[simem:s7], [sflag:s8] =	dma.local @!p0 [hbm:s6], $0xF7A  }
0x23: {  	s9 =	sor.u32 $0xD0000000, s2;
	s6 =	simm.s32 $0x108;
	_ =	swait.ge @!p0 [sflag:s8], $0x0  }
0x24: {  	s3 =	sadd.s32 $0x88, s3;
	s6 =	simm.s32 @!p1 $0x1082;
	[sflag:s4] =	ssyncset.s32 $0xFFFFF086  }
0x25: {  	[simem:s6], [sflag:s4] =	dma.local [hbm:s3], $0xF7A  }
0x26: {  	[smem:$0x3F97] =	sst s1;
	(tag) =	ssettag s2;
	_ =	strace s9  }
0x27: {  	s1 =	sld [smem:$0x3FA7]  }
0x28: {  	s2 =	sld [smem:$0x3FA8]  }
0x29: {  	s4 =	sld [smem:$0x3FAA]  }
0x2a: {  	p0 =	seq.s32 s5, $0x0;
	s5 =	sld [smem:$0x3FAB]  }
0x2b: {  	s6 =	sld [smem:$0x3FAC]  }
0x2c: {  	s7 =	sld [smem:$0x3FAD]  }
0x2d: {  	s3 =	simm.s32 $0x108;
	s8 =	sld [smem:$0x3FAE]  }
0x2e: {  	s3 =	simm.s32 @!p0 $0x1082;
	s9 =	sld [smem:$0x3FAF]  }
0x2f: {  	lr =	sadd.s32 s0, s3;
	s0 =	sld [smem:$0x3FA6]  }
0x30: {  	s3 =	sld [smem:$0x3FA9]  }
0x31: {  	[smem:$0x3FB2] =	sst s10  }
0x32: {  	s10 =	sld [smem:$0x3FB0];
	_ =	sdelay $0x3  }
0x33: {  	p0 =	seq.s32 s10, $0x1;
	s10 =	sld [smem:$0x3FB2];
	_ =	sdelay $0x3  }
0x34: {  	[smem:$0x3FB2] =	sst s10  }
0x35: {  	s10 =	sld [smem:$0x3FB1];
	_ =	sdelay $0x3  }
0x36: {  	p1 =	seq.s32 s10, $0x1;
	s10 =	sld [smem:$0x3FB2];
	_ =	sdelay $0x3  }
0x37: {  	[smem:$0x3FB2] =	sst s10  }
0x38: {  	s10 =	sld [smem:$0x3FB3]  }
0x39: {  	_ = 	snop;
	(pc) =	sbr.ind lr, $3  }
0x3a: {  	_ = 	snop  }
0x3b: {  	_ = 	snop  }
0x3c: {  	p2 =	seq.s32 s10, $0x1;
	s10 =	sld [smem:$0x3FB2]  }
0x3d: {  	_ =	shalt  }
0x3e: {  	_ =	shalt  }
0x3f: {  	_ =	shalt  }
0x40: {  	_ =	shalt  }
0x41: {  	_ =	shalt  }
0x42: {  	_ =	shalt  }
0x43: {  	_ =	shalt  }
0x44: {  	_ =	shalt  }
0x45: {  	_ =	shalt  }
0x46: {  	_ =	shalt  }
0x47: {  	_ =	shalt  }
0x48: {  	_ =	shalt  }
0x49: {  	_ =	shalt  }
0x4a: {  	_ =	shalt  }
0x4b: {  	_ =	shalt  }
0x4c: {  	_ =	shalt  }
0x4d: {  	_ =	shalt  }
0x4e: {  	_ =	shalt  }
0x4f: {  	_ =	shalt  }
0x50: {  	_ =	shalt  }
0x51: {  	_ =	shalt  }
0x52: {  	_ =	shalt  }
0x53: {  	_ =	shalt  }
0x54: {  	_ =	shalt  }
0x55: {  	_ =	shalt  }
0x56: {  	_ =	shalt  }
0x57: {  	_ =	shalt  }
0x58: {  	_ =	shalt  }
0x59: {  	_ =	shalt  }
0x5a: {  	_ =	shalt  }
0x5b: {  	_ =	shalt  }
0x5c: {  	_ =	shalt  }
0x5d: {  	_ =	shalt  }
0x5e: {  	_ =	shalt  }
0x5f: {  	_ =	shalt  }
0x60: {  	_ =	shalt  }
0x61: {  	_ =	shalt  }
0x62: {  	_ =	shalt  }
0x63: {  	_ =	shalt  }
0x64: {  	_ =	shalt  }
0x65: {  	_ =	shalt  }
0x66: {  	_ =	shalt  }
0x67: {  	_ =	shalt  }
0x68: {  	_ =	shalt  }
0x69: {  	_ =	shalt  }
0x6a: {  	_ =	shalt  }
0x6b: {  	_ =	shalt  }
0x6c: {  	_ =	shalt  }
0x6d: {  	_ =	shalt  }
0x6e: {  	_ =	shalt  }
0x6f: {  	_ =	shalt  }
0x70: {  	_ =	shalt  }
0x71: {  	_ =	shalt  }
0x72: {  	_ =	shalt  }
0x73: {  	_ =	shalt  }
0x74: {  	_ =	shalt  }
0x75: {  	_ =	shalt  }
0x76: {  	_ =	shalt  }
0x77: {  	_ =	shalt  }
0x78: {  	_ =	shalt  }
0x79: {  	_ =	shalt  }
0x7a: {  	_ =	shalt  }
0x7b: {  	_ =	shalt  }
0x7c: {  	_ =	shalt  }
0x7d: {  	_ =	shalt  }
0x7e: {  	_ =	shalt  }
0x7f: {  	_ =	shalt  }
0x80: {  	_ =	shalt  }
0x81: {  	_ =	shalt  }
0x82: {  	_ =	shalt  }
0x83: {  	_ =	shalt  }
0x84: {  	_ =	shalt  }
0x85: {  	_ =	shalt  }
0x86: {  	_ =	shalt  }
0x87: {  	_ =	shalt  }
.Lfunc_end0:
.L_simem_size_0:
called_computation.4_lowered:
.L_overlay_start_0:
0x88: {  	s2 =	sld [smem:$0x3FD9]  }
0x89: {  	s3 =	sld [smem:$0x3FFE];
	_ =	sdelay $0x1  }
0x8a: {  	s1 =	srdreg.scid  }
0x8b: {  	s0 =	sand.u32 $0x1, s1  }
0x8c: {  	s17 =	sshll.u32 s0, $0xA;
	s2 =	sadd.s32 s3, s2  }
0x8d: {  	s2 =	sadd.s32 s2, s17  }
0x8e: {  	[smem:$0x3FBE] =	sst s2  }
0x8f: {  	_ = 	snop  }
0x90: {  	s2 =	sld [smem:$0x3FD0];
	(tm) =	ssettm $0x1  }
0x91: {  	s18 =	sld [smem:$0x3FFB];
	_ =	sdelay $0x3  }
0x92: {  	_ =	strace s18  }
0x93: {  	s3 =	sld [smem:$0x3FFC];
	_ =	sdelay $0x3  }
0x94: {  	_ =	strace s3  }
0x95: {  	s3 =	sld [smem:$0x3FFD];
	_ =	sdelay $0x3  }
0x96: {  	_ =	strace s3  }
0x97: {  	_ =	strace $0x8FFFFFFF  }
0x98: {  	s19 =	sld [smem:$0x3FDB];
	_ =	sdelay $0x1  }
0x99: {  	s4 =	simm.s32 $_scs_section_size  }
0x9a: {  	s5 =	simm.s32 $_size__tile_overlayer_lowered;
	s6 =	simm.s32 $_tile_overlayer_lowered  }
0x9b: {  	s22 =	simm.s32 $0x1BFF;
	s21 =	sshll.u32 s6, $0x1;
	s3 =	sadd.s32 s4, s19  }
0x9c: {  	s7 =	simm.s32 $0x0;
	s20 =	sshll.u32 s5, $0x1;
	s5 =	sadd.s32 s21, s3  }
0x9d: {  	[timem:s7], [sflag:s22] =	dma.local [hbm:s5], s20  }
0x9e: {  	_ =	swait.ge [sflag:s22], s20  }
0x9f: {  	s4 =	ssub.s32 $0x0, s20;
	[sflag:s22] =	ssyncset.done $0x0  }
0xa0: {  	[sflag:s22] =	ssyncadd.s32 s4;
	_ =	sdelay $0x1  }
0xa1: {  	s23 =	simm.s32 $0x1B8B  }
0xa2: {  	_ =	swait.ge [sflag:s23], $0x1  }
0xa3: {  	[sflag:s23] =	ssyncset.done $0x0  }
0xa4: {  	s25 =	simm.s32 $0x1B8E;
	s24 =	sld [smem:$0x3FFE];
	[sflag:s23] =	ssyncadd.s32 $0xFFFFFFFF  }
0xa5: {  	s26 =	simm.s32 $execute0_lowered;
	[smem:$0x3FD2] =	sst s25  }
0xa6: {  	s5 =	sshll.u32 s26, $0x1;
	_ =	strace $0x80000052;
	[dreg:$0x1] =	wrdreg $0xFFFFFFFF  }
0xa7: {  	s28 =	simm.s32 $_size_execute0_lowered;
	s3 =	sadd.s32 s3, s5;
	[dreg:$0x0] =	wrdreg $0x0  }
0xa8: {  	s5 =	sshll.u32 s28, $0x1;
	[dreg:$0x2] =	wrdreg s3  }
0xa9: {  	[dreg:$0x3] =	wrdreg s5  }
0xaa: {  	[dreg:$0x4] =	wrdreg $0xC0  }
0xab: {  	_ =	task [dreg:s7], $0x5FFFF  }
0xac: {  	[dreg:$0x1] =	wrdreg $0xFFFFFFFF  }
0xad: {  	[dreg:$0x0] =	wrdreg $0x60  }
0xae: {  	[dreg:$0x2] =	wrdreg s24  }
0xaf: {  	[dreg:$0x3] =	wrdreg s2  }
0xb0: {  	[dreg:$0x4] =	wrdreg $0x0  }
0xb1: {  	[dreg:$0x5] =	wrdreg $0x9  }
0xb2: {  	_ =	task.clear_ibuf [dreg:s7], $0x6FFFF;
	_ =	strace $0x90000052  }
0xb3: {  	s29 =	simm.s32 $0x9;
	_ =	strace $0x80000054  }
0xb4: {  	_ =	swait.ge [sflag:s29], $0x1  }
0xb5: {  	[sflag:s29] =	ssyncadd.s32 $0xFFFFFFFF  }
0xb6: {  	_ =	strace $0x90000054  }
0xb7: {  	_ =	sfence  }
0xb8: {  	s30 =	sld [smem:$0x0];
	_ =	sdelay $0x2  }
0xb9: {  	s31 =	sshll.u32 s1, $0xD;
	s1 =	sshrl.u32 s1, $0x2  }
0xba: {  	s3 =	sand.u32 $0x4000, s31;
	s1 =	sadd.s32 s1, s30  }
0xbb: {  	s0 =	sor.u32 s3, s0;
	s1 =	sshll.u32 s1, $0x11  }
0xbc: {  	s0 =	sor.u32 s1, s0  }
0xbd: {  	s0 =	sadd.s32 $0x8F2B, s0  }
0xbe: {  	[sflag:s0] =	ssyncadd.remote.s32 $0x1  }
0xbf: {  	_ =	sfence.sel $0xFFFF  }
0xc0: {  	[dreg:$0x0] =	wrdreg $0xFFFFFFFF;
	(pc) =	sbr.abs _section_cstart, $3  }
0xc1: {  	[dreg:$0x1] =	wrdreg $0xFFFFFFFF  }
0xc2: {  	_ =	task.clear_ibuf [dreg:s7], $0x2FFFF;
	_ =	strace $0x9FFFFFFF  }
0xc3: {  	(tm) =	ssettm $0x7FFFFFFF  }
tec
execute0_lowered:
.L_overlay_start_1:
0x0: {  	(tag) =	ssettag $0x1  }
0x1: {  	s3 =	rddreg [dreg:$0x0]  }
0x2: {  	s11 =	rddreg [dreg:$0x1]  }
0x3: {  	s1 =	rddreg [dreg:$0x2];
	s4 =	srdreg.scid  }
0x4: {  	s2 =	simm.s32 $0x0;
	s0 =	stileid.u32;
	s18 =	simm.s32 $0x80  }
0x5: {  	s19 =	simm.s32 $0x14200;
	s20 =	simm.s32 $0x14080;
	s21 =	simm.s32 $0x14180  }
0x6: {  	s22 =	simm.s32 $0x18200;
	s23 =	simm.s32 $0x1;
	s28 =	simm.s32 $0x4  }
0x7: {  	s29 =	simm.s32 $0x0;
	s9 =	sand.u32 $0x1, s4;
	s7 =	smul.u32 $0x50000, s0  }
0x8: {  	[smem:$0x7FF] =	sst s2;
	s4 =	sadd.s32 $0xD000, s3;
	s24 =	smul.u32 $0x2800, s0  }
0x9: {  	s12 =	sadd.s32 $0x3000, s3;
	s30 =	sshll.u32 s0, $0x6;
	s17 =	smul.u32 $0x500, s0  }
0xa: {  	s5 =	smul.u32 $0x28000, s9;
	_ =	strace $0x80000053;
	s6 =	ssub.s32 $0x2, s9  }
0xb: {  	s8 =	sshll.u32 s9, $0x4;
	s16 =	smul.u32 $0x5000, s9;
	s10 =	sshrl.u32 s6, $0x1  }
0xc: {  	s8 =	sor.u32 s0, s8;
	s25 =	sshrl.u32 s7, $0x2;
	s13 =	sadd.s32 s5, s3  }
0xd: {  	s14 =	ssub.s32 s6, s10;
	s26 =	smul.u32 $0x500, s8;
	s15 =	sadd.s32 s25, s1  }
0xe: {  	s5 =	sadd.s32 s4, s5;
	s6 =	sor.u32 $0x1C05, s30;
	s31 =	sadd.s32 s16, s11  }
0xf: {  	s5 =	sadd.s32 s24, s5;
	s25 =	sadd.s32 $0x5D000, s13;
	s13 =	sadd.s32 s17, s31  }
0x10: {  	s7 =	sadd.s32 s11, s26;
	s8 =	sadd.s32 s12, s26;
	s10 =	sor.u32 $0x10, s26  }
0x11: {  	s24 =	sadd.s32 s24, s25;
	s25 =	simm.s32 $0x2;
	s26 =	simm.s32 $0x3  }
0x12: {  	s9 =	sadd.s32 s11, s10;
	s10 =	sadd.s32 s12, s10;
	s12 =	sadd.s32 s16, s12  }
0x13: {  	s11 =	smax.u32 s14, $0x1;
	s14 =	sshrl.u32 s15, $0x3;
	s15 =	simm.s32 $0x5  }
0x14: {  	s16 =	simm.s32 $0x14000;
	s12 =	sadd.s32 s17, s12;
	s17 =	simm.s32 $0x14100  }
.LBB2_1:
0x15: {  	[spmem:s14], [sflag:s6] =	dma.local [hbm:s5], $0x2800  }
0x16: {  	_ =	swait.ge [sflag:s15], $0x2800  }
0x17: {  	[sflag:s15] =	ssyncset.done $0x0  }
0x18: {  	[sflag:s15] =	ssyncadd.s32 $0xFFFFD800  }
0x19: {  	[bflag:$0x0] =	sbarrier.arrive $0xFFFF  }
0x1a: {  	[tilespmem:s16], [sflag:$0x5] =	stream.linear.gather [hbm4b:s7+s2], $0x80, $0x38;
	[tilespmem:$0x1C200] =	vst v63  }
0x1b: {  	_ =	swait.ge [sflag:s15], $0x80  }
0x1c: {  	[sflag:s15] =	ssyncset.done $0x0  }
0x1d: {  	[sflag:s15] =	ssyncadd.s32 $0xFFFFFF80  }
0x1e: {  	[tilespmem:s17], [sflag:$0x5] =	stream.linear.gather [hbm4b:s8+s2], $0x80, $0x38;
	[tilespmem:$0x1C200] =	vst v63  }
0x1f: {  	_ =	swait.ge [sflag:s15], $0x80  }
0x20: {  	[sflag:s15] =	ssyncset.done $0x0  }
0x21: {  	[sflag:s15] =	ssyncadd.s32 $0xFFFFFF80  }
0x22: {  	[tilespmem:s19], [sflag:$0x1] =	stream.indirect.gather [hbm4b:s4+s18], $0x80, s16, s18, $0xb8;
	[tilespmem:$0x1C200] =	vst v63  }
0x23: {  	_ = 	snop  }
0x24: {  	[tilespmem:s20], [sflag:$0x5] =	stream.linear.gather [hbm4b:s9+s2], $0x80, $0x38;
	[tilespmem:$0x1C200] =	vst v63  }
0x25: {  	_ =	swait.ge [sflag:s15], $0x80  }
0x26: {  	[sflag:s15] =	ssyncset.done $0x0  }
0x27: {  	[sflag:s15] =	ssyncadd.s32 $0xFFFFFF80  }
0x28: {  	[tilespmem:s21], [sflag:$0x5] =	stream.linear.gather [hbm4b:s10+s2], $0x80, $0x38;
	[tilespmem:$0x1C200] =	vst v63  }
0x29: {  	_ =	swait.ge [sflag:s15], $0x80  }
0x2a: {  	[sflag:s15] =	ssyncset.done $0x0  }
0x2b: {  	[sflag:s15] =	ssyncadd.s32 $0xFFFFFF80  }
0x2c: {  	[tilespmem:s22], [sflag:$0x2] =	stream.indirect.gather [hbm4b:s4+s18], $0x80, s20, s18, $0xb8;
	[tilespmem:$0x1C200] =	vst v63  }
0x2d: {  	_ =	swait.ge [sflag:s23], $0x4000  }
0x2e: {  	[sflag:s23] =	ssyncset.done $0x0  }
0x2f: {  	[sflag:s23] =	ssyncadd.s32 $0xFFFFC000  }
0x30: {  	[spmem:s1] =	stream.indirect.scatter.add.f32 [tilespmem:s19], [sflag:$0x3], $0x80, s17, s18, $0xb8;
	[tilespmem:$0x1C200] =	vst v63  }
0x31: {  	_ =	swait.ge [sflag:s25], $0x4000  }
0x32: {  	[sflag:s25] =	ssyncset.done $0x0  }
0x33: {  	[sflag:s25] =	ssyncadd.s32 $0xFFFFC000  }
0x34: {  	[spmem:s1] =	stream.indirect.scatter.add.f32 [tilespmem:s22], [sflag:$0x4], $0x80, s21, s18, $0xb8;
	[tilespmem:$0x1C200] =	vst v63  }
0x35: {  	_ =	swait.ge [sflag:s26], $0x4000  }
0x36: {  	s30 =	sadd.s32 $0x0, s13;
	[sflag:s26] =	ssyncset.done $0x0  }
0x37: {  	s31 =	sadd.s32 $0x20, s30;
	[sflag:s26] =	ssyncadd.s32 $0xFFFFC000  }
0x38: {  	[tilespmem:s16], [sflag:$0x5] =	stream.linear.gather [hbm4b:s31+s2], $0x80, $0x38;
	[tilespmem:$0x1C200] =	vst v63  }
0x39: {  	_ =	swait.ge [sflag:s15], $0x80  }
0x3a: {  	s31 =	sadd.s32 $0x0, s12;
	[sflag:s15] =	ssyncset.done $0x0  }
0x3b: {  	s0 =	sadd.s32 $0x20, s31;
	[sflag:s15] =	ssyncadd.s32 $0xFFFFFF80  }
0x3c: {  	[tilespmem:s17], [sflag:$0x5] =	stream.linear.gather [hbm4b:s0+s2], $0x80, $0x38;
	[tilespmem:$0x1C200] =	vst v63  }
0x3d: {  	_ =	swait.ge [sflag:s15], $0x80  }
0x3e: {  	[sflag:s15] =	ssyncset.done $0x0  }
0x3f: {  	[sflag:s15] =	ssyncadd.s32 $0xFFFFFF80  }
0x40: {  	[tilespmem:s19], [sflag:$0x1] =	stream.indirect.gather [hbm4b:s4+s18], $0x80, s16, s18, $0xb8;
	[tilespmem:$0x1C200] =	vst v63  }
0x41: {  	_ =	swait.ge [sflag:s28], $0x4000  }
0x42: {  	[sflag:s28] =	ssyncset.done $0x0  }
0x43: {  	s3 =	sadd.s32 $0x30, s30;
	[sflag:s28] =	ssyncadd.s32 $0xFFFFC000  }
0x44: {  	[tilespmem:s20], [sflag:$0x5] =	stream.linear.gather [hbm4b:s3+s2], $0x80, $0x38;
	[tilespmem:$0x1C200] =	vst v63  }
0x45: {  	_ =	swait.ge [sflag:s15], $0x80  }
0x46: {  	[sflag:s15] =	ssyncset.done $0x0  }
0x47: {  	s31 =	sadd.s32 $0x30, s31;
	[sflag:s15] =	ssyncadd.s32 $0xFFFFFF80  }
0x48: {  	[tilespmem:s21], [sflag:$0x5] =	stream.linear.gather [hbm4b:s31+s2], $0x80, $0x38;
	[tilespmem:$0x1C200] =	vst v63  }
0x49: {  	_ =	swait.ge [sflag:s15], $0x80  }
0x4a: {  	[sflag:s15] =	ssyncset.done $0x0  }
0x4b: {  	[sflag:s15] =	ssyncadd.s32 $0xFFFFFF80  }
0x4c: {  	[tilespmem:s22], [sflag:$0x2] =	stream.indirect.gather [hbm4b:s4+s18], $0x80, s20, s18, $0xb8;
	[tilespmem:$0x1C200] =	vst v63  }
0x4d: {  	_ =	swait.ge [sflag:s23], $0x4000  }
0x4e: {  	[sflag:s23] =	ssyncset.done $0x0  }
0x4f: {  	[sflag:s23] =	ssyncadd.s32 $0xFFFFC000  }
0x50: {  	[spmem:s1] =	stream.indirect.scatter.add.f32 [tilespmem:s19], [sflag:$0x3], $0x80, s17, s18, $0xb8;
	[tilespmem:$0x1C200] =	vst v63  }
0x51: {  	_ =	swait.ge [sflag:s25], $0x4000  }
0x52: {  	[sflag:s25] =	ssyncset.done $0x0  }
0x53: {  	s30 =	simm.s32 $0x20;
	[sflag:s25] =	ssyncadd.s32 $0xFFFFC000  }
.LBB2_2:
0x54: {  	[spmem:s1] =	stream.indirect.scatter.add.f32 [tilespmem:s22], [sflag:$0x4], $0x80, s21, s18, $0xb8;
	[tilespmem:$0x1C200] =	vst v63  }
0x55: {  	s0 =	smov.u32 s30  }
0x56: {  	p0 =	sne.s32 s30, $0x4C0;
	s30 =	sadd.s32 $0x20, s30;
	_ =	swait.ge [sflag:s26], $0x4000  }
0x57: {  	s31 =	sadd.s32 s0, s13;
	[sflag:s26] =	ssyncset.done $0x0  }
0x58: {  	s3 =	sadd.s32 $0x20, s31;
	[sflag:s26] =	ssyncadd.s32 $0xFFFFC000  }
0x59: {  	[tilespmem:s16], [sflag:$0x5] =	stream.linear.gather [hbm4b:s3+s2], $0x80, $0x38;
	[tilespmem:$0x1C200] =	vst v63  }
0x5a: {  	_ =	swait.ge [sflag:s15], $0x80  }
0x5b: {  	s0 =	sadd.s32 s0, s12;
	[sflag:s15] =	ssyncset.done $0x0  }
0x5c: {  	s3 =	sadd.s32 $0x20, s0;
	[sflag:s15] =	ssyncadd.s32 $0xFFFFFF80  }
0x5d: {  	[tilespmem:s17], [sflag:$0x5] =	stream.linear.gather [hbm4b:s3+s2], $0x80, $0x38;
	[tilespmem:$0x1C200] =	vst v63  }
0x5e: {  	_ =	swait.ge [sflag:s15], $0x80  }
0x5f: {  	[sflag:s15] =	ssyncset.done $0x0  }
0x60: {  	[sflag:s15] =	ssyncadd.s32 $0xFFFFFF80  }
0x61: {  	[tilespmem:s19], [sflag:$0x1] =	stream.indirect.gather [hbm4b:s4+s18], $0x80, s16, s18, $0xb8;
	[tilespmem:$0x1C200] =	vst v63  }
0x62: {  	_ =	swait.ge [sflag:s28], $0x4000  }
0x63: {  	[sflag:s28] =	ssyncset.done $0x0  }
0x64: {  	s3 =	sadd.s32 $0x30, s31;
	[sflag:s28] =	ssyncadd.s32 $0xFFFFC000  }
0x65: {  	[tilespmem:s20], [sflag:$0x5] =	stream.linear.gather [hbm4b:s3+s2], $0x80, $0x38;
	[tilespmem:$0x1C200] =	vst v63  }
0x66: {  	_ =	swait.ge [sflag:s15], $0x80  }
0x67: {  	[sflag:s15] =	ssyncset.done $0x0  }
0x68: {  	s0 =	sadd.s32 $0x30, s0;
	[sflag:s15] =	ssyncadd.s32 $0xFFFFFF80  }
0x69: {  	[tilespmem:s21], [sflag:$0x5] =	stream.linear.gather [hbm4b:s0+s2], $0x80, $0x38;
	[tilespmem:$0x1C200] =	vst v63  }
0x6a: {  	_ =	swait.ge [sflag:s15], $0x80  }
0x6b: {  	[sflag:s15] =	ssyncset.done $0x0  }
0x6c: {  	[sflag:s15] =	ssyncadd.s32 $0xFFFFFF80  }
0x6d: {  	[tilespmem:s22], [sflag:$0x2] =	stream.indirect.gather [hbm4b:s4+s18], $0x80, s20, s18, $0xb8;
	[tilespmem:$0x1C200] =	vst v63  }
0x6e: {  	_ =	swait.ge [sflag:s23], $0x4000  }
0x6f: {  	[sflag:s23] =	ssyncset.done $0x0  }
.Ltmp0:
0x70: {  	[sflag:s23] =	ssyncadd.s32 $0xFFFFC000;
	(pc) =	sbr.rel @p0 .LBB2_2-.Ltmp0, $4  }
0x71: {  	[spmem:s1] =	stream.indirect.scatter.add.f32 [tilespmem:s19], [sflag:$0x3], $0x80, s17, s18, $0xb8;
	[tilespmem:$0x1C200] =	vst v63  }
0x72: {  	_ =	swait.ge [sflag:s25], $0x4000  }
0x73: {  	[sflag:s25] =	ssyncset.done $0x0  }
0x74: {  	[sflag:s25] =	ssyncadd.s32 $0xFFFFC000  }
0x75: {  	[spmem:s1] =	stream.indirect.scatter.add.f32 [tilespmem:s22], [sflag:$0x4], $0x80, s21, s18, $0xb8;
	[tilespmem:$0x1C200] =	vst v63  }
0x76: {  	_ =	swait.ge [sflag:s26], $0x4000  }
0x77: {  	[sflag:s26] =	ssyncset.done $0x0  }
0x78: {  	[sflag:s26] =	ssyncadd.s32 $0xFFFFC000  }
0x79: {  	_ =	swait.ge [sflag:s28], $0x4000  }
0x7a: {  	s29 =	sadd.s32 $0x1, s29;
	[sflag:s28] =	ssyncset.done $0x0  }
0x7b: {  	p0 =	sne.s32 s29, s11;
	[sflag:s28] =	ssyncadd.s32 $0xFFFFC000  }
.Ltmp1:
0x7c: {  	[bflag:$0x0] =	sbarrier.arrive $0xFFFF;
	(pc) =	sbr.rel @p0 .LBB2_1-.Ltmp1, $4  }
0x7d: {  	[hbm:s24], [sflag:s6] =	dma.local [spmem:s14], $0x2800  }
0x7e: {  	_ =	swait.ge [sflag:s15], $0x2800  }
0x7f: {  	[sflag:s15] =	ssyncset.done $0x0  }
0x80: {  	[sflag:s15] =	ssyncadd.s32 $0xFFFFD800  }
0x81: {  	_ =	sfence.sel $0x180000  }
0x82: {  	[bflag:$0x0] =	sbarrier.arrive $0xFFFF  }
0x83: {  	_ =	strace $0x90000053  }
0x84: {  	s0 =	stileid.u32;
	[bflag:$0x2] =	sbarrier.arrive $0xFFFF  }
0x85: {  	p0 =	sne.s32 s0, $0x0;
	s0 =	rddreg [dreg:$0x3]  }
0x86: {  	s0 =	sadd.s32 @!p0 $0x100000, s0  }
0x87: {  	[sflag:s0] =	ssyncadd.tile.s32 @!p0 $0x1;
	_ =	shalt  }
.Lfunc_end2:
_tile_overlayer_lowered:
.L_overlay_start_2:
0x88: {  	(tag) =	ssettag $0x2  }
0x89: {  	s0 =	rddreg [dreg:$0x0];
	s2 =	stileid.u32  }
0x8a: {  	s1 =	rddreg [dreg:$0x1];
	p0 =	sne.s32 s2, $0x0  }
0x8b: {  	s3 =	rddreg [dreg:$0x2];
	[bflag:$0x3] =	sbarrier.arrive $0xFFFF;
	s2 =	simm.s32 @!p0 $0x1C05  }
0x8c: {  	[timem:s3], [sflag:s2] =	dma.local @!p0 [hbm:s0], s1  }
0x8d: {  	s0 =	simm.s32 @!p0 $0x5  }
0x8e: {  	_ =	swait.ge @!p0 [sflag:s0], s1  }
0x8f: {  	s1 =	ssub.s32 @!p0 $0x0, s1;
	[sflag:s0] =	ssyncset.done @!p0 $0x0  }
0x90: {  	[sflag:s0] =	ssyncadd.s32 @!p0 s1  }
0x91: {  	[bflag:$0x3] =	sbarrier.arrive $0xFFFF  }
0x92: {  	_ =	shalt  }

</sc_bundles>
